<compile_context>
chip_gen: v7x
topology: tpu7x:2x2x1
jax: 0.10.2.dev20260603
libtpu: 0.0.44.dev20260713+nightly
codegen_flags: <defaults>
</compile_context>

<pallas_src>
import functools
import jax
import jax.numpy as jnp
from jax import lax
from jax.experimental import pallas as pl
from jax.experimental.pallas import tpu as pltpu
from jax.experimental.pallas import tpu_sc as plsc

MAX_STEPS = 204.0
L = 16
HEAD = 16
TAIL = 16
U = 8
Q = 4


def _make_sc_shift(R, T, C):
    info = plsc.get_sparse_core_info()
    NC, NS = info.num_cores, info.num_subcores
    NW = NC * NS
    assert R % (Q * NW) == 0 and C % L == 0
    nchunks = T // L
    n_int = nchunks - HEAD - TAIL
    assert T % L == 0 and n_int % U == 0 and HEAD * L >= MAX_STEPS + 1
    rows_per = R // NW
    quads = rows_per // Q

    mesh = plsc.VectorSubcoreMesh(core_axis_name="c", subcore_axis_name="s")

    @functools.partial(
        pl.kernel,
        mesh=mesh,
        out_type=jax.ShapeDtypeStruct((R, T), jnp.float32),
        compiler_params=pltpu.CompilerParams(needs_layout_passes=False),
        scratch_types=[
            pltpu.VMEM((C,), jnp.float32),
            pltpu.VMEM((C,), jnp.int32),
            pltpu.VMEM((C,), jnp.float32),
            [pltpu.VMEM((T,), jnp.float32) for _ in range(Q)],
            [pltpu.VMEM((T,), jnp.float32) for _ in range(Q)],
            [pltpu.SemaphoreType.DMA for _ in range(Q)],
            [pltpu.SemaphoreType.DMA for _ in range(Q)],
        ],
    )
    def sc_shift(x_hbm, shift_hbm, out_hbm, shiftv, kbuf, abuf, ins, obs,
                 sis, sos):
        wid = lax.axis_index("s") * NC + lax.axis_index("c")
        pltpu.sync_copy(shift_hbm, shiftv)

        for i in range(C // L):
            p = shiftv[pl.ds(i * L, L)]
            e = jnp.exp(-2.0 * jnp.abs(p))
            s = jnp.sign(p) * ((1.0 - e) / (1.0 + e)) * MAX_STEPS
            tr = s.astype(jnp.int32)
            kf = jnp.where(tr.astype(jnp.float32) > s, tr - 1, tr)
            kbuf[pl.ds(i * L, L)] = kf
            abuf[pl.ds(i * L, L)] = s - kf.astype(jnp.float32)

        iota = lax.iota(jnp.int32, L)
        base_row = wid * rows_per

        def row_params(row):
            ch = jnp.full((L,), lax.rem(row, C), jnp.int32)
            av = plsc.load_gather(abuf, [ch])
            base = plsc.load_gather(kbuf, [ch]) + iota
            return av, 1.0 - av, base

        def clip_chunk(inb, ob, av, bv, base, t):
            t = pl.multiple_of(t, L)
            idx = base + t
            i0 = jnp.minimum(jnp.maximum(idx, 0), T - 1)
            i1 = jnp.minimum(jnp.maximum(idx + 1, 0), T - 1)
            v0 = plsc.load_gather(inb, [i0])
            v1 = plsc.load_gather(inb, [i1])
            ob[pl.ds(t, L)] = bv * v0 + av * v1

        def compute_row(inb, ob, av, bv, base):
            @plsc.parallel_loop(0, HEAD, unroll=8)
            def _(ci):
                clip_chunk(inb, ob, av, bv, base, ci * L)

            @plsc.parallel_loop(HEAD, nchunks - TAIL, unroll=U)
            def _(ci):
                t = pl.multiple_of(ci * L, L)
                i0 = base + t
                v0 = plsc.load_gather(inb, [i0])
                v1 = plsc.load_gather(inb, [i0 + 1])
                ob[pl.ds(t, L)] = bv * v0 + av * v1

            @plsc.parallel_loop(nchunks - TAIL, nchunks, unroll=8)
            def _(ci):
                clip_chunk(inb, ob, av, bv, base, ci * L)

        for u in range(Q - 1):
            pltpu.make_async_copy(x_hbm.at[base_row + u], ins[u], sis[u]).start()

        def quad_body(q, _):
            r0 = base_row + Q * q
            j0 = Q * q
            for u in range(Q):
                r = r0 + u
                nxt = (u + Q - 1) % Q

                @pl.when(j0 + u + Q - 1 < rows_per)
                def _():
                    pltpu.make_async_copy(
                        x_hbm.at[r + Q - 1], ins[nxt], sis[nxt]).start()

                pltpu.make_async_copy(x_hbm.at[r], ins[u], sis[u]).wait()
                av, bv, base = row_params(r)

                @pl.when(j0 + u >= Q)
                def _():
                    pltpu.make_async_copy(
                        obs[u], out_hbm.at[r], sos[u]).wait()

                compute_row(ins[u], obs[u], av, bv, base)
                pltpu.make_async_copy(
                    obs[u], out_hbm.at[r], sos[u]).start()
            return 0

        lax.fori_loop(0, quads, quad_body, 0)
        for u in range(Q):
            pltpu.make_async_copy(
                obs[u], out_hbm.at[base_row + u], sos[u]).wait()

    return sc_shift


def kernel(x, shift_param):
    B, C, T = x.shape
    xr = x.reshape(B * C, T)
    sp = shift_param.reshape(C).astype(jnp.float32)
    out = _make_sc_shift(B * C, T, C)(xr, sp)
    return out.reshape(B, C, T)

# --- scband reference (transcript-rebuilt; emitter-appended) ---
"""Pipeline reference for scband-learnable-temporal-shift-33973191311520 (READ-ONLY COPY).

The authoritative reference and input builder live on the scoring server;
editing this copy changes nothing except your own understanding.
"""

import jax, jax.numpy as jnp
import numpy as np

MAX_SHIFT_STEPS = int(0.2 * 1024)  # 204

def setup_inputs(seed: int = 0) -> dict:
    key = jax.random.key(seed)
    k1, k2 = jax.random.split(key)
    x = jax.random.normal(k1, (32, 128, 8192), dtype=jnp.float32)
    shift_param = jax.random.normal(k2, (1, 128, 1), dtype=jnp.float32) * 0.1
    return {"x": x, "shift_param": shift_param}

def reference(x, shift_param):
    B, C, T = x.shape
    shift_steps = jnp.tanh(shift_param) * MAX_SHIFT_STEPS  # [1, C, 1]
    base_grid = jnp.arange(T, dtype=jnp.float32).reshape(1, 1, T)
    new_grid = base_grid + shift_steps  # [1, C, T]
    floor_grid = jnp.floor(new_grid)
    idx_floor = floor_grid.astype(jnp.int32)
    idx_ceil = idx_floor + 1
    alpha = new_grid - floor_grid  # [1, C, T]
    idx_floor = jnp.clip(idx_floor, 0, T - 1)
    idx_ceil = jnp.clip(idx_ceil, 0, T - 1)
    idx_floor_b = jnp.broadcast_to(idx_floor, (B, C, T))
    idx_ceil_b = jnp.broadcast_to(idx_ceil, (B, C, T))
    alpha_b = jnp.broadcast_to(alpha, (B, C, T))
    val_floor = jnp.take_along_axis(x, idx_floor_b, axis=2)
    val_ceil = jnp.take_along_axis(x, idx_ceil_b, axis=2)
    x_shifted = (1.0 - alpha_b) * val_floor + alpha_b * val_ceil
    return x_shifted

if __name__ == "__main__":
    import jax
    _d = setup_inputs()
    print(jax.jit(kernel)(*tuple(_d.values())))

</pallas_src>

<mosaic_0001>
#map = affine_map<(d0, d1) -> (0, 0)>
#map1 = affine_map<(d0, d1) -> (0)>
module attributes {stable_mosaic.version = 14 : i64} {
  func.func @sc_shift(%arg0: i32, %arg1: i32, %arg2: memref<4096x8192xf32, #tpu.memory_space<hbm>>, %arg3: memref<128xf32, #tpu.memory_space<hbm>>, %arg4: memref<4096x8192xf32, #tpu.memory_space<hbm>>, %arg5: memref<128xf32, #tpu.memory_space<vmem>>, %arg6: memref<128xi32, #tpu.memory_space<vmem>>, %arg7: memref<128xf32, #tpu.memory_space<vmem>>, %arg8: memref<8192xf32, #tpu.memory_space<vmem>>, %arg9: memref<8192xf32, #tpu.memory_space<vmem>>, %arg10: memref<8192xf32, #tpu.memory_space<vmem>>, %arg11: memref<8192xf32, #tpu.memory_space<vmem>>, %arg12: memref<8192xf32, #tpu.memory_space<vmem>>, %arg13: memref<8192xf32, #tpu.memory_space<vmem>>, %arg14: memref<8192xf32, #tpu.memory_space<vmem>>, %arg15: memref<8192xf32, #tpu.memory_space<vmem>>, %arg16: memref<!tpu.dma_semaphore, #tpu.memory_space<semaphore_mem>>, %arg17: memref<!tpu.dma_semaphore, #tpu.memory_space<semaphore_mem>>, %arg18: memref<!tpu.dma_semaphore, #tpu.memory_space<semaphore_mem>>, %arg19: memref<!tpu.dma_semaphore, #tpu.memory_space<semaphore_mem>>, %arg20: memref<!tpu.dma_semaphore, #tpu.memory_space<semaphore_mem>>, %arg21: memref<!tpu.dma_semaphore, #tpu.memory_space<semaphore_mem>>, %arg22: memref<!tpu.dma_semaphore, #tpu.memory_space<semaphore_mem>>, %arg23: memref<!tpu.dma_semaphore, #tpu.memory_space<semaphore_mem>>) attributes {dimension_semantics = [#tpu.dimension_semantics<core_parallel>, #tpu.dimension_semantics<subcore_parallel>], iteration_bounds = array<i64: 2, 16>, scalar_prefetch = 0 : i64, scratch_operands = 19 : i64, tpu.core_type = #tpu.core_type<sc_vector_subcore>, window_params = [{transform_indices = #map}, {transform_indices = #map1}, {transform_indices = #map}]} {
    %mul3A = arith.constant 2 : i32
    %mul3A_0 = arith.muli %arg1, %mul3A : i32
    %add3A = arith.addi %mul3A_0, %arg0 : i32
    "tpu.region"() ({
      %run_scoped3A = tpu.sem_alloc : memref<!tpu.dma_semaphore, #tpu.memory_space<semaphore_mem>>
      tpu.enqueue_dma source(%arg3 : memref<128xf32, #tpu.memory_space<hbm>>) target(%arg5 : memref<128xf32, #tpu.memory_space<vmem>>) target_semaphore(%run_scoped3A : memref<!tpu.dma_semaphore, #tpu.memory_space<semaphore_mem>>)
      tpu.wait_dma2 semaphore(%run_scoped3A : memref<!tpu.dma_semaphore, #tpu.memory_space<semaphore_mem>>) src(%arg3 : memref<128xf32, #tpu.memory_space<hbm>>) dst(%arg5 : memref<128xf32, #tpu.memory_space<vmem>>)
      tpu.yield
    }) : () -> ()
    %get3A = arith.constant 0 : index
    %get3A_1 = tpu.vector_load %arg5[%get3A] {strides = array<i32>} : memref<128xf32, #tpu.memory_space<vmem>>, vector<16xf32>,
    %abs3A = math.absf %get3A_1 : vector<16xf32>
    %mul3A_2 = arith.constant -2.000000e+00 : f32
    %mul3A_3 = vector.broadcast %mul3A_2 : f32 to vector<16xf32>
    %mul3A_4 = arith.mulf %mul3A_3, %abs3A : vector<16xf32>
    %exp3A = math.exp %mul3A_4 : vector<16xf32>
    %sign3A = tpu.bitcast %get3A_1 : vector<16xf32> -> vector<16xi32>
    %sign3A_5 = arith.constant -2147483648 : i32
    %sign3A_6 = vector.broadcast %sign3A_5 : i32 to vector<16xi32>
    %sign3A_7 = arith.andi %sign3A, %sign3A_6 : vector<16xi32>
    %sign3A_8 = arith.constant 1065353216 : i32
    %sign3A_9 = vector.broadcast %sign3A_8 : i32 to vector<16xi32>
    %sign3A_10 = arith.ori %sign3A_9, %sign3A_7 : vector<16xi32>
    %sign3A_11 = tpu.bitcast %sign3A_10 : vector<16xi32> -> vector<16xf32>
    %sign3A_12 = math.absf %get3A_1 : vector<16xf32>
    %sign3A_13 = arith.constant 0.000000e+00 : f32
    %sign3A_14 = vector.broadcast %sign3A_13 : f32 to vector<16xf32>
    %sign3A_15 = arith.cmpf ogt, %sign3A_12, %sign3A_14 : vector<16xf32>
    %sign3A_16 = arith.select %sign3A_15, %sign3A_11, %get3A_1 : vector<16xi1>, vector<16xf32>
    %sub3A = arith.constant 1.000000e+00 : f32
    %sub3A_17 = vector.broadcast %sub3A : f32 to vector<16xf32>
    %sub3A_18 = arith.subf %sub3A_17, %exp3A : vector<16xf32>
    %add3A_19 = arith.constant 1.000000e+00 : f32
    %add3A_20 = vector.broadcast %add3A_19 : f32 to vector<16xf32>
    %add3A_21 = arith.addf %add3A_20, %exp3A : vector<16xf32>
    %div3A = arith.divf %sub3A_18, %add3A_21 : vector<16xf32>
    %mul3A_22 = arith.mulf %sign3A_16, %div3A : vector<16xf32>
    %mul3A_23 = arith.constant 2.040000e+02 : f32
    %mul3A_24 = vector.broadcast %mul3A_23 : f32 to vector<16xf32>
    %mul3A_25 = arith.mulf %mul3A_22, %mul3A_24 : vector<16xf32>
    %convert_element_type3A = arith.fptosi %mul3A_25 : vector<16xf32> to vector<16xi32>
    %convert_element_type3A_26 = arith.sitofp %convert_element_type3A : vector<16xi32> to vector<16xf32>
    %gt3A = arith.cmpf ogt, %convert_element_type3A_26, %mul3A_25 : vector<16xf32>
    %sub3A_27 = arith.constant 1 : i32
    %sub3A_28 = vector.broadcast %sub3A_27 : i32 to vector<16xi32>
    %sub3A_29 = arith.subi %convert_element_type3A, %sub3A_28 : vector<16xi32>
    %select_n3A = arith.select %gt3A, %sub3A_29, %convert_element_type3A : vector<16xi1>, vector<16xi32>
    %swap3A = arith.constant 0 : index
    %swap3A_30 = tpu.vector_load %arg6[%swap3A] {strides = array<i32>} : memref<128xi32, #tpu.memory_space<vmem>>, vector<16xi32>,
    tpu.vector_store %arg6[%swap3A], %select_n3A {strides = array<i32>} : memref<128xi32, #tpu.memory_space<vmem>>, vector<16xi32>,
    %convert_element_type3A_31 = arith.sitofp %select_n3A : vector<16xi32> to vector<16xf32>
    %sub3A_32 = arith.subf %mul3A_25, %convert_element_type3A_31 : vector<16xf32>
    %swap3A_33 = arith.constant 0 : index
    %swap3A_34 = tpu.vector_load %arg7[%swap3A_33] {strides = array<i32>} : memref<128xf32, #tpu.memory_space<vmem>>, vector<16xf32>,
    tpu.vector_store %arg7[%swap3A_33], %sub3A_32 {strides = array<i32>} : memref<128xf32, #tpu.memory_space<vmem>>, vector<16xf32>,
    %get3A_35 = arith.constant 16 : index
    %get3A_36 = tpu.vector_load %arg5[%get3A_35] {strides = array<i32>} : memref<128xf32, #tpu.memory_space<vmem>>, vector<16xf32>,
    %abs3A_37 = math.absf %get3A_36 : vector<16xf32>
    %mul3A_38 = arith.constant -2.000000e+00 : f32
    %mul3A_39 = vector.broadcast %mul3A_38 : f32 to vector<16xf32>
    %mul3A_40 = arith.mulf %mul3A_39, %abs3A_37 : vector<16xf32>
    %exp3A_41 = math.exp %mul3A_40 : vector<16xf32>
    %sign3A_42 = tpu.bitcast %get3A_36 : vector<16xf32> -> vector<16xi32>
    %sign3A_43 = arith.constant -2147483648 : i32
    %sign3A_44 = vector.broadcast %sign3A_43 : i32 to vector<16xi32>
    %sign3A_45 = arith.andi %sign3A_42, %sign3A_44 : vector<16xi32>
    %sign3A_46 = arith.constant 1065353216 : i32
    %sign3A_47 = vector.broadcast %sign3A_46 : i32 to vector<16xi32>
    %sign3A_48 = arith.ori %sign3A_47, %sign3A_45 : vector<16xi32>
    %sign3A_49 = tpu.bitcast %sign3A_48 : vector<16xi32> -> vector<16xf32>
    %sign3A_50 = math.absf %get3A_36 : vector<16xf32>
    %sign3A_51 = arith.constant 0.000000e+00 : f32
    %sign3A_52 = vector.broadcast %sign3A_51 : f32 to vector<16xf32>
    %sign3A_53 = arith.cmpf ogt, %sign3A_50, %sign3A_52 : vector<16xf32>
    %sign3A_54 = arith.select %sign3A_53, %sign3A_49, %get3A_36 : vector<16xi1>, vector<16xf32>
    %sub3A_55 = arith.constant 1.000000e+00 : f32
    %sub3A_56 = vector.broadcast %sub3A_55 : f32 to vector<16xf32>
    %sub3A_57 = arith.subf %sub3A_56, %exp3A_41 : vector<16xf32>
    %add3A_58 = arith.constant 1.000000e+00 : f32
    %add3A_59 = vector.broadcast %add3A_58 : f32 to vector<16xf32>
    %add3A_60 = arith.addf %add3A_59, %exp3A_41 : vector<16xf32>
    %div3A_61 = arith.divf %sub3A_57, %add3A_60 : vector<16xf32>
    %mul3A_62 = arith.mulf %sign3A_54, %div3A_61 : vector<16xf32>
    %mul3A_63 = arith.constant 2.040000e+02 : f32
    %mul3A_64 = vector.broadcast %mul3A_63 : f32 to vector<16xf32>
    %mul3A_65 = arith.mulf %mul3A_62, %mul3A_64 : vector<16xf32>
    %convert_element_type3A_66 = arith.fptosi %mul3A_65 : vector<16xf32> to vector<16xi32>
    %convert_element_type3A_67 = arith.sitofp %convert_element_type3A_66 : vector<16xi32> to vector<16xf32>
    %gt3A_68 = arith.cmpf ogt, %convert_element_type3A_67, %mul3A_65 : vector<16xf32>
    %sub3A_69 = arith.constant 1 : i32
    %sub3A_70 = vector.broadcast %sub3A_69 : i32 to vector<16xi32>
    %sub3A_71 = arith.subi %convert_element_type3A_66, %sub3A_70 : vector<16xi32>
    %select_n3A_72 = arith.select %gt3A_68, %sub3A_71, %convert_element_type3A_66 : vector<16xi1>, vector<16xi32>
    %swap3A_73 = arith.constant 16 : index
    %swap3A_74 = tpu.vector_load %arg6[%swap3A_73] {strides = array<i32>} : memref<128xi32, #tpu.memory_space<vmem>>, vector<16xi32>,
    tpu.vector_store %arg6[%swap3A_73], %select_n3A_72 {strides = array<i32>} : memref<128xi32, #tpu.memory_space<vmem>>, vector<16xi32>,
    %convert_element_type3A_75 = arith.sitofp %select_n3A_72 : vector<16xi32> to vector<16xf32>
    %sub3A_76 = arith.subf %mul3A_65, %convert_element_type3A_75 : vector<16xf32>
    %swap3A_77 = arith.constant 16 : index
    %swap3A_78 = tpu.vector_load %arg7[%swap3A_77] {strides = array<i32>} : memref<128xf32, #tpu.memory_space<vmem>>, vector<16xf32>,
    tpu.vector_store %arg7[%swap3A_77], %sub3A_76 {strides = array<i32>} : memref<128xf32, #tpu.memory_space<vmem>>, vector<16xf32>,
    %get3A_79 = arith.constant 32 : index
    %get3A_80 = tpu.vector_load %arg5[%get3A_79] {strides = array<i32>} : memref<128xf32, #tpu.memory_space<vmem>>, vector<16xf32>,
    %abs3A_81 = math.absf %get3A_80 : vector<16xf32>
    %mul3A_82 = arith.constant -2.000000e+00 : f32
    %mul3A_83 = vector.broadcast %mul3A_82 : f32 to vector<16xf32>
    %mul3A_84 = arith.mulf %mul3A_83, %abs3A_81 : vector<16xf32>
    %exp3A_85 = math.exp %mul3A_84 : vector<16xf32>
    %sign3A_86 = tpu.bitcast %get3A_80 : vector<16xf32> -> vector<16xi32>
    %sign3A_87 = arith.constant -2147483648 : i32
    %sign3A_88 = vector.broadcast %sign3A_87 : i32 to vector<16xi32>
    %sign3A_89 = arith.andi %sign3A_86, %sign3A_88 : vector<16xi32>
    %sign3A_90 = arith.constant 1065353216 : i32
    %sign3A_91 = vector.broadcast %sign3A_90 : i32 to vector<16xi32>
    %sign3A_92 = arith.ori %sign3A_91, %sign3A_89 : vector<16xi32>
    %sign3A_93 = tpu.bitcast %sign3A_92 : vector<16xi32> -> vector<16xf32>
    %sign3A_94 = math.absf %get3A_80 : vector<16xf32>
    %sign3A_95 = arith.constant 0.000000e+00 : f32
    %sign3A_96 = vector.broadcast %sign3A_95 : f32 to vector<16xf32>
    %sign3A_97 = arith.cmpf ogt, %sign3A_94, %sign3A_96 : vector<16xf32>
    %sign3A_98 = arith.select %sign3A_97, %sign3A_93, %get3A_80 : vector<16xi1>, vector<16xf32>
    %sub3A_99 = arith.constant 1.000000e+00 : f32
    %sub3A_100 = vector.broadcast %sub3A_99 : f32 to vector<16xf32>
    %sub3A_101 = arith.subf %sub3A_100, %exp3A_85 : vector<16xf32>
    %add3A_102 = arith.constant 1.000000e+00 : f32
    %add3A_103 = vector.broadcast %add3A_102 : f32 to vector<16xf32>
    %add3A_104 = arith.addf %add3A_103, %exp3A_85 : vector<16xf32>
    %div3A_105 = arith.divf %sub3A_101, %add3A_104 : vector<16xf32>
    %mul3A_106 = arith.mulf %sign3A_98, %div3A_105 : vector<16xf32>
    %mul3A_107 = arith.constant 2.040000e+02 : f32
    %mul3A_108 = vector.broadcast %mul3A_107 : f32 to vector<16xf32>
    %mul3A_109 = arith.mulf %mul3A_106, %mul3A_108 : vector<16xf32>
    %convert_element_type3A_110 = arith.fptosi %mul3A_109 : vector<16xf32> to vector<16xi32>
    %convert_element_type3A_111 = arith.sitofp %convert_element_type3A_110 : vector<16xi32> to vector<16xf32>
    %gt3A_112 = arith.cmpf ogt, %convert_element_type3A_111, %mul3A_109 : vector<16xf32>
    %sub3A_113 = arith.constant 1 : i32
    %sub3A_114 = vector.broadcast %sub3A_113 : i32 to vector<16xi32>
    %sub3A_115 = arith.subi %convert_element_type3A_110, %sub3A_114 : vector<16xi32>
    %select_n3A_116 = arith.select %gt3A_112, %sub3A_115, %convert_element_type3A_110 : vector<16xi1>, vector<16xi32>
    %swap3A_117 = arith.constant 32 : index
    %swap3A_118 = tpu.vector_load %arg6[%swap3A_117] {strides = array<i32>} : memref<128xi32, #tpu.memory_space<vmem>>, vector<16xi32>,
    tpu.vector_store %arg6[%swap3A_117], %select_n3A_116 {strides = array<i32>} : memref<128xi32, #tpu.memory_space<vmem>>, vector<16xi32>,
    %convert_element_type3A_119 = arith.sitofp %select_n3A_116 : vector<16xi32> to vector<16xf32>
    %sub3A_120 = arith.subf %mul3A_109, %convert_element_type3A_119 : vector<16xf32>
    %swap3A_121 = arith.constant 32 : index
    %swap3A_122 = tpu.vector_load %arg7[%swap3A_121] {strides = array<i32>} : memref<128xf32, #tpu.memory_space<vmem>>, vector<16xf32>,
    tpu.vector_store %arg7[%swap3A_121], %sub3A_120 {strides = array<i32>} : memref<128xf32, #tpu.memory_space<vmem>>, vector<16xf32>,
    %get3A_123 = arith.constant 48 : index
    %get3A_124 = tpu.vector_load %arg5[%get3A_123] {strides = array<i32>} : memref<128xf32, #tpu.memory_space<vmem>>, vector<16xf32>,
    %abs3A_125 = math.absf %get3A_124 : vector<16xf32>
    %mul3A_126 = arith.constant -2.000000e+00 : f32
    %mul3A_127 = vector.broadcast %mul3A_126 : f32 to vector<16xf32>
    %mul3A_128 = arith.mulf %mul3A_127, %abs3A_125 : vector<16xf32>
    %exp3A_129 = math.exp %mul3A_128 : vector<16xf32>
    %sign3A_130 = tpu.bitcast %get3A_124 : vector<16xf32> -> vector<16xi32>
    %sign3A_131 = arith.constant -2147483648 : i32
    %sign3A_132 = vector.broadcast %sign3A_131 : i32 to vector<16xi32>
    %sign3A_133 = arith.andi %sign3A_130, %sign3A_132 : vector<16xi32>
    %sign3A_134 = arith.constant 1065353216 : i32
    %sign3A_135 = vector.broadcast %sign3A_134 : i32 to vector<16xi32>
    %sign3A_136 = arith.ori %sign3A_135, %sign3A_133 : vector<16xi32>
    %sign3A_137 = tpu.bitcast %sign3A_136 : vector<16xi32> -> vector<16xf32>
    %sign3A_138 = math.absf %get3A_124 : vector<16xf32>
    %sign3A_139 = arith.constant 0.000000e+00 : f32
    %sign3A_140 = vector.broadcast %sign3A_139 : f32 to vector<16xf32>
    %sign3A_141 = arith.cmpf ogt, %sign3A_138, %sign3A_140 : vector<16xf32>
    %sign3A_142 = arith.select %sign3A_141, %sign3A_137, %get3A_124 : vector<16xi1>, vector<16xf32>
    %sub3A_143 = arith.constant 1.000000e+00 : f32
    %sub3A_144 = vector.broadcast %sub3A_143 : f32 to vector<16xf32>
    %sub3A_145 = arith.subf %sub3A_144, %exp3A_129 : vector<16xf32>
    %add3A_146 = arith.constant 1.000000e+00 : f32
    %add3A_147 = vector.broadcast %add3A_146 : f32 to vector<16xf32>
    %add3A_148 = arith.addf %add3A_147, %exp3A_129 : vector<16xf32>
    %div3A_149 = arith.divf %sub3A_145, %add3A_148 : vector<16xf32>
    %mul3A_150 = arith.mulf %sign3A_142, %div3A_149 : vector<16xf32>
    %mul3A_151 = arith.constant 2.040000e+02 : f32
    %mul3A_152 = vector.broadcast %mul3A_151 : f32 to vector<16xf32>
    %mul3A_153 = arith.mulf %mul3A_150, %mul3A_152 : vector<16xf32>
    %convert_element_type3A_154 = arith.fptosi %mul3A_153 : vector<16xf32> to vector<16xi32>
    %convert_element_type3A_155 = arith.sitofp %convert_element_type3A_154 : vector<16xi32> to vector<16xf32>
    %gt3A_156 = arith.cmpf ogt, %convert_element_type3A_155, %mul3A_153 : vector<16xf32>
    %sub3A_157 = arith.constant 1 : i32
    %sub3A_158 = vector.broadcast %sub3A_157 : i32 to vector<16xi32>
    %sub3A_159 = arith.subi %convert_element_type3A_154, %sub3A_158 : vector<16xi32>
    %select_n3A_160 = arith.select %gt3A_156, %sub3A_159, %convert_element_type3A_154 : vector<16xi1>, vector<16xi32>
    %swap3A_161 = arith.constant 48 : index
    %swap3A_162 = tpu.vector_load %arg6[%swap3A_161] {strides = array<i32>} : memref<128xi32, #tpu.memory_space<vmem>>, vector<16xi32>,
    tpu.vector_store %arg6[%swap3A_161], %select_n3A_160 {strides = array<i32>} : memref<128xi32, #tpu.memory_space<vmem>>, vector<16xi32>,
    %convert_element_type3A_163 = arith.sitofp %select_n3A_160 : vector<16xi32> to vector<16xf32>
    %sub3A_164 = arith.subf %mul3A_153, %convert_element_type3A_163 : vector<16xf32>
    %swap3A_165 = arith.constant 48 : index
    %swap3A_166 = tpu.vector_load %arg7[%swap3A_165] {strides = array<i32>} : memref<128xf32, #tpu.memory_space<vmem>>, vector<16xf32>,
    tpu.vector_store %arg7[%swap3A_165], %sub3A_164 {strides = array<i32>} : memref<128xf32, #tpu.memory_space<vmem>>, vector<16xf32>,
    %get3A_167 = arith.constant 64 : index
    %get3A_168 = tpu.vector_load %arg5[%get3A_167] {strides = array<i32>} : memref<128xf32, #tpu.memory_space<vmem>>, vector<16xf32>,
    %abs3A_169 = math.absf %get3A_168 : vector<16xf32>
    %mul3A_170 = arith.constant -2.000000e+00 : f32
    %mul3A_171 = vector.broadcast %mul3A_170 : f32 to vector<16xf32>
    %mul3A_172 = arith.mulf %mul3A_171, %abs3A_169 : vector<16xf32>
    %exp3A_173 = math.exp %mul3A_172 : vector<16xf32>
    %sign3A_174 = tpu.bitcast %get3A_168 : vector<16xf32> -> vector<16xi32>
    %sign3A_175 = arith.constant -2147483648 : i32
    %sign3A_176 = vector.broadcast %sign3A_175 : i32 to vector<16xi32>
    %sign3A_177 = arith.andi %sign3A_174, %sign3A_176 : vector<16xi32>
    %sign3A_178 = arith.constant 1065353216 : i32
    %sign3A_179 = vector.broadcast %sign3A_178 : i32 to vector<16xi32>
    %sign3A_180 = arith.ori %sign3A_179, %sign3A_177 : vector<16xi32>
    %sign3A_181 = tpu.bitcast %sign3A_180 : vector<16xi32> -> vector<16xf32>
    %sign3A_182 = math.absf %get3A_168 : vector<16xf32>
    %sign3A_183 = arith.constant 0.000000e+00 : f32
    %sign3A_184 = vector.broadcast %sign3A_183 : f32 to vector<16xf32>
    %sign3A_185 = arith.cmpf ogt, %sign3A_182, %sign3A_184 : vector<16xf32>
    %sign3A_186 = arith.select %sign3A_185, %sign3A_181, %get3A_168 : vector<16xi1>, vector<16xf32>
    %sub3A_187 = arith.constant 1.000000e+00 : f32
    %sub3A_188 = vector.broadcast %sub3A_187 : f32 to vector<16xf32>
    %sub3A_189 = arith.subf %sub3A_188, %exp3A_173 : vector<16xf32>
    %add3A_190 = arith.constant 1.000000e+00 : f32
    %add3A_191 = vector.broadcast %add3A_190 : f32 to vector<16xf32>
    %add3A_192 = arith.addf %add3A_191, %exp3A_173 : vector<16xf32>
    %div3A_193 = arith.divf %sub3A_189, %add3A_192 : vector<16xf32>
    %mul3A_194 = arith.mulf %sign3A_186, %div3A_193 : vector<16xf32>
    %mul3A_195 = arith.constant 2.040000e+02 : f32
    %mul3A_196 = vector.broadcast %mul3A_195 : f32 to vector<16xf32>
    %mul3A_197 = arith.mulf %mul3A_194, %mul3A_196 : vector<16xf32>
    %convert_element_type3A_198 = arith.fptosi %mul3A_197 : vector<16xf32> to vector<16xi32>
    %convert_element_type3A_199 = arith.sitofp %convert_element_type3A_198 : vector<16xi32> to vector<16xf32>
    %gt3A_200 = arith.cmpf ogt, %convert_element_type3A_199, %mul3A_197 : vector<16xf32>
    %sub3A_201 = arith.constant 1 : i32
    %sub3A_202 = vector.broadcast %sub3A_201 : i32 to vector<16xi32>
    %sub3A_203 = arith.subi %convert_element_type3A_198, %sub3A_202 : vector<16xi32>
    %select_n3A_204 = arith.select %gt3A_200, %sub3A_203, %convert_element_type3A_198 : vector<16xi1>, vector<16xi32>
    %swap3A_205 = arith.constant 64 : index
    %swap3A_206 = tpu.vector_load %arg6[%swap3A_205] {strides = array<i32>} : memref<128xi32, #tpu.memory_space<vmem>>, vector<16xi32>,
    tpu.vector_store %arg6[%swap3A_205], %select_n3A_204 {strides = array<i32>} : memref<128xi32, #tpu.memory_space<vmem>>, vector<16xi32>,
    %convert_element_type3A_207 = arith.sitofp %select_n3A_204 : vector<16xi32> to vector<16xf32>
    %sub3A_208 = arith.subf %mul3A_197, %convert_element_type3A_207 : vector<16xf32>
    %swap3A_209 = arith.constant 64 : index
    %swap3A_210 = tpu.vector_load %arg7[%swap3A_209] {strides = array<i32>} : memref<128xf32, #tpu.memory_space<vmem>>, vector<16xf32>,
    tpu.vector_store %arg7[%swap3A_209], %sub3A_208 {strides = array<i32>} : memref<128xf32, #tpu.memory_space<vmem>>, vector<16xf32>,
    %get3A_211 = arith.constant 80 : index
    %get3A_212 = tpu.vector_load %arg5[%get3A_211] {strides = array<i32>} : memref<128xf32, #tpu.memory_space<vmem>>, vector<16xf32>,
    %abs3A_213 = math.absf %get3A_212 : vector<16xf32>
    %mul3A_214 = arith.constant -2.000000e+00 : f32
    %mul3A_215 = vector.broadcast %mul3A_214 : f32 to vector<16xf32>
    %mul3A_216 = arith.mulf %mul3A_215, %abs3A_213 : vector<16xf32>
    %exp3A_217 = math.exp %mul3A_216 : vector<16xf32>
    %sign3A_218 = tpu.bitcast %get3A_212 : vector<16xf32> -> vector<16xi32>
    %sign3A_219 = arith.constant -2147483648 : i32
    %sign3A_220 = vector.broadcast %sign3A_219 : i32 to vector<16xi32>
    %sign3A_221 = arith.andi %sign3A_218, %sign3A_220 : vector<16xi32>
    %sign3A_222 = arith.constant 1065353216 : i32
    %sign3A_223 = vector.broadcast %sign3A_222 : i32 to vector<16xi32>
    %sign3A_224 = arith.ori %sign3A_223, %sign3A_221 : vector<16xi32>
    %sign3A_225 = tpu.bitcast %sign3A_224 : vector<16xi32> -> vector<16xf32>
    %sign3A_226 = math.absf %get3A_212 : vector<16xf32>
    %sign3A_227 = arith.constant 0.000000e+00 : f32
    %sign3A_228 = vector.broadcast %sign3A_227 : f32 to vector<16xf32>
    %sign3A_229 = arith.cmpf ogt, %sign3A_226, %sign3A_228 : vector<16xf32>
    %sign3A_230 = arith.select %sign3A_229, %sign3A_225, %get3A_212 : vector<16xi1>, vector<16xf32>
    %sub3A_231 = arith.constant 1.000000e+00 : f32
    %sub3A_232 = vector.broadcast %sub3A_231 : f32 to vector<16xf32>
    %sub3A_233 = arith.subf %sub3A_232, %exp3A_217 : vector<16xf32>
    %add3A_234 = arith.constant 1.000000e+00 : f32
    %add3A_235 = vector.broadcast %add3A_234 : f32 to vector<16xf32>
    %add3A_236 = arith.addf %add3A_235, %exp3A_217 : vector<16xf32>
    %div3A_237 = arith.divf %sub3A_233, %add3A_236 : vector<16xf32>
    %mul3A_238 = arith.mulf %sign3A_230, %div3A_237 : vector<16xf32>
    %mul3A_239 = arith.constant 2.040000e+02 : f32
    %mul3A_240 = vector.broadcast %mul3A_239 : f32 to vector<16xf32>
    %mul3A_241 = arith.mulf %mul3A_238, %mul3A_240 : vector<16xf32>
    %convert_element_type3A_242 = arith.fptosi %mul3A_241 : vector<16xf32> to vector<16xi32>
    %convert_element_type3A_243 = arith.sitofp %convert_element_type3A_242 : vector<16xi32> to vector<16xf32>
    %gt3A_244 = arith.cmpf ogt, %convert_element_type3A_243, %mul3A_241 : vector<16xf32>
    %sub3A_245 = arith.constant 1 : i32
    %sub3A_246 = vector.broadcast %sub3A_245 : i32 to vector<16xi32>
    %sub3A_247 = arith.subi %convert_element_type3A_242, %sub3A_246 : vector<16xi32>
    %select_n3A_248 = arith.select %gt3A_244, %sub3A_247, %convert_element_type3A_242 : vector<16xi1>, vector<16xi32>
    %swap3A_249 = arith.constant 80 : index
    %swap3A_250 = tpu.vector_load %arg6[%swap3A_249] {strides = array<i32>} : memref<128xi32, #tpu.memory_space<vmem>>, vector<16xi32>,
    tpu.vector_store %arg6[%swap3A_249], %select_n3A_248 {strides = array<i32>} : memref<128xi32, #tpu.memory_space<vmem>>, vector<16xi32>,
    %convert_element_type3A_251 = arith.sitofp %select_n3A_248 : vector<16xi32> to vector<16xf32>
    %sub3A_252 = arith.subf %mul3A_241, %convert_element_type3A_251 : vector<16xf32>
    %swap3A_253 = arith.constant 80 : index
    %swap3A_254 = tpu.vector_load %arg7[%swap3A_253] {strides = array<i32>} : memref<128xf32, #tpu.memory_space<vmem>>, vector<16xf32>,
    tpu.vector_store %arg7[%swap3A_253], %sub3A_252 {strides = array<i32>} : memref<128xf32, #tpu.memory_space<vmem>>, vector<16xf32>,
    %get3A_255 = arith.constant 96 : index
    %get3A_256 = tpu.vector_load %arg5[%get3A_255] {strides = array<i32>} : memref<128xf32, #tpu.memory_space<vmem>>, vector<16xf32>,
    %abs3A_257 = math.absf %get3A_256 : vector<16xf32>
    %mul3A_258 = arith.constant -2.000000e+00 : f32
    %mul3A_259 = vector.broadcast %mul3A_258 : f32 to vector<16xf32>
    %mul3A_260 = arith.mulf %mul3A_259, %abs3A_257 : vector<16xf32>
    %exp3A_261 = math.exp %mul3A_260 : vector<16xf32>
    %sign3A_262 = tpu.bitcast %get3A_256 : vector<16xf32> -> vector<16xi32>
    %sign3A_263 = arith.constant -2147483648 : i32
    %sign3A_264 = vector.broadcast %sign3A_263 : i32 to vector<16xi32>
    %sign3A_265 = arith.andi %sign3A_262, %sign3A_264 : vector<16xi32>
    %sign3A_266 = arith.constant 1065353216 : i32
    %sign3A_267 = vector.broadcast %sign3A_266 : i32 to vector<16xi32>
    %sign3A_268 = arith.ori %sign3A_267, %sign3A_265 : vector<16xi32>
    %sign3A_269 = tpu.bitcast %sign3A_268 : vector<16xi32> -> vector<16xf32>
    %sign3A_270 = math.absf %get3A_256 : vector<16xf32>
    %sign3A_271 = arith.constant 0.000000e+00 : f32
    %sign3A_272 = vector.broadcast %sign3A_271 : f32 to vector<16xf32>
    %sign3A_273 = arith.cmpf ogt, %sign3A_270, %sign3A_272 : vector<16xf32>
    %sign3A_274 = arith.select %sign3A_273, %sign3A_269, %get3A_256 : vector<16xi1>, vector<16xf32>
    %sub3A_275 = arith.constant 1.000000e+00 : f32
    %sub3A_276 = vector.broadcast %sub3A_275 : f32 to vector<16xf32>
    %sub3A_277 = arith.subf %sub3A_276, %exp3A_261 : vector<16xf32>
    %add3A_278 = arith.constant 1.000000e+00 : f32
    %add3A_279 = vector.broadcast %add3A_278 : f32 to vector<16xf32>
    %add3A_280 = arith.addf %add3A_279, %exp3A_261 : vector<16xf32>
    %div3A_281 = arith.divf %sub3A_277, %add3A_280 : vector<16xf32>
    %mul3A_282 = arith.mulf %sign3A_274, %div3A_281 : vector<16xf32>
    %mul3A_283 = arith.constant 2.040000e+02 : f32
    %mul3A_284 = vector.broadcast %mul3A_283 : f32 to vector<16xf32>
    %mul3A_285 = arith.mulf %mul3A_282, %mul3A_284 : vector<16xf32>
    %convert_element_type3A_286 = arith.fptosi %mul3A_285 : vector<16xf32> to vector<16xi32>
    %convert_element_type3A_287 = arith.sitofp %convert_element_type3A_286 : vector<16xi32> to vector<16xf32>
    %gt3A_288 = arith.cmpf ogt, %convert_element_type3A_287, %mul3A_285 : vector<16xf32>
    %sub3A_289 = arith.constant 1 : i32
    %sub3A_290 = vector.broadcast %sub3A_289 : i32 to vector<16xi32>
    %sub3A_291 = arith.subi %convert_element_type3A_286, %sub3A_290 : vector<16xi32>
    %select_n3A_292 = arith.select %gt3A_288, %sub3A_291, %convert_element_type3A_286 : vector<16xi1>, vector<16xi32>
    %swap3A_293 = arith.constant 96 : index
    %swap3A_294 = tpu.vector_load %arg6[%swap3A_293] {strides = array<i32>} : memref<128xi32, #tpu.memory_space<vmem>>, vector<16xi32>,
    tpu.vector_store %arg6[%swap3A_293], %select_n3A_292 {strides = array<i32>} : memref<128xi32, #tpu.memory_space<vmem>>, vector<16xi32>,
    %convert_element_type3A_295 = arith.sitofp %select_n3A_292 : vector<16xi32> to vector<16xf32>
    %sub3A_296 = arith.subf %mul3A_285, %convert_element_type3A_295 : vector<16xf32>
    %swap3A_297 = arith.constant 96 : index
    %swap3A_298 = tpu.vector_load %arg7[%swap3A_297] {strides = array<i32>} : memref<128xf32, #tpu.memory_space<vmem>>, vector<16xf32>,
    tpu.vector_store %arg7[%swap3A_297], %sub3A_296 {strides = array<i32>} : memref<128xf32, #tpu.memory_space<vmem>>, vector<16xf32>,
    %get3A_299 = arith.constant 112 : index
    %get3A_300 = tpu.vector_load %arg5[%get3A_299] {strides = array<i32>} : memref<128xf32, #tpu.memory_space<vmem>>, vector<16xf32>,
    %abs3A_301 = math.absf %get3A_300 : vector<16xf32>
    %mul3A_302 = arith.constant -2.000000e+00 : f32
    %mul3A_303 = vector.broadcast %mul3A_302 : f32 to vector<16xf32>
    %mul3A_304 = arith.mulf %mul3A_303, %abs3A_301 : vector<16xf32>
    %exp3A_305 = math.exp %mul3A_304 : vector<16xf32>
    %sign3A_306 = tpu.bitcast %get3A_300 : vector<16xf32> -> vector<16xi32>
    %sign3A_307 = arith.constant -2147483648 : i32
    %sign3A_308 = vector.broadcast %sign3A_307 : i32 to vector<16xi32>
    %sign3A_309 = arith.andi %sign3A_306, %sign3A_308 : vector<16xi32>
    %sign3A_310 = arith.constant 1065353216 : i32
    %sign3A_311 = vector.broadcast %sign3A_310 : i32 to vector<16xi32>
    %sign3A_312 = arith.ori %sign3A_311, %sign3A_309 : vector<16xi32>
    %sign3A_313 = tpu.bitcast %sign3A_312 : vector<16xi32> -> vector<16xf32>
    %sign3A_314 = math.absf %get3A_300 : vector<16xf32>
    %sign3A_315 = arith.constant 0.000000e+00 : f32
    %sign3A_316 = vector.broadcast %sign3A_315 : f32 to vector<16xf32>
    %sign3A_317 = arith.cmpf ogt, %sign3A_314, %sign3A_316 : vector<16xf32>
    %sign3A_318 = arith.select %sign3A_317, %sign3A_313, %get3A_300 : vector<16xi1>, vector<16xf32>
    %sub3A_319 = arith.constant 1.000000e+00 : f32
    %sub3A_320 = vector.broadcast %sub3A_319 : f32 to vector<16xf32>
    %sub3A_321 = arith.subf %sub3A_320, %exp3A_305 : vector<16xf32>
    %add3A_322 = arith.constant 1.000000e+00 : f32
    %add3A_323 = vector.broadcast %add3A_322 : f32 to vector<16xf32>
    %add3A_324 = arith.addf %add3A_323, %exp3A_305 : vector<16xf32>
    %div3A_325 = arith.divf %sub3A_321, %add3A_324 : vector<16xf32>
    %mul3A_326 = arith.mulf %sign3A_318, %div3A_325 : vector<16xf32>
    %mul3A_327 = arith.constant 2.040000e+02 : f32
    %mul3A_328 = vector.broadcast %mul3A_327 : f32 to vector<16xf32>
    %mul3A_329 = arith.mulf %mul3A_326, %mul3A_328 : vector<16xf32>
    %convert_element_type3A_330 = arith.fptosi %mul3A_329 : vector<16xf32> to vector<16xi32>
    %convert_element_type3A_331 = arith.sitofp %convert_element_type3A_330 : vector<16xi32> to vector<16xf32>
    %gt3A_332 = arith.cmpf ogt, %convert_element_type3A_331, %mul3A_329 : vector<16xf32>
    %sub3A_333 = arith.constant 1 : i32
    %sub3A_334 = vector.broadcast %sub3A_333 : i32 to vector<16xi32>
    %sub3A_335 = arith.subi %convert_element_type3A_330, %sub3A_334 : vector<16xi32>
    %select_n3A_336 = arith.select %gt3A_332, %sub3A_335, %convert_element_type3A_330 : vector<16xi1>, vector<16xi32>
    %swap3A_337 = arith.constant 112 : index
    %swap3A_338 = tpu.vector_load %arg6[%swap3A_337] {strides = array<i32>} : memref<128xi32, #tpu.memory_space<vmem>>, vector<16xi32>,
    tpu.vector_store %arg6[%swap3A_337], %select_n3A_336 {strides = array<i32>} : memref<128xi32, #tpu.memory_space<vmem>>, vector<16xi32>,
    %convert_element_type3A_339 = arith.sitofp %select_n3A_336 : vector<16xi32> to vector<16xf32>
    %sub3A_340 = arith.subf %mul3A_329, %convert_element_type3A_339 : vector<16xf32>
    %swap3A_341 = arith.constant 112 : index
    %swap3A_342 = tpu.vector_load %arg7[%swap3A_341] {strides = array<i32>} : memref<128xf32, #tpu.memory_space<vmem>>, vector<16xf32>,
    tpu.vector_store %arg7[%swap3A_341], %sub3A_340 {strides = array<i32>} : memref<128xf32, #tpu.memory_space<vmem>>, vector<16xf32>,
    %iota3A = tpu.iota {dimensions = array<i32: 0>} : vector<16xi32>
    %mul3A_343 = arith.constant 128 : i32
    %mul3A_344 = arith.muli %add3A, %mul3A_343 : i32
    %add3A_345 = arith.constant 0 : i32
    %add3A_346 = arith.addi %mul3A_344, %add3A_345 : i32
    %dma_start3A = arith.constant 0 : i32
    %dma_start3A_347 = tpu.memref_slice %arg2[%add3A_346, %dma_start3A] : memref<4096x8192xf32, #tpu.memory_space<hbm>> -> memref<1x8192xf32, #tpu.memory_space<hbm>>
    %dma_start3A_348 = tpu.memref_squeeze %dma_start3A_347 : memref<1x8192xf32, #tpu.memory_space<hbm>> -> memref<8192xf32, #tpu.memory_space<hbm>>
    %dma_start3A_349 = arith.constant 0 : i32
    %dma_start3A_350 = tpu.memref_slice %arg2[%add3A_346, %dma_start3A_349] : memref<4096x8192xf32, #tpu.memory_space<hbm>> -> memref<1x8192xf32, #tpu.memory_space<hbm>>
    %dma_start3A_351 = tpu.memref_squeeze %dma_start3A_350 : memref<1x8192xf32, #tpu.memory_space<hbm>> -> memref<8192xf32, #tpu.memory_space<hbm>>
    tpu.enqueue_dma source(%dma_start3A_351 : memref<8192xf32, #tpu.memory_space<hbm>>) target(%arg8 : memref<8192xf32, #tpu.memory_space<vmem>>) target_semaphore(%arg16 : memref<!tpu.dma_semaphore, #tpu.memory_space<semaphore_mem>>)
    %add3A_352 = arith.constant 1 : i32
    %add3A_353 = arith.addi %mul3A_344, %add3A_352 : i32
    %dma_start3A_354 = arith.constant 0 : i32
    %dma_start3A_355 = tpu.memref_slice %arg2[%add3A_353, %dma_start3A_354] : memref<4096x8192xf32, #tpu.memory_space<hbm>> -> memref<1x8192xf32, #tpu.memory_space<hbm>>
    %dma_start3A_356 = tpu.memref_squeeze %dma_start3A_355 : memref<1x8192xf32, #tpu.memory_space<hbm>> -> memref<8192xf32, #tpu.memory_space<hbm>>
    %dma_start3A_357 = arith.constant 0 : i32
    %dma_start3A_358 = tpu.memref_slice %arg2[%add3A_353, %dma_start3A_357] : memref<4096x8192xf32, #tpu.memory_space<hbm>> -> memref<1x8192xf32, #tpu.memory_space<hbm>>
    %dma_start3A_359 = tpu.memref_squeeze %dma_start3A_358 : memref<1x8192xf32, #tpu.memory_space<hbm>> -> memref<8192xf32, #tpu.memory_space<hbm>>
    tpu.enqueue_dma source(%dma_start3A_359 : memref<8192xf32, #tpu.memory_space<hbm>>) target(%arg9 : memref<8192xf32, #tpu.memory_space<vmem>>) target_semaphore(%arg17 : memref<!tpu.dma_semaphore, #tpu.memory_space<semaphore_mem>>)
    %add3A_360 = arith.constant 2 : i32
    %add3A_361 = arith.addi %mul3A_344, %add3A_360 : i32
    %dma_start3A_362 = arith.constant 0 : i32
    %dma_start3A_363 = tpu.memref_slice %arg2[%add3A_361, %dma_start3A_362] : memref<4096x8192xf32, #tpu.memory_space<hbm>> -> memref<1x8192xf32, #tpu.memory_space<hbm>>
    %dma_start3A_364 = tpu.memref_squeeze %dma_start3A_363 : memref<1x8192xf32, #tpu.memory_space<hbm>> -> memref<8192xf32, #tpu.memory_space<hbm>>
    %dma_start3A_365 = arith.constant 0 : i32
    %dma_start3A_366 = tpu.memref_slice %arg2[%add3A_361, %dma_start3A_365] : memref<4096x8192xf32, #tpu.memory_space<hbm>> -> memref<1x8192xf32, #tpu.memory_space<hbm>>
    %dma_start3A_367 = tpu.memref_squeeze %dma_start3A_366 : memref<1x8192xf32, #tpu.memory_space<hbm>> -> memref<8192xf32, #tpu.memory_space<hbm>>
    tpu.enqueue_dma source(%dma_start3A_367 : memref<8192xf32, #tpu.memory_space<hbm>>) target(%arg10 : memref<8192xf32, #tpu.memory_space<vmem>>) target_semaphore(%arg18 : memref<!tpu.dma_semaphore, #tpu.memory_space<semaphore_mem>>)
    %scan3A = arith.constant 0 : i32
    %scan3A_368 = arith.constant 0 : i32
    %scan3A_369 = arith.constant 32 : i32
    %scan3A_370 = arith.addi %scan3A_368, %scan3A_369 : i32
    %scan3A_371 = arith.constant 1 : i32
    %scan3A_372 = scf.for %scan3A_405 = %scan3A_368 to %scan3A_370 step %scan3A_371 iter_args(%scan3A_406 = %scan3A) -> (i32)  : i32 {
      %mul3A_407 = arith.constant 4 : i32
      %mul3A_408 = arith.muli %mul3A_407, %scan3A_405 : i32
      %add3A_409 = arith.addi %mul3A_344, %mul3A_408 : i32
      %mul3A_410 = arith.constant 4 : i32
      %mul3A_411 = arith.muli %mul3A_410, %scan3A_405 : i32
      %add3A_412 = arith.constant 0 : i32
      %add3A_413 = arith.addi %add3A_409, %add3A_412 : i32
      %add3A_414 = arith.constant 0 : i32
      %add3A_415 = arith.addi %mul3A_411, %add3A_414 : i32
      %add3A_416 = arith.constant 4 : i32
      %add3A_417 = arith.addi %add3A_415, %add3A_416 : i32
      %sub3A_418 = arith.constant 1 : i32
      %sub3A_419 = arith.subi %add3A_417, %sub3A_418 : i32
      %lt3A = arith.constant 128 : i32
      %lt3A_420 = arith.cmpi slt, %sub3A_419, %lt3A : i32
      %convert_element_type3A_421 = arith.extui %lt3A_420 : i1 to i32
      %cond3A = arith.constant 0 : i32
      %cond3A_422 = arith.cmpi ne, %convert_element_type3A_421, %cond3A : i32
      scf.if %cond3A_422 {
        %add3A_606 = arith.constant 4 : i32
        %add3A_607 = arith.addi %add3A_413, %add3A_606 : i32
        %sub3A_608 = arith.constant 1 : i32
        %sub3A_609 = arith.subi %add3A_607, %sub3A_608 : i32
        %dma_start3A_610 = arith.constant 0 : i32
        %dma_start3A_611 = tpu.memref_slice %arg2[%sub3A_609, %dma_start3A_610] : memref<4096x8192xf32, #tpu.memory_space<hbm>> -> memref<1x8192xf32, #tpu.memory_space<hbm>>
        %dma_start3A_612 = tpu.memref_squeeze %dma_start3A_611 : memref<1x8192xf32, #tpu.memory_space<hbm>> -> memref<8192xf32, #tpu.memory_space<hbm>>
        %dma_start3A_613 = arith.constant 0 : i32
        %dma_start3A_614 = tpu.memref_slice %arg2[%sub3A_609, %dma_start3A_613] : memref<4096x8192xf32, #tpu.memory_space<hbm>> -> memref<1x8192xf32, #tpu.memory_space<hbm>>
        %dma_start3A_615 = tpu.memref_squeeze %dma_start3A_614 : memref<1x8192xf32, #tpu.memory_space<hbm>> -> memref<8192xf32, #tpu.memory_space<hbm>>
        tpu.enqueue_dma source(%dma_start3A_615 : memref<8192xf32, #tpu.memory_space<hbm>>) target(%arg11 : memref<8192xf32, #tpu.memory_space<vmem>>) target_semaphore(%arg19 : memref<!tpu.dma_semaphore, #tpu.memory_space<semaphore_mem>>)
      } else {
      }
      %dma_wait3A_423 = arith.constant 0 : i32
      %dma_wait3A_424 = tpu.memref_slice %arg2[%add3A_413, %dma_wait3A_423] : memref<4096x8192xf32, #tpu.memory_space<hbm>> -> memref<1x8192xf32, #tpu.memory_space<hbm>>
      %dma_wait3A_425 = tpu.memref_squeeze %dma_wait3A_424 : memref<1x8192xf32, #tpu.memory_space<hbm>> -> memref<8192xf32, #tpu.memory_space<hbm>>
      %dma_wait3A_426 = arith.constant 0 : i32
      %dma_wait3A_427 = tpu.memref_slice %arg2[%add3A_413, %dma_wait3A_426] : memref<4096x8192xf32, #tpu.memory_space<hbm>> -> memref<1x8192xf32, #tpu.memory_space<hbm>>
      %dma_wait3A_428 = tpu.memref_squeeze %dma_wait3A_427 : memref<1x8192xf32, #tpu.memory_space<hbm>> -> memref<8192xf32, #tpu.memory_space<hbm>>
      tpu.wait_dma2 semaphore(%arg16 : memref<!tpu.dma_semaphore, #tpu.memory_space<semaphore_mem>>) src(%dma_wait3A_428 : memref<8192xf32, #tpu.memory_space<hbm>>) dst(%arg8 : memref<8192xf32, #tpu.memory_space<vmem>>)
      %rem3A = arith.constant 128 : i32
      %rem3A_429 = arith.remsi %add3A_413, %rem3A : i32
      %broadcast_in_dim3A = vector.broadcast %rem3A_429 : i32 to vector<16xi32>
      %gather3A = tpu.vector_load_idx %arg7[%broadcast_in_dim3A] : memref<128xf32, #tpu.memory_space<vmem>>[vector<16xi32>], vector<16xf32>,
      %gather3A_430 = tpu.vector_load_idx %arg6[%broadcast_in_dim3A] : memref<128xi32, #tpu.memory_space<vmem>>[vector<16xi32>], vector<16xi32>,
      %add3A_431 = arith.addi %gather3A_430, %iota3A : vector<16xi32>
      %sub3A_432 = arith.constant 1.000000e+00 : f32
      %sub3A_433 = vector.broadcast %sub3A_432 : f32 to vector<16xf32>
      %sub3A_434 = arith.subf %sub3A_433, %gather3A : vector<16xf32>
      %add3A_435 = arith.constant 0 : i32
      %add3A_436 = arith.addi %mul3A_411, %add3A_435 : i32
      %ge3A = arith.constant 4 : i32
      %ge3A_437 = arith.cmpi sge, %add3A_436, %ge3A : i32
      %convert_element_type3A_438 = arith.extui %ge3A_437 : i1 to i32
      %cond3A_439 = arith.constant 0 : i32
      %cond3A_440 = arith.cmpi ne, %convert_element_type3A_438, %cond3A_439 : i32
      scf.if %cond3A_440 {
        %dma_wait3A_606 = arith.constant 0 : i32
        %dma_wait3A_607 = tpu.memref_slice %arg4[%add3A_413, %dma_wait3A_606] : memref<4096x8192xf32, #tpu.memory_space<hbm>> -> memref<1x8192xf32, #tpu.memory_space<hbm>>
        %dma_wait3A_608 = tpu.memref_squeeze %dma_wait3A_607 : memref<1x8192xf32, #tpu.memory_space<hbm>> -> memref<8192xf32, #tpu.memory_space<hbm>>
        %dma_wait3A_609 = arith.constant 0 : i32
        %dma_wait3A_610 = tpu.memref_slice %arg4[%add3A_413, %dma_wait3A_609] : memref<4096x8192xf32, #tpu.memory_space<hbm>> -> memref<1x8192xf32, #tpu.memory_space<hbm>>
        %dma_wait3A_611 = tpu.memref_squeeze %dma_wait3A_610 : memref<1x8192xf32, #tpu.memory_space<hbm>> -> memref<8192xf32, #tpu.memory_space<hbm>>
        tpu.wait_dma2 semaphore(%arg20 : memref<!tpu.dma_semaphore, #tpu.memory_space<semaphore_mem>>) src(%arg12 : memref<8192xf32, #tpu.memory_space<vmem>>) dst(%dma_wait3A_611 : memref<8192xf32, #tpu.memory_space<hbm>>)
      } else {
      }
      %parallel_loop3A = arith.constant 0 : i32
      %parallel_loop3A_441 = arith.constant 16 : i32
      %parallel_loop3A_442 = arith.constant 1 : i32
      scf.for %parallel_loop3A_606 = %parallel_loop3A to %parallel_loop3A_441 step %parallel_loop3A_442  : i32 {
        %parallel_loop3A_607 = arith.constant 16 : i32
        %parallel_loop3A_608 = arith.muli %parallel_loop3A_606, %parallel_loop3A_607 : i32
        %parallel_loop3A_609 = tpu.assume_multiple %parallel_loop3A_608, 16 : i32
        %parallel_loop3A_610 = vector.broadcast %parallel_loop3A_609 : i32 to vector<16xi32>
        %parallel_loop3A_611 = arith.addi %add3A_431, %parallel_loop3A_610 : vector<16xi32>
        %parallel_loop3A_612 = arith.constant 0 : i32
        %parallel_loop3A_613 = vector.broadcast %parallel_loop3A_612 : i32 to vector<16xi32>
        %parallel_loop3A_614 = arith.maxsi %parallel_loop3A_611, %parallel_loop3A_613 : vector<16xi32>
        %parallel_loop3A_615 = arith.constant 8191 : i32
        %parallel_loop3A_616 = vector.broadcast %parallel_loop3A_615 : i32 to vector<16xi32>
        %parallel_loop3A_617 = arith.minsi %parallel_loop3A_614, %parallel_loop3A_616 : vector<16xi32>
        %parallel_loop3A_618 = arith.constant 1 : i32
        %parallel_loop3A_619 = vector.broadcast %parallel_loop3A_618 : i32 to vector<16xi32>
        %parallel_loop3A_620 = arith.addi %parallel_loop3A_611, %parallel_loop3A_619 : vector<16xi32>
        %parallel_loop3A_621 = arith.constant 0 : i32
        %parallel_loop3A_622 = vector.broadcast %parallel_loop3A_621 : i32 to vector<16xi32>
        %parallel_loop3A_623 = arith.maxsi %parallel_loop3A_620, %parallel_loop3A_622 : vector<16xi32>
        %parallel_loop3A_624 = arith.constant 8191 : i32
        %parallel_loop3A_625 = vector.broadcast %parallel_loop3A_624 : i32 to vector<16xi32>
        %parallel_loop3A_626 = arith.minsi %parallel_loop3A_623, %parallel_loop3A_625 : vector<16xi32>
        %parallel_loop3A_627 = tpu.vector_load_idx %arg8[%parallel_loop3A_617] : memref<8192xf32, #tpu.memory_space<vmem>>[vector<16xi32>], vector<16xf32>,
        %parallel_loop3A_628 = tpu.vector_load_idx %arg8[%parallel_loop3A_626] : memref<8192xf32, #tpu.memory_space<vmem>>[vector<16xi32>], vector<16xf32>,
        %parallel_loop3A_629 = arith.mulf %sub3A_434, %parallel_loop3A_627 : vector<16xf32>
        %parallel_loop3A_630 = arith.mulf %gather3A, %parallel_loop3A_628 : vector<16xf32>
        %parallel_loop3A_631 = arith.addf %parallel_loop3A_629, %parallel_loop3A_630 : vector<16xf32>
        %parallel_loop3A_632 = arith.index_cast %parallel_loop3A_609 : i32 to index
        %parallel_loop3A_633 = tpu.vector_load %arg12[%parallel_loop3A_632] {strides = array<i32>} : memref<8192xf32, #tpu.memory_space<vmem>>, vector<16xf32>,
        tpu.vector_store %arg12[%parallel_loop3A_632], %parallel_loop3A_631 {strides = array<i32>} : memref<8192xf32, #tpu.memory_space<vmem>>, vector<16xf32>,
      } {sc.loop_unroll_factor = 8 : i64, sc.parallel_access}
      %parallel_loop3A_443 = arith.constant 16 : i32
      %parallel_loop3A_444 = arith.constant 496 : i32
      %parallel_loop3A_445 = arith.constant 1 : i32
      scf.for %parallel_loop3A_606 = %parallel_loop3A_443 to %parallel_loop3A_444 step %parallel_loop3A_445  : i32 {
        %parallel_loop3A_607 = arith.constant 16 : i32
        %parallel_loop3A_608 = arith.muli %parallel_loop3A_606, %parallel_loop3A_607 : i32
        %parallel_loop3A_609 = tpu.assume_multiple %parallel_loop3A_608, 16 : i32
        %parallel_loop3A_610 = vector.broadcast %parallel_loop3A_609 : i32 to vector<16xi32>
        %parallel_loop3A_611 = arith.addi %add3A_431, %parallel_loop3A_610 : vector<16xi32>
        %parallel_loop3A_612 = tpu.vector_load_idx %arg8[%parallel_loop3A_611] : memref<8192xf32, #tpu.memory_space<vmem>>[vector<16xi32>], vector<16xf32>,
        %parallel_loop3A_613 = arith.constant 1 : i32
        %parallel_loop3A_614 = vector.broadcast %parallel_loop3A_613 : i32 to vector<16xi32>
        %parallel_loop3A_615 = arith.addi %parallel_loop3A_611, %parallel_loop3A_614 : vector<16xi32>
        %parallel_loop3A_616 = tpu.vector_load_idx %arg8[%parallel_loop3A_615] : memref<8192xf32, #tpu.memory_space<vmem>>[vector<16xi32>], vector<16xf32>,
        %parallel_loop3A_617 = arith.mulf %sub3A_434, %parallel_loop3A_612 : vector<16xf32>
        %parallel_loop3A_618 = arith.mulf %gather3A, %parallel_loop3A_616 : vector<16xf32>
        %parallel_loop3A_619 = arith.addf %parallel_loop3A_617, %parallel_loop3A_618 : vector<16xf32>
        %parallel_loop3A_620 = arith.index_cast %parallel_loop3A_609 : i32 to index
        %parallel_loop3A_621 = tpu.vector_load %arg12[%parallel_loop3A_620] {strides = array<i32>} : memref<8192xf32, #tpu.memory_space<vmem>>, vector<16xf32>,
        tpu.vector_store %arg12[%parallel_loop3A_620], %parallel_loop3A_619 {strides = array<i32>} : memref<8192xf32, #tpu.memory_space<vmem>>, vector<16xf32>,
      } {sc.loop_unroll_factor = 8 : i64, sc.parallel_access}
      %parallel_loop3A_446 = arith.constant 496 : i32
      %parallel_loop3A_447 = arith.constant 512 : i32
      %parallel_loop3A_448 = arith.constant 1 : i32
      scf.for %parallel_loop3A_606 = %parallel_loop3A_446 to %parallel_loop3A_447 step %parallel_loop3A_448  : i32 {
        %parallel_loop3A_607 = arith.constant 16 : i32
        %parallel_loop3A_608 = arith.muli %parallel_loop3A_606, %parallel_loop3A_607 : i32
        %parallel_loop3A_609 = tpu.assume_multiple %parallel_loop3A_608, 16 : i32
        %parallel_loop3A_610 = vector.broadcast %parallel_loop3A_609 : i32 to vector<16xi32>
        %parallel_loop3A_611 = arith.addi %add3A_431, %parallel_loop3A_610 : vector<16xi32>
        %parallel_loop3A_612 = arith.constant 0 : i32
        %parallel_loop3A_613 = vector.broadcast %parallel_loop3A_612 : i32 to vector<16xi32>
        %parallel_loop3A_614 = arith.maxsi %parallel_loop3A_611, %parallel_loop3A_613 : vector<16xi32>
        %parallel_loop3A_615 = arith.constant 8191 : i32
        %parallel_loop3A_616 = vector.broadcast %parallel_loop3A_615 : i32 to vector<16xi32>
        %parallel_loop3A_617 = arith.minsi %parallel_loop3A_614, %parallel_loop3A_616 : vector<16xi32>
        %parallel_loop3A_618 = arith.constant 1 : i32
        %parallel_loop3A_619 = vector.broadcast %parallel_loop3A_618 : i32 to vector<16xi32>
        %parallel_loop3A_620 = arith.addi %parallel_loop3A_611, %parallel_loop3A_619 : vector<16xi32>
        %parallel_loop3A_621 = arith.constant 0 : i32
        %parallel_loop3A_622 = vector.broadcast %parallel_loop3A_621 : i32 to vector<16xi32>
        %parallel_loop3A_623 = arith.maxsi %parallel_loop3A_620, %parallel_loop3A_622 : vector<16xi32>
        %parallel_loop3A_624 = arith.constant 8191 : i32
        %parallel_loop3A_625 = vector.broadcast %parallel_loop3A_624 : i32 to vector<16xi32>
        %parallel_loop3A_626 = arith.minsi %parallel_loop3A_623, %parallel_loop3A_625 : vector<16xi32>
        %parallel_loop3A_627 = tpu.vector_load_idx %arg8[%parallel_loop3A_617] : memref<8192xf32, #tpu.memory_space<vmem>>[vector<16xi32>], vector<16xf32>,
        %parallel_loop3A_628 = tpu.vector_load_idx %arg8[%parallel_loop3A_626] : memref<8192xf32, #tpu.memory_space<vmem>>[vector<16xi32>], vector<16xf32>,
        %parallel_loop3A_629 = arith.mulf %sub3A_434, %parallel_loop3A_627 : vector<16xf32>
        %parallel_loop3A_630 = arith.mulf %gather3A, %parallel_loop3A_628 : vector<16xf32>
        %parallel_loop3A_631 = arith.addf %parallel_loop3A_629, %parallel_loop3A_630 : vector<16xf32>
        %parallel_loop3A_632 = arith.index_cast %parallel_loop3A_609 : i32 to index
        %parallel_loop3A_633 = tpu.vector_load %arg12[%parallel_loop3A_632] {strides = array<i32>} : memref<8192xf32, #tpu.memory_space<vmem>>, vector<16xf32>,
        tpu.vector_store %arg12[%parallel_loop3A_632], %parallel_loop3A_631 {strides = array<i32>} : memref<8192xf32, #tpu.memory_space<vmem>>, vector<16xf32>,
      } {sc.loop_unroll_factor = 8 : i64, sc.parallel_access}
      %dma_start3A_449 = arith.constant 0 : i32
      %dma_start3A_450 = tpu.memref_slice %arg4[%add3A_413, %dma_start3A_449] : memref<4096x8192xf32, #tpu.memory_space<hbm>> -> memref<1x8192xf32, #tpu.memory_space<hbm>>
      %dma_start3A_451 = tpu.memref_squeeze %dma_start3A_450 : memref<1x8192xf32, #tpu.memory_space<hbm>> -> memref<8192xf32, #tpu.memory_space<hbm>>
      %dma_start3A_452 = arith.constant 0 : i32
      %dma_start3A_453 = tpu.memref_slice %arg4[%add3A_413, %dma_start3A_452] : memref<4096x8192xf32, #tpu.memory_space<hbm>> -> memref<1x8192xf32, #tpu.memory_space<hbm>>
      %dma_start3A_454 = tpu.memref_squeeze %dma_start3A_453 : memref<1x8192xf32, #tpu.memory_space<hbm>> -> memref<8192xf32, #tpu.memory_space<hbm>>
      tpu.enqueue_dma source(%arg12 : memref<8192xf32, #tpu.memory_space<vmem>>) target(%dma_start3A_454 : memref<8192xf32, #tpu.memory_space<hbm>>) target_semaphore(%arg20 : memref<!tpu.dma_semaphore, #tpu.memory_space<semaphore_mem>>)
      %add3A_455 = arith.constant 1 : i32
      %add3A_456 = arith.addi %add3A_409, %add3A_455 : i32
      %add3A_457 = arith.constant 1 : i32
      %add3A_458 = arith.addi %mul3A_411, %add3A_457 : i32
      %add3A_459 = arith.constant 4 : i32
      %add3A_460 = arith.addi %add3A_458, %add3A_459 : i32
      %sub3A_461 = arith.constant 1 : i32
      %sub3A_462 = arith.subi %add3A_460, %sub3A_461 : i32
      %lt3A_463 = arith.constant 128 : i32
      %lt3A_464 = arith.cmpi slt, %sub3A_462, %lt3A_463 : i32
      %convert_element_type3A_465 = arith.extui %lt3A_464 : i1 to i32
      %cond3A_466 = arith.constant 0 : i32
      %cond3A_467 = arith.cmpi ne, %convert_element_type3A_465, %cond3A_466 : i32
      scf.if %cond3A_467 {
        %add3A_606 = arith.constant 4 : i32
        %add3A_607 = arith.addi %add3A_456, %add3A_606 : i32
        %sub3A_608 = arith.constant 1 : i32
        %sub3A_609 = arith.subi %add3A_607, %sub3A_608 : i32
        %dma_start3A_610 = arith.constant 0 : i32
        %dma_start3A_611 = tpu.memref_slice %arg2[%sub3A_609, %dma_start3A_610] : memref<4096x8192xf32, #tpu.memory_space<hbm>> -> memref<1x8192xf32, #tpu.memory_space<hbm>>
        %dma_start3A_612 = tpu.memref_squeeze %dma_start3A_611 : memref<1x8192xf32, #tpu.memory_space<hbm>> -> memref<8192xf32, #tpu.memory_space<hbm>>
        %dma_start3A_613 = arith.constant 0 : i32
        %dma_start3A_614 = tpu.memref_slice %arg2[%sub3A_609, %dma_start3A_613] : memref<4096x8192xf32, #tpu.memory_space<hbm>> -> memref<1x8192xf32, #tpu.memory_space<hbm>>
        %dma_start3A_615 = tpu.memref_squeeze %dma_start3A_614 : memref<1x8192xf32, #tpu.memory_space<hbm>> -> memref<8192xf32, #tpu.memory_space<hbm>>
        tpu.enqueue_dma source(%dma_start3A_615 : memref<8192xf32, #tpu.memory_space<hbm>>) target(%arg8 : memref<8192xf32, #tpu.memory_space<vmem>>) target_semaphore(%arg16 : memref<!tpu.dma_semaphore, #tpu.memory_space<semaphore_mem>>)
      } else {
      }
      %dma_wait3A_468 = arith.constant 0 : i32
      %dma_wait3A_469 = tpu.memref_slice %arg2[%add3A_456, %dma_wait3A_468] : memref<4096x8192xf32, #tpu.memory_space<hbm>> -> memref<1x8192xf32, #tpu.memory_space<hbm>>
      %dma_wait3A_470 = tpu.memref_squeeze %dma_wait3A_469 : memref<1x8192xf32, #tpu.memory_space<hbm>> -> memref<8192xf32, #tpu.memory_space<hbm>>
      %dma_wait3A_471 = arith.constant 0 : i32
      %dma_wait3A_472 = tpu.memref_slice %arg2[%add3A_456, %dma_wait3A_471] : memref<4096x8192xf32, #tpu.memory_space<hbm>> -> memref<1x8192xf32, #tpu.memory_space<hbm>>
      %dma_wait3A_473 = tpu.memref_squeeze %dma_wait3A_472 : memref<1x8192xf32, #tpu.memory_space<hbm>> -> memref<8192xf32, #tpu.memory_space<hbm>>
      tpu.wait_dma2 semaphore(%arg17 : memref<!tpu.dma_semaphore, #tpu.memory_space<semaphore_mem>>) src(%dma_wait3A_473 : memref<8192xf32, #tpu.memory_space<hbm>>) dst(%arg9 : memref<8192xf32, #tpu.memory_space<vmem>>)
      %rem3A_474 = arith.constant 128 : i32
      %rem3A_475 = arith.remsi %add3A_456, %rem3A_474 : i32
      %broadcast_in_dim3A_476 = vector.broadcast %rem3A_475 : i32 to vector<16xi32>
      %gather3A_477 = tpu.vector_load_idx %arg7[%broadcast_in_dim3A_476] : memref<128xf32, #tpu.memory_space<vmem>>[vector<16xi32>], vector<16xf32>,
      %gather3A_478 = tpu.vector_load_idx %arg6[%broadcast_in_dim3A_476] : memref<128xi32, #tpu.memory_space<vmem>>[vector<16xi32>], vector<16xi32>,
      %add3A_479 = arith.addi %gather3A_478, %iota3A : vector<16xi32>
      %sub3A_480 = arith.constant 1.000000e+00 : f32
      %sub3A_481 = vector.broadcast %sub3A_480 : f32 to vector<16xf32>
      %sub3A_482 = arith.subf %sub3A_481, %gather3A_477 : vector<16xf32>
      %add3A_483 = arith.constant 1 : i32
      %add3A_484 = arith.addi %mul3A_411, %add3A_483 : i32
      %ge3A_485 = arith.constant 4 : i32
      %ge3A_486 = arith.cmpi sge, %add3A_484, %ge3A_485 : i32
      %convert_element_type3A_487 = arith.extui %ge3A_486 : i1 to i32
      %cond3A_488 = arith.constant 0 : i32
      %cond3A_489 = arith.cmpi ne, %convert_element_type3A_487, %cond3A_488 : i32
      scf.if %cond3A_489 {
        %dma_wait3A_606 = arith.constant 0 : i32
        %dma_wait3A_607 = tpu.memref_slice %arg4[%add3A_456, %dma_wait3A_606] : memref<4096x8192xf32, #tpu.memory_space<hbm>> -> memref<1x8192xf32, #tpu.memory_space<hbm>>
        %dma_wait3A_608 = tpu.memref_squeeze %dma_wait3A_607 : memref<1x8192xf32, #tpu.memory_space<hbm>> -> memref<8192xf32, #tpu.memory_space<hbm>>
        %dma_wait3A_609 = arith.constant 0 : i32
        %dma_wait3A_610 = tpu.memref_slice %arg4[%add3A_456, %dma_wait3A_609] : memref<4096x8192xf32, #tpu.memory_space<hbm>> -> memref<1x8192xf32, #tpu.memory_space<hbm>>
        %dma_wait3A_611 = tpu.memref_squeeze %dma_wait3A_610 : memref<1x8192xf32, #tpu.memory_space<hbm>> -> memref<8192xf32, #tpu.memory_space<hbm>>
        tpu.wait_dma2 semaphore(%arg21 : memref<!tpu.dma_semaphore, #tpu.memory_space<semaphore_mem>>) src(%arg13 : memref<8192xf32, #tpu.memory_space<vmem>>) dst(%dma_wait3A_611 : memref<8192xf32, #tpu.memory_space<hbm>>)
      } else {
      }
      %parallel_loop3A_490 = arith.constant 0 : i32
      %parallel_loop3A_491 = arith.constant 16 : i32
      %parallel_loop3A_492 = arith.constant 1 : i32
      scf.for %parallel_loop3A_606 = %parallel_loop3A_490 to %parallel_loop3A_491 step %parallel_loop3A_492  : i32 {
        %parallel_loop3A_607 = arith.constant 16 : i32
        %parallel_loop3A_608 = arith.muli %parallel_loop3A_606, %parallel_loop3A_607 : i32
        %parallel_loop3A_609 = tpu.assume_multiple %parallel_loop3A_608, 16 : i32
        %parallel_loop3A_610 = vector.broadcast %parallel_loop3A_609 : i32 to vector<16xi32>
        %parallel_loop3A_611 = arith.addi %add3A_479, %parallel_loop3A_610 : vector<16xi32>
        %parallel_loop3A_612 = arith.constant 0 : i32
        %parallel_loop3A_613 = vector.broadcast %parallel_loop3A_612 : i32 to vector<16xi32>
        %parallel_loop3A_614 = arith.maxsi %parallel_loop3A_611, %parallel_loop3A_613 : vector<16xi32>
        %parallel_loop3A_615 = arith.constant 8191 : i32
        %parallel_loop3A_616 = vector.broadcast %parallel_loop3A_615 : i32 to vector<16xi32>
        %parallel_loop3A_617 = arith.minsi %parallel_loop3A_614, %parallel_loop3A_616 : vector<16xi32>
        %parallel_loop3A_618 = arith.constant 1 : i32
        %parallel_loop3A_619 = vector.broadcast %parallel_loop3A_618 : i32 to vector<16xi32>
        %parallel_loop3A_620 = arith.addi %parallel_loop3A_611, %parallel_loop3A_619 : vector<16xi32>
        %parallel_loop3A_621 = arith.constant 0 : i32
        %parallel_loop3A_622 = vector.broadcast %parallel_loop3A_621 : i32 to vector<16xi32>
        %parallel_loop3A_623 = arith.maxsi %parallel_loop3A_620, %parallel_loop3A_622 : vector<16xi32>
        %parallel_loop3A_624 = arith.constant 8191 : i32
        %parallel_loop3A_625 = vector.broadcast %parallel_loop3A_624 : i32 to vector<16xi32>
        %parallel_loop3A_626 = arith.minsi %parallel_loop3A_623, %parallel_loop3A_625 : vector<16xi32>
        %parallel_loop3A_627 = tpu.vector_load_idx %arg9[%parallel_loop3A_617] : memref<8192xf32, #tpu.memory_space<vmem>>[vector<16xi32>], vector<16xf32>,
        %parallel_loop3A_628 = tpu.vector_load_idx %arg9[%parallel_loop3A_626] : memref<8192xf32, #tpu.memory_space<vmem>>[vector<16xi32>], vector<16xf32>,
        %parallel_loop3A_629 = arith.mulf %sub3A_482, %parallel_loop3A_627 : vector<16xf32>
        %parallel_loop3A_630 = arith.mulf %gather3A_477, %parallel_loop3A_628 : vector<16xf32>
        %parallel_loop3A_631 = arith.addf %parallel_loop3A_629, %parallel_loop3A_630 : vector<16xf32>
        %parallel_loop3A_632 = arith.index_cast %parallel_loop3A_609 : i32 to index
        %parallel_loop3A_633 = tpu.vector_load %arg13[%parallel_loop3A_632] {strides = array<i32>} : memref<8192xf32, #tpu.memory_space<vmem>>, vector<16xf32>,
        tpu.vector_store %arg13[%parallel_loop3A_632], %parallel_loop3A_631 {strides = array<i32>} : memref<8192xf32, #tpu.memory_space<vmem>>, vector<16xf32>,
      } {sc.loop_unroll_factor = 8 : i64, sc.parallel_access}
      %parallel_loop3A_493 = arith.constant 16 : i32
      %parallel_loop3A_494 = arith.constant 496 : i32
      %parallel_loop3A_495 = arith.constant 1 : i32
      scf.for %parallel_loop3A_606 = %parallel_loop3A_493 to %parallel_loop3A_494 step %parallel_loop3A_495  : i32 {
        %parallel_loop3A_607 = arith.constant 16 : i32
        %parallel_loop3A_608 = arith.muli %parallel_loop3A_606, %parallel_loop3A_607 : i32
        %parallel_loop3A_609 = tpu.assume_multiple %parallel_loop3A_608, 16 : i32
        %parallel_loop3A_610 = vector.broadcast %parallel_loop3A_609 : i32 to vector<16xi32>
        %parallel_loop3A_611 = arith.addi %add3A_479, %parallel_loop3A_610 : vector<16xi32>
        %parallel_loop3A_612 = tpu.vector_load_idx %arg9[%parallel_loop3A_611] : memref<8192xf32, #tpu.memory_space<vmem>>[vector<16xi32>], vector<16xf32>,
        %parallel_loop3A_613 = arith.constant 1 : i32
        %parallel_loop3A_614 = vector.broadcast %parallel_loop3A_613 : i32 to vector<16xi32>
        %parallel_loop3A_615 = arith.addi %parallel_loop3A_611, %parallel_loop3A_614 : vector<16xi32>
        %parallel_loop3A_616 = tpu.vector_load_idx %arg9[%parallel_loop3A_615] : memref<8192xf32, #tpu.memory_space<vmem>>[vector<16xi32>], vector<16xf32>,
        %parallel_loop3A_617 = arith.mulf %sub3A_482, %parallel_loop3A_612 : vector<16xf32>
        %parallel_loop3A_618 = arith.mulf %gather3A_477, %parallel_loop3A_616 : vector<16xf32>
        %parallel_loop3A_619 = arith.addf %parallel_loop3A_617, %parallel_loop3A_618 : vector<16xf32>
        %parallel_loop3A_620 = arith.index_cast %parallel_loop3A_609 : i32 to index
        %parallel_loop3A_621 = tpu.vector_load %arg13[%parallel_loop3A_620] {strides = array<i32>} : memref<8192xf32, #tpu.memory_space<vmem>>, vector<16xf32>,
        tpu.vector_store %arg13[%parallel_loop3A_620], %parallel_loop3A_619 {strides = array<i32>} : memref<8192xf32, #tpu.memory_space<vmem>>, vector<16xf32>,
      } {sc.loop_unroll_factor = 8 : i64, sc.parallel_access}
      %parallel_loop3A_496 = arith.constant 496 : i32
      %parallel_loop3A_497 = arith.constant 512 : i32
      %parallel_loop3A_498 = arith.constant 1 : i32
      scf.for %parallel_loop3A_606 = %parallel_loop3A_496 to %parallel_loop3A_497 step %parallel_loop3A_498  : i32 {
        %parallel_loop3A_607 = arith.constant 16 : i32
        %parallel_loop3A_608 = arith.muli %parallel_loop3A_606, %parallel_loop3A_607 : i32
        %parallel_loop3A_609 = tpu.assume_multiple %parallel_loop3A_608, 16 : i32
        %parallel_loop3A_610 = vector.broadcast %parallel_loop3A_609 : i32 to vector<16xi32>
        %parallel_loop3A_611 = arith.addi %add3A_479, %parallel_loop3A_610 : vector<16xi32>
        %parallel_loop3A_612 = arith.constant 0 : i32
        %parallel_loop3A_613 = vector.broadcast %parallel_loop3A_612 : i32 to vector<16xi32>
        %parallel_loop3A_614 = arith.maxsi %parallel_loop3A_611, %parallel_loop3A_613 : vector<16xi32>
        %parallel_loop3A_615 = arith.constant 8191 : i32
        %parallel_loop3A_616 = vector.broadcast %parallel_loop3A_615 : i32 to vector<16xi32>
        %parallel_loop3A_617 = arith.minsi %parallel_loop3A_614, %parallel_loop3A_616 : vector<16xi32>
        %parallel_loop3A_618 = arith.constant 1 : i32
        %parallel_loop3A_619 = vector.broadcast %parallel_loop3A_618 : i32 to vector<16xi32>
        %parallel_loop3A_620 = arith.addi %parallel_loop3A_611, %parallel_loop3A_619 : vector<16xi32>
        %parallel_loop3A_621 = arith.constant 0 : i32
        %parallel_loop3A_622 = vector.broadcast %parallel_loop3A_621 : i32 to vector<16xi32>
        %parallel_loop3A_623 = arith.maxsi %parallel_loop3A_620, %parallel_loop3A_622 : vector<16xi32>
        %parallel_loop3A_624 = arith.constant 8191 : i32
        %parallel_loop3A_625 = vector.broadcast %parallel_loop3A_624 : i32 to vector<16xi32>
        %parallel_loop3A_626 = arith.minsi %parallel_loop3A_623, %parallel_loop3A_625 : vector<16xi32>
        %parallel_loop3A_627 = tpu.vector_load_idx %arg9[%parallel_loop3A_617] : memref<8192xf32, #tpu.memory_space<vmem>>[vector<16xi32>], vector<16xf32>,
        %parallel_loop3A_628 = tpu.vector_load_idx %arg9[%parallel_loop3A_626] : memref<8192xf32, #tpu.memory_space<vmem>>[vector<16xi32>], vector<16xf32>,
        %parallel_loop3A_629 = arith.mulf %sub3A_482, %parallel_loop3A_627 : vector<16xf32>
        %parallel_loop3A_630 = arith.mulf %gather3A_477, %parallel_loop3A_628 : vector<16xf32>
        %parallel_loop3A_631 = arith.addf %parallel_loop3A_629, %parallel_loop3A_630 : vector<16xf32>
        %parallel_loop3A_632 = arith.index_cast %parallel_loop3A_609 : i32 to index
        %parallel_loop3A_633 = tpu.vector_load %arg13[%parallel_loop3A_632] {strides = array<i32>} : memref<8192xf32, #tpu.memory_space<vmem>>, vector<16xf32>,
        tpu.vector_store %arg13[%parallel_loop3A_632], %parallel_loop3A_631 {strides = array<i32>} : memref<8192xf32, #tpu.memory_space<vmem>>, vector<16xf32>,
      } {sc.loop_unroll_factor = 8 : i64, sc.parallel_access}
      %dma_start3A_499 = arith.constant 0 : i32
      %dma_start3A_500 = tpu.memref_slice %arg4[%add3A_456, %dma_start3A_499] : memref<4096x8192xf32, #tpu.memory_space<hbm>> -> memref<1x8192xf32, #tpu.memory_space<hbm>>
      %dma_start3A_501 = tpu.memref_squeeze %dma_start3A_500 : memref<1x8192xf32, #tpu.memory_space<hbm>> -> memref<8192xf32, #tpu.memory_space<hbm>>
      %dma_start3A_502 = arith.constant 0 : i32
      %dma_start3A_503 = tpu.memref_slice %arg4[%add3A_456, %dma_start3A_502] : memref<4096x8192xf32, #tpu.memory_space<hbm>> -> memref<1x8192xf32, #tpu.memory_space<hbm>>
      %dma_start3A_504 = tpu.memref_squeeze %dma_start3A_503 : memref<1x8192xf32, #tpu.memory_space<hbm>> -> memref<8192xf32, #tpu.memory_space<hbm>>
      tpu.enqueue_dma source(%arg13 : memref<8192xf32, #tpu.memory_space<vmem>>) target(%dma_start3A_504 : memref<8192xf32, #tpu.memory_space<hbm>>) target_semaphore(%arg21 : memref<!tpu.dma_semaphore, #tpu.memory_space<semaphore_mem>>)
      %add3A_505 = arith.constant 2 : i32
      %add3A_506 = arith.addi %add3A_409, %add3A_505 : i32
      %add3A_507 = arith.constant 2 : i32
      %add3A_508 = arith.addi %mul3A_411, %add3A_507 : i32
      %add3A_509 = arith.constant 4 : i32
      %add3A_510 = arith.addi %add3A_508, %add3A_509 : i32
      %sub3A_511 = arith.constant 1 : i32
      %sub3A_512 = arith.subi %add3A_510, %sub3A_511 : i32
      %lt3A_513 = arith.constant 128 : i32
      %lt3A_514 = arith.cmpi slt, %sub3A_512, %lt3A_513 : i32
      %convert_element_type3A_515 = arith.extui %lt3A_514 : i1 to i32
      %cond3A_516 = arith.constant 0 : i32
      %cond3A_517 = arith.cmpi ne, %convert_element_type3A_515, %cond3A_516 : i32
      scf.if %cond3A_517 {
        %add3A_606 = arith.constant 4 : i32
        %add3A_607 = arith.addi %add3A_506, %add3A_606 : i32
        %sub3A_608 = arith.constant 1 : i32
        %sub3A_609 = arith.subi %add3A_607, %sub3A_608 : i32
        %dma_start3A_610 = arith.constant 0 : i32
        %dma_start3A_611 = tpu.memref_slice %arg2[%sub3A_609, %dma_start3A_610] : memref<4096x8192xf32, #tpu.memory_space<hbm>> -> memref<1x8192xf32, #tpu.memory_space<hbm>>
        %dma_start3A_612 = tpu.memref_squeeze %dma_start3A_611 : memref<1x8192xf32, #tpu.memory_space<hbm>> -> memref<8192xf32, #tpu.memory_space<hbm>>
        %dma_start3A_613 = arith.constant 0 : i32
        %dma_start3A_614 = tpu.memref_slice %arg2[%sub3A_609, %dma_start3A_613] : memref<4096x8192xf32, #tpu.memory_space<hbm>> -> memref<1x8192xf32, #tpu.memory_space<hbm>>
        %dma_start3A_615 = tpu.memref_squeeze %dma_start3A_614 : memref<1x8192xf32, #tpu.memory_space<hbm>> -> memref<8192xf32, #tpu.memory_space<hbm>>
        tpu.enqueue_dma source(%dma_start3A_615 : memref<8192xf32, #tpu.memory_space<hbm>>) target(%arg9 : memref<8192xf32, #tpu.memory_space<vmem>>) target_semaphore(%arg17 : memref<!tpu.dma_semaphore, #tpu.memory_space<semaphore_mem>>)
      } else {
      }
      %dma_wait3A_518 = arith.constant 0 : i32
      %dma_wait3A_519 = tpu.memref_slice %arg2[%add3A_506, %dma_wait3A_518] : memref<4096x8192xf32, #tpu.memory_space<hbm>> -> memref<1x8192xf32, #tpu.memory_space<hbm>>
      %dma_wait3A_520 = tpu.memref_squeeze %dma_wait3A_519 : memref<1x8192xf32, #tpu.memory_space<hbm>> -> memref<8192xf32, #tpu.memory_space<hbm>>
      %dma_wait3A_521 = arith.constant 0 : i32
      %dma_wait3A_522 = tpu.memref_slice %arg2[%add3A_506, %dma_wait3A_521] : memref<4096x8192xf32, #tpu.memory_space<hbm>> -> memref<1x8192xf32, #tpu.memory_space<hbm>>
      %dma_wait3A_523 = tpu.memref_squeeze %dma_wait3A_522 : memref<1x8192xf32, #tpu.memory_space<hbm>> -> memref<8192xf32, #tpu.memory_space<hbm>>
      tpu.wait_dma2 semaphore(%arg18 : memref<!tpu.dma_semaphore, #tpu.memory_space<semaphore_mem>>) src(%dma_wait3A_523 : memref<8192xf32, #tpu.memory_space<hbm>>) dst(%arg10 : memref<8192xf32, #tpu.memory_space<vmem>>)
      %rem3A_524 = arith.constant 128 : i32
      %rem3A_525 = arith.remsi %add3A_506, %rem3A_524 : i32
      %broadcast_in_dim3A_526 = vector.broadcast %rem3A_525 : i32 to vector<16xi32>
      %gather3A_527 = tpu.vector_load_idx %arg7[%broadcast_in_dim3A_526] : memref<128xf32, #tpu.memory_space<vmem>>[vector<16xi32>], vector<16xf32>,
      %gather3A_528 = tpu.vector_load_idx %arg6[%broadcast_in_dim3A_526] : memref<128xi32, #tpu.memory_space<vmem>>[vector<16xi32>], vector<16xi32>,
      %add3A_529 = arith.addi %gather3A_528, %iota3A : vector<16xi32>
      %sub3A_530 = arith.constant 1.000000e+00 : f32
      %sub3A_531 = vector.broadcast %sub3A_530 : f32 to vector<16xf32>
      %sub3A_532 = arith.subf %sub3A_531, %gather3A_527 : vector<16xf32>
      %add3A_533 = arith.constant 2 : i32
      %add3A_534 = arith.addi %mul3A_411, %add3A_533 : i32
      %ge3A_535 = arith.constant 4 : i32
      %ge3A_536 = arith.cmpi sge, %add3A_534, %ge3A_535 : i32
      %convert_element_type3A_537 = arith.extui %ge3A_536 : i1 to i32
      %cond3A_538 = arith.constant 0 : i32
      %cond3A_539 = arith.cmpi ne, %convert_element_type3A_537, %cond3A_538 : i32
      scf.if %cond3A_539 {
        %dma_wait3A_606 = arith.constant 0 : i32
        %dma_wait3A_607 = tpu.memref_slice %arg4[%add3A_506, %dma_wait3A_606] : memref<4096x8192xf32, #tpu.memory_space<hbm>> -> memref<1x8192xf32, #tpu.memory_space<hbm>>
        %dma_wait3A_608 = tpu.memref_squeeze %dma_wait3A_607 : memref<1x8192xf32, #tpu.memory_space<hbm>> -> memref<8192xf32, #tpu.memory_space<hbm>>
        %dma_wait3A_609 = arith.constant 0 : i32
        %dma_wait3A_610 = tpu.memref_slice %arg4[%add3A_506, %dma_wait3A_609] : memref<4096x8192xf32, #tpu.memory_space<hbm>> -> memref<1x8192xf32, #tpu.memory_space<hbm>>
        %dma_wait3A_611 = tpu.memref_squeeze %dma_wait3A_610 : memref<1x8192xf32, #tpu.memory_space<hbm>> -> memref<8192xf32, #tpu.memory_space<hbm>>
        tpu.wait_dma2 semaphore(%arg22 : memref<!tpu.dma_semaphore, #tpu.memory_space<semaphore_mem>>) src(%arg14 : memref<8192xf32, #tpu.memory_space<vmem>>) dst(%dma_wait3A_611 : memref<8192xf32, #tpu.memory_space<hbm>>)
      } else {
      }
      %parallel_loop3A_540 = arith.constant 0 : i32
      %parallel_loop3A_541 = arith.constant 16 : i32
      %parallel_loop3A_542 = arith.constant 1 : i32
      scf.for %parallel_loop3A_606 = %parallel_loop3A_540 to %parallel_loop3A_541 step %parallel_loop3A_542  : i32 {
        %parallel_loop3A_607 = arith.constant 16 : i32
        %parallel_loop3A_608 = arith.muli %parallel_loop3A_606, %parallel_loop3A_607 : i32
        %parallel_loop3A_609 = tpu.assume_multiple %parallel_loop3A_608, 16 : i32
        %parallel_loop3A_610 = vector.broadcast %parallel_loop3A_609 : i32 to vector<16xi32>
        %parallel_loop3A_611 = arith.addi %add3A_529, %parallel_loop3A_610 : vector<16xi32>
        %parallel_loop3A_612 = arith.constant 0 : i32
        %parallel_loop3A_613 = vector.broadcast %parallel_loop3A_612 : i32 to vector<16xi32>
        %parallel_loop3A_614 = arith.maxsi %parallel_loop3A_611, %parallel_loop3A_613 : vector<16xi32>
        %parallel_loop3A_615 = arith.constant 8191 : i32
        %parallel_loop3A_616 = vector.broadcast %parallel_loop3A_615 : i32 to vector<16xi32>
        %parallel_loop3A_617 = arith.minsi %parallel_loop3A_614, %parallel_loop3A_616 : vector<16xi32>
        %parallel_loop3A_618 = arith.constant 1 : i32
        %parallel_loop3A_619 = vector.broadcast %parallel_loop3A_618 : i32 to vector<16xi32>
        %parallel_loop3A_620 = arith.addi %parallel_loop3A_611, %parallel_loop3A_619 : vector<16xi32>
        %parallel_loop3A_621 = arith.constant 0 : i32
        %parallel_loop3A_622 = vector.broadcast %parallel_loop3A_621 : i32 to vector<16xi32>
        %parallel_loop3A_623 = arith.maxsi %parallel_loop3A_620, %parallel_loop3A_622 : vector<16xi32>
        %parallel_loop3A_624 = arith.constant 8191 : i32
        %parallel_loop3A_625 = vector.broadcast %parallel_loop3A_624 : i32 to vector<16xi32>
        %parallel_loop3A_626 = arith.minsi %parallel_loop3A_623, %parallel_loop3A_625 : vector<16xi32>
        %parallel_loop3A_627 = tpu.vector_load_idx %arg10[%parallel_loop3A_617] : memref<8192xf32, #tpu.memory_space<vmem>>[vector<16xi32>], vector<16xf32>,
        %parallel_loop3A_628 = tpu.vector_load_idx %arg10[%parallel_loop3A_626] : memref<8192xf32, #tpu.memory_space<vmem>>[vector<16xi32>], vector<16xf32>,
        %parallel_loop3A_629 = arith.mulf %sub3A_532, %parallel_loop3A_627 : vector<16xf32>
        %parallel_loop3A_630 = arith.mulf %gather3A_527, %parallel_loop3A_628 : vector<16xf32>
        %parallel_loop3A_631 = arith.addf %parallel_loop3A_629, %parallel_loop3A_630 : vector<16xf32>
        %parallel_loop3A_632 = arith.index_cast %parallel_loop3A_609 : i32 to index
        %parallel_loop3A_633 = tpu.vector_load %arg14[%parallel_loop3A_632] {strides = array<i32>} : memref<8192xf32, #tpu.memory_space<vmem>>, vector<16xf32>,
        tpu.vector_store %arg14[%parallel_loop3A_632], %parallel_loop3A_631 {strides = array<i32>} : memref<8192xf32, #tpu.memory_space<vmem>>, vector<16xf32>,
      } {sc.loop_unroll_factor = 8 : i64, sc.parallel_access}
      %parallel_loop3A_543 = arith.constant 16 : i32
      %parallel_loop3A_544 = arith.constant 496 : i32
      %parallel_loop3A_545 = arith.constant 1 : i32
      scf.for %parallel_loop3A_606 = %parallel_loop3A_543 to %parallel_loop3A_544 step %parallel_loop3A_545  : i32 {
        %parallel_loop3A_607 = arith.constant 16 : i32
        %parallel_loop3A_608 = arith.muli %parallel_loop3A_606, %parallel_loop3A_607 : i32
        %parallel_loop3A_609 = tpu.assume_multiple %parallel_loop3A_608, 16 : i32
        %parallel_loop3A_610 = vector.broadcast %parallel_loop3A_609 : i32 to vector<16xi32>
        %parallel_loop3A_611 = arith.addi %add3A_529, %parallel_loop3A_610 : vector<16xi32>
        %parallel_loop3A_612 = tpu.vector_load_idx %arg10[%parallel_loop3A_611] : memref<8192xf32, #tpu.memory_space<vmem>>[vector<16xi32>], vector<16xf32>,
        %parallel_loop3A_613 = arith.constant 1 : i32
        %parallel_loop3A_614 = vector.broadcast %parallel_loop3A_613 : i32 to vector<16xi32>
        %parallel_loop3A_615 = arith.addi %parallel_loop3A_611, %parallel_loop3A_614 : vector<16xi32>
        %parallel_loop3A_616 = tpu.vector_load_idx %arg10[%parallel_loop3A_615] : memref<8192xf32, #tpu.memory_space<vmem>>[vector<16xi32>], vector<16xf32>,
        %parallel_loop3A_617 = arith.mulf %sub3A_532, %parallel_loop3A_612 : vector<16xf32>
        %parallel_loop3A_618 = arith.mulf %gather3A_527, %parallel_loop3A_616 : vector<16xf32>
        %parallel_loop3A_619 = arith.addf %parallel_loop3A_617, %parallel_loop3A_618 : vector<16xf32>
        %parallel_loop3A_620 = arith.index_cast %parallel_loop3A_609 : i32 to index
        %parallel_loop3A_621 = tpu.vector_load %arg14[%parallel_loop3A_620] {strides = array<i32>} : memref<8192xf32, #tpu.memory_space<vmem>>, vector<16xf32>,
        tpu.vector_store %arg14[%parallel_loop3A_620], %parallel_loop3A_619 {strides = array<i32>} : memref<8192xf32, #tpu.memory_space<vmem>>, vector<16xf32>,
      } {sc.loop_unroll_factor = 8 : i64, sc.parallel_access}
      %parallel_loop3A_546 = arith.constant 496 : i32
      %parallel_loop3A_547 = arith.constant 512 : i32
      %parallel_loop3A_548 = arith.constant 1 : i32
      scf.for %parallel_loop3A_606 = %parallel_loop3A_546 to %parallel_loop3A_547 step %parallel_loop3A_548  : i32 {
        %parallel_loop3A_607 = arith.constant 16 : i32
        %parallel_loop3A_608 = arith.muli %parallel_loop3A_606, %parallel_loop3A_607 : i32
        %parallel_loop3A_609 = tpu.assume_multiple %parallel_loop3A_608, 16 : i32
        %parallel_loop3A_610 = vector.broadcast %parallel_loop3A_609 : i32 to vector<16xi32>
        %parallel_loop3A_611 = arith.addi %add3A_529, %parallel_loop3A_610 : vector<16xi32>
        %parallel_loop3A_612 = arith.constant 0 : i32
        %parallel_loop3A_613 = vector.broadcast %parallel_loop3A_612 : i32 to vector<16xi32>
        %parallel_loop3A_614 = arith.maxsi %parallel_loop3A_611, %parallel_loop3A_613 : vector<16xi32>
        %parallel_loop3A_615 = arith.constant 8191 : i32
        %parallel_loop3A_616 = vector.broadcast %parallel_loop3A_615 : i32 to vector<16xi32>
        %parallel_loop3A_617 = arith.minsi %parallel_loop3A_614, %parallel_loop3A_616 : vector<16xi32>
        %parallel_loop3A_618 = arith.constant 1 : i32
        %parallel_loop3A_619 = vector.broadcast %parallel_loop3A_618 : i32 to vector<16xi32>
        %parallel_loop3A_620 = arith.addi %parallel_loop3A_611, %parallel_loop3A_619 : vector<16xi32>
        %parallel_loop3A_621 = arith.constant 0 : i32
        %parallel_loop3A_622 = vector.broadcast %parallel_loop3A_621 : i32 to vector<16xi32>
        %parallel_loop3A_623 = arith.maxsi %parallel_loop3A_620, %parallel_loop3A_622 : vector<16xi32>
        %parallel_loop3A_624 = arith.constant 8191 : i32
        %parallel_loop3A_625 = vector.broadcast %parallel_loop3A_624 : i32 to vector<16xi32>
        %parallel_loop3A_626 = arith.minsi %parallel_loop3A_623, %parallel_loop3A_625 : vector<16xi32>
        %parallel_loop3A_627 = tpu.vector_load_idx %arg10[%parallel_loop3A_617] : memref<8192xf32, #tpu.memory_space<vmem>>[vector<16xi32>], vector<16xf32>,
        %parallel_loop3A_628 = tpu.vector_load_idx %arg10[%parallel_loop3A_626] : memref<8192xf32, #tpu.memory_space<vmem>>[vector<16xi32>], vector<16xf32>,
        %parallel_loop3A_629 = arith.mulf %sub3A_532, %parallel_loop3A_627 : vector<16xf32>
        %parallel_loop3A_630 = arith.mulf %gather3A_527, %parallel_loop3A_628 : vector<16xf32>
        %parallel_loop3A_631 = arith.addf %parallel_loop3A_629, %parallel_loop3A_630 : vector<16xf32>
        %parallel_loop3A_632 = arith.index_cast %parallel_loop3A_609 : i32 to index
        %parallel_loop3A_633 = tpu.vector_load %arg14[%parallel_loop3A_632] {strides = array<i32>} : memref<8192xf32, #tpu.memory_space<vmem>>, vector<16xf32>,
        tpu.vector_store %arg14[%parallel_loop3A_632], %parallel_loop3A_631 {strides = array<i32>} : memref<8192xf32, #tpu.memory_space<vmem>>, vector<16xf32>,
      } {sc.loop_unroll_factor = 8 : i64, sc.parallel_access}
      %dma_start3A_549 = arith.constant 0 : i32
      %dma_start3A_550 = tpu.memref_slice %arg4[%add3A_506, %dma_start3A_549] : memref<4096x8192xf32, #tpu.memory_space<hbm>> -> memref<1x8192xf32, #tpu.memory_space<hbm>>
      %dma_start3A_551 = tpu.memref_squeeze %dma_start3A_550 : memref<1x8192xf32, #tpu.memory_space<hbm>> -> memref<8192xf32, #tpu.memory_space<hbm>>
      %dma_start3A_552 = arith.constant 0 : i32
      %dma_start3A_553 = tpu.memref_slice %arg4[%add3A_506, %dma_start3A_552] : memref<4096x8192xf32, #tpu.memory_space<hbm>> -> memref<1x8192xf32, #tpu.memory_space<hbm>>
      %dma_start3A_554 = tpu.memref_squeeze %dma_start3A_553 : memref<1x8192xf32, #tpu.memory_space<hbm>> -> memref<8192xf32, #tpu.memory_space<hbm>>
      tpu.enqueue_dma source(%arg14 : memref<8192xf32, #tpu.memory_space<vmem>>) target(%dma_start3A_554 : memref<8192xf32, #tpu.memory_space<hbm>>) target_semaphore(%arg22 : memref<!tpu.dma_semaphore, #tpu.memory_space<semaphore_mem>>)
      %add3A_555 = arith.constant 3 : i32
      %add3A_556 = arith.addi %add3A_409, %add3A_555 : i32
      %add3A_557 = arith.constant 3 : i32
      %add3A_558 = arith.addi %mul3A_411, %add3A_557 : i32
      %add3A_559 = arith.constant 4 : i32
      %add3A_560 = arith.addi %add3A_558, %add3A_559 : i32
      %sub3A_561 = arith.constant 1 : i32
      %sub3A_562 = arith.subi %add3A_560, %sub3A_561 : i32
      %lt3A_563 = arith.constant 128 : i32
      %lt3A_564 = arith.cmpi slt, %sub3A_562, %lt3A_563 : i32
      %convert_element_type3A_565 = arith.extui %lt3A_564 : i1 to i32
      %cond3A_566 = arith.constant 0 : i32
      %cond3A_567 = arith.cmpi ne, %convert_element_type3A_565, %cond3A_566 : i32
      scf.if %cond3A_567 {
        %add3A_606 = arith.constant 4 : i32
        %add3A_607 = arith.addi %add3A_556, %add3A_606 : i32
        %sub3A_608 = arith.constant 1 : i32
        %sub3A_609 = arith.subi %add3A_607, %sub3A_608 : i32
        %dma_start3A_610 = arith.constant 0 : i32
        %dma_start3A_611 = tpu.memref_slice %arg2[%sub3A_609, %dma_start3A_610] : memref<4096x8192xf32, #tpu.memory_space<hbm>> -> memref<1x8192xf32, #tpu.memory_space<hbm>>
        %dma_start3A_612 = tpu.memref_squeeze %dma_start3A_611 : memref<1x8192xf32, #tpu.memory_space<hbm>> -> memref<8192xf32, #tpu.memory_space<hbm>>
        %dma_start3A_613 = arith.constant 0 : i32
        %dma_start3A_614 = tpu.memref_slice %arg2[%sub3A_609, %dma_start3A_613] : memref<4096x8192xf32, #tpu.memory_space<hbm>> -> memref<1x8192xf32, #tpu.memory_space<hbm>>
        %dma_start3A_615 = tpu.memref_squeeze %dma_start3A_614 : memref<1x8192xf32, #tpu.memory_space<hbm>> -> memref<8192xf32, #tpu.memory_space<hbm>>
        tpu.enqueue_dma source(%dma_start3A_615 : memref<8192xf32, #tpu.memory_space<hbm>>) target(%arg10 : memref<8192xf32, #tpu.memory_space<vmem>>) target_semaphore(%arg18 : memref<!tpu.dma_semaphore, #tpu.memory_space<semaphore_mem>>)
      } else {
      }
      %dma_wait3A_568 = arith.constant 0 : i32
      %dma_wait3A_569 = tpu.memref_slice %arg2[%add3A_556, %dma_wait3A_568] : memref<4096x8192xf32, #tpu.memory_space<hbm>> -> memref<1x8192xf32, #tpu.memory_space<hbm>>
      %dma_wait3A_570 = tpu.memref_squeeze %dma_wait3A_569 : memref<1x8192xf32, #tpu.memory_space<hbm>> -> memref<8192xf32, #tpu.memory_space<hbm>>
      %dma_wait3A_571 = arith.constant 0 : i32
      %dma_wait3A_572 = tpu.memref_slice %arg2[%add3A_556, %dma_wait3A_571] : memref<4096x8192xf32, #tpu.memory_space<hbm>> -> memref<1x8192xf32, #tpu.memory_space<hbm>>
      %dma_wait3A_573 = tpu.memref_squeeze %dma_wait3A_572 : memref<1x8192xf32, #tpu.memory_space<hbm>> -> memref<8192xf32, #tpu.memory_space<hbm>>
      tpu.wait_dma2 semaphore(%arg19 : memref<!tpu.dma_semaphore, #tpu.memory_space<semaphore_mem>>) src(%dma_wait3A_573 : memref<8192xf32, #tpu.memory_space<hbm>>) dst(%arg11 : memref<8192xf32, #tpu.memory_space<vmem>>)
      %rem3A_574 = arith.constant 128 : i32
      %rem3A_575 = arith.remsi %add3A_556, %rem3A_574 : i32
      %broadcast_in_dim3A_576 = vector.broadcast %rem3A_575 : i32 to vector<16xi32>
      %gather3A_577 = tpu.vector_load_idx %arg7[%broadcast_in_dim3A_576] : memref<128xf32, #tpu.memory_space<vmem>>[vector<16xi32>], vector<16xf32>,
      %gather3A_578 = tpu.vector_load_idx %arg6[%broadcast_in_dim3A_576] : memref<128xi32, #tpu.memory_space<vmem>>[vector<16xi32>], vector<16xi32>,
      %add3A_579 = arith.addi %gather3A_578, %iota3A : vector<16xi32>
      %sub3A_580 = arith.constant 1.000000e+00 : f32
      %sub3A_581 = vector.broadcast %sub3A_580 : f32 to vector<16xf32>
      %sub3A_582 = arith.subf %sub3A_581, %gather3A_577 : vector<16xf32>
      %add3A_583 = arith.constant 3 : i32
      %add3A_584 = arith.addi %mul3A_411, %add3A_583 : i32
      %ge3A_585 = arith.constant 4 : i32
      %ge3A_586 = arith.cmpi sge, %add3A_584, %ge3A_585 : i32
      %convert_element_type3A_587 = arith.extui %ge3A_586 : i1 to i32
      %cond3A_588 = arith.constant 0 : i32
      %cond3A_589 = arith.cmpi ne, %convert_element_type3A_587, %cond3A_588 : i32
      scf.if %cond3A_589 {
        %dma_wait3A_606 = arith.constant 0 : i32
        %dma_wait3A_607 = tpu.memref_slice %arg4[%add3A_556, %dma_wait3A_606] : memref<4096x8192xf32, #tpu.memory_space<hbm>> -> memref<1x8192xf32, #tpu.memory_space<hbm>>
        %dma_wait3A_608 = tpu.memref_squeeze %dma_wait3A_607 : memref<1x8192xf32, #tpu.memory_space<hbm>> -> memref<8192xf32, #tpu.memory_space<hbm>>
        %dma_wait3A_609 = arith.constant 0 : i32
        %dma_wait3A_610 = tpu.memref_slice %arg4[%add3A_556, %dma_wait3A_609] : memref<4096x8192xf32, #tpu.memory_space<hbm>> -> memref<1x8192xf32, #tpu.memory_space<hbm>>
        %dma_wait3A_611 = tpu.memref_squeeze %dma_wait3A_610 : memref<1x8192xf32, #tpu.memory_space<hbm>> -> memref<8192xf32, #tpu.memory_space<hbm>>
        tpu.wait_dma2 semaphore(%arg23 : memref<!tpu.dma_semaphore, #tpu.memory_space<semaphore_mem>>) src(%arg15 : memref<8192xf32, #tpu.memory_space<vmem>>) dst(%dma_wait3A_611 : memref<8192xf32, #tpu.memory_space<hbm>>)
      } else {
      }
      %parallel_loop3A_590 = arith.constant 0 : i32
      %parallel_loop3A_591 = arith.constant 16 : i32
      %parallel_loop3A_592 = arith.constant 1 : i32
      scf.for %parallel_loop3A_606 = %parallel_loop3A_590 to %parallel_loop3A_591 step %parallel_loop3A_592  : i32 {
        %parallel_loop3A_607 = arith.constant 16 : i32
        %parallel_loop3A_608 = arith.muli %parallel_loop3A_606, %parallel_loop3A_607 : i32
        %parallel_loop3A_609 = tpu.assume_multiple %parallel_loop3A_608, 16 : i32
        %parallel_loop3A_610 = vector.broadcast %parallel_loop3A_609 : i32 to vector<16xi32>
        %parallel_loop3A_611 = arith.addi %add3A_579, %parallel_loop3A_610 : vector<16xi32>
        %parallel_loop3A_612 = arith.constant 0 : i32
        %parallel_loop3A_613 = vector.broadcast %parallel_loop3A_612 : i32 to vector<16xi32>
        %parallel_loop3A_614 = arith.maxsi %parallel_loop3A_611, %parallel_loop3A_613 : vector<16xi32>
        %parallel_loop3A_615 = arith.constant 8191 : i32
        %parallel_loop3A_616 = vector.broadcast %parallel_loop3A_615 : i32 to vector<16xi32>
        %parallel_loop3A_617 = arith.minsi %parallel_loop3A_614, %parallel_loop3A_616 : vector<16xi32>
        %parallel_loop3A_618 = arith.constant 1 : i32
        %parallel_loop3A_619 = vector.broadcast %parallel_loop3A_618 : i32 to vector<16xi32>
        %parallel_loop3A_620 = arith.addi %parallel_loop3A_611, %parallel_loop3A_619 : vector<16xi32>
        %parallel_loop3A_621 = arith.constant 0 : i32
        %parallel_loop3A_622 = vector.broadcast %parallel_loop3A_621 : i32 to vector<16xi32>
        %parallel_loop3A_623 = arith.maxsi %parallel_loop3A_620, %parallel_loop3A_622 : vector<16xi32>
        %parallel_loop3A_624 = arith.constant 8191 : i32
        %parallel_loop3A_625 = vector.broadcast %parallel_loop3A_624 : i32 to vector<16xi32>
        %parallel_loop3A_626 = arith.minsi %parallel_loop3A_623, %parallel_loop3A_625 : vector<16xi32>
        %parallel_loop3A_627 = tpu.vector_load_idx %arg11[%parallel_loop3A_617] : memref<8192xf32, #tpu.memory_space<vmem>>[vector<16xi32>], vector<16xf32>,
        %parallel_loop3A_628 = tpu.vector_load_idx %arg11[%parallel_loop3A_626] : memref<8192xf32, #tpu.memory_space<vmem>>[vector<16xi32>], vector<16xf32>,
        %parallel_loop3A_629 = arith.mulf %sub3A_582, %parallel_loop3A_627 : vector<16xf32>
        %parallel_loop3A_630 = arith.mulf %gather3A_577, %parallel_loop3A_628 : vector<16xf32>
        %parallel_loop3A_631 = arith.addf %parallel_loop3A_629, %parallel_loop3A_630 : vector<16xf32>
        %parallel_loop3A_632 = arith.index_cast %parallel_loop3A_609 : i32 to index
        %parallel_loop3A_633 = tpu.vector_load %arg15[%parallel_loop3A_632] {strides = array<i32>} : memref<8192xf32, #tpu.memory_space<vmem>>, vector<16xf32>,
        tpu.vector_store %arg15[%parallel_loop3A_632], %parallel_loop3A_631 {strides = array<i32>} : memref<8192xf32, #tpu.memory_space<vmem>>, vector<16xf32>,
      } {sc.loop_unroll_factor = 8 : i64, sc.parallel_access}
      %parallel_loop3A_593 = arith.constant 16 : i32
      %parallel_loop3A_594 = arith.constant 496 : i32
      %parallel_loop3A_595 = arith.constant 1 : i32
      scf.for %parallel_loop3A_606 = %parallel_loop3A_593 to %parallel_loop3A_594 step %parallel_loop3A_595  : i32 {
        %parallel_loop3A_607 = arith.constant 16 : i32
        %parallel_loop3A_608 = arith.muli %parallel_loop3A_606, %parallel_loop3A_607 : i32
        %parallel_loop3A_609 = tpu.assume_multiple %parallel_loop3A_608, 16 : i32
        %parallel_loop3A_610 = vector.broadcast %parallel_loop3A_609 : i32 to vector<16xi32>
        %parallel_loop3A_611 = arith.addi %add3A_579, %parallel_loop3A_610 : vector<16xi32>
        %parallel_loop3A_612 = tpu.vector_load_idx %arg11[%parallel_loop3A_611] : memref<8192xf32, #tpu.memory_space<vmem>>[vector<16xi32>], vector<16xf32>,
        %parallel_loop3A_613 = arith.constant 1 : i32
        %parallel_loop3A_614 = vector.broadcast %parallel_loop3A_613 : i32 to vector<16xi32>
        %parallel_loop3A_615 = arith.addi %parallel_loop3A_611, %parallel_loop3A_614 : vector<16xi32>
        %parallel_loop3A_616 = tpu.vector_load_idx %arg11[%parallel_loop3A_615] : memref<8192xf32, #tpu.memory_space<vmem>>[vector<16xi32>], vector<16xf32>,
        %parallel_loop3A_617 = arith.mulf %sub3A_582, %parallel_loop3A_612 : vector<16xf32>
        %parallel_loop3A_618 = arith.mulf %gather3A_577, %parallel_loop3A_616 : vector<16xf32>
        %parallel_loop3A_619 = arith.addf %parallel_loop3A_617, %parallel_loop3A_618 : vector<16xf32>
        %parallel_loop3A_620 = arith.index_cast %parallel_loop3A_609 : i32 to index
        %parallel_loop3A_621 = tpu.vector_load %arg15[%parallel_loop3A_620] {strides = array<i32>} : memref<8192xf32, #tpu.memory_space<vmem>>, vector<16xf32>,
        tpu.vector_store %arg15[%parallel_loop3A_620], %parallel_loop3A_619 {strides = array<i32>} : memref<8192xf32, #tpu.memory_space<vmem>>, vector<16xf32>,
      } {sc.loop_unroll_factor = 8 : i64, sc.parallel_access}
      %parallel_loop3A_596 = arith.constant 496 : i32
      %parallel_loop3A_597 = arith.constant 512 : i32
      %parallel_loop3A_598 = arith.constant 1 : i32
      scf.for %parallel_loop3A_606 = %parallel_loop3A_596 to %parallel_loop3A_597 step %parallel_loop3A_598  : i32 {
        %parallel_loop3A_607 = arith.constant 16 : i32
        %parallel_loop3A_608 = arith.muli %parallel_loop3A_606, %parallel_loop3A_607 : i32
        %parallel_loop3A_609 = tpu.assume_multiple %parallel_loop3A_608, 16 : i32
        %parallel_loop3A_610 = vector.broadcast %parallel_loop3A_609 : i32 to vector<16xi32>
        %parallel_loop3A_611 = arith.addi %add3A_579, %parallel_loop3A_610 : vector<16xi32>
        %parallel_loop3A_612 = arith.constant 0 : i32
        %parallel_loop3A_613 = vector.broadcast %parallel_loop3A_612 : i32 to vector<16xi32>
        %parallel_loop3A_614 = arith.maxsi %parallel_loop3A_611, %parallel_loop3A_613 : vector<16xi32>
        %parallel_loop3A_615 = arith.constant 8191 : i32
        %parallel_loop3A_616 = vector.broadcast %parallel_loop3A_615 : i32 to vector<16xi32>
        %parallel_loop3A_617 = arith.minsi %parallel_loop3A_614, %parallel_loop3A_616 : vector<16xi32>
        %parallel_loop3A_618 = arith.constant 1 : i32
        %parallel_loop3A_619 = vector.broadcast %parallel_loop3A_618 : i32 to vector<16xi32>
        %parallel_loop3A_620 = arith.addi %parallel_loop3A_611, %parallel_loop3A_619 : vector<16xi32>
        %parallel_loop3A_621 = arith.constant 0 : i32
        %parallel_loop3A_622 = vector.broadcast %parallel_loop3A_621 : i32 to vector<16xi32>
        %parallel_loop3A_623 = arith.maxsi %parallel_loop3A_620, %parallel_loop3A_622 : vector<16xi32>
        %parallel_loop3A_624 = arith.constant 8191 : i32
        %parallel_loop3A_625 = vector.broadcast %parallel_loop3A_624 : i32 to vector<16xi32>
        %parallel_loop3A_626 = arith.minsi %parallel_loop3A_623, %parallel_loop3A_625 : vector<16xi32>
        %parallel_loop3A_627 = tpu.vector_load_idx %arg11[%parallel_loop3A_617] : memref<8192xf32, #tpu.memory_space<vmem>>[vector<16xi32>], vector<16xf32>,
        %parallel_loop3A_628 = tpu.vector_load_idx %arg11[%parallel_loop3A_626] : memref<8192xf32, #tpu.memory_space<vmem>>[vector<16xi32>], vector<16xf32>,
        %parallel_loop3A_629 = arith.mulf %sub3A_582, %parallel_loop3A_627 : vector<16xf32>
        %parallel_loop3A_630 = arith.mulf %gather3A_577, %parallel_loop3A_628 : vector<16xf32>
        %parallel_loop3A_631 = arith.addf %parallel_loop3A_629, %parallel_loop3A_630 : vector<16xf32>
        %parallel_loop3A_632 = arith.index_cast %parallel_loop3A_609 : i32 to index
        %parallel_loop3A_633 = tpu.vector_load %arg15[%parallel_loop3A_632] {strides = array<i32>} : memref<8192xf32, #tpu.memory_space<vmem>>, vector<16xf32>,
        tpu.vector_store %arg15[%parallel_loop3A_632], %parallel_loop3A_631 {strides = array<i32>} : memref<8192xf32, #tpu.memory_space<vmem>>, vector<16xf32>,
      } {sc.loop_unroll_factor = 8 : i64, sc.parallel_access}
      %dma_start3A_599 = arith.constant 0 : i32
      %dma_start3A_600 = tpu.memref_slice %arg4[%add3A_556, %dma_start3A_599] : memref<4096x8192xf32, #tpu.memory_space<hbm>> -> memref<1x8192xf32, #tpu.memory_space<hbm>>
      %dma_start3A_601 = tpu.memref_squeeze %dma_start3A_600 : memref<1x8192xf32, #tpu.memory_space<hbm>> -> memref<8192xf32, #tpu.memory_space<hbm>>
      %dma_start3A_602 = arith.constant 0 : i32
      %dma_start3A_603 = tpu.memref_slice %arg4[%add3A_556, %dma_start3A_602] : memref<4096x8192xf32, #tpu.memory_space<hbm>> -> memref<1x8192xf32, #tpu.memory_space<hbm>>
      %dma_start3A_604 = tpu.memref_squeeze %dma_start3A_603 : memref<1x8192xf32, #tpu.memory_space<hbm>> -> memref<8192xf32, #tpu.memory_space<hbm>>
      tpu.enqueue_dma source(%arg15 : memref<8192xf32, #tpu.memory_space<vmem>>) target(%dma_start3A_604 : memref<8192xf32, #tpu.memory_space<hbm>>) target_semaphore(%arg23 : memref<!tpu.dma_semaphore, #tpu.memory_space<semaphore_mem>>)
      %scan3A_605 = arith.constant 0 : i32
      scf.yield %scan3A_605 : i32
    }
    %scan3A_373 = arith.constant 32 : i32
    %add3A_374 = arith.constant 0 : i32
    %add3A_375 = arith.addi %mul3A_344, %add3A_374 : i32
    %dma_wait3A = arith.constant 0 : i32
    %dma_wait3A_376 = tpu.memref_slice %arg4[%add3A_375, %dma_wait3A] : memref<4096x8192xf32, #tpu.memory_space<hbm>> -> memref<1x8192xf32, #tpu.memory_space<hbm>>
    %dma_wait3A_377 = tpu.memref_squeeze %dma_wait3A_376 : memref<1x8192xf32, #tpu.memory_space<hbm>> -> memref<8192xf32, #tpu.memory_space<hbm>>
    %dma_wait3A_378 = arith.constant 0 : i32
    %dma_wait3A_379 = tpu.memref_slice %arg4[%add3A_375, %dma_wait3A_378] : memref<4096x8192xf32, #tpu.memory_space<hbm>> -> memref<1x8192xf32, #tpu.memory_space<hbm>>
    %dma_wait3A_380 = tpu.memref_squeeze %dma_wait3A_379 : memref<1x8192xf32, #tpu.memory_space<hbm>> -> memref<8192xf32, #tpu.memory_space<hbm>>
    tpu.wait_dma2 semaphore(%arg20 : memref<!tpu.dma_semaphore, #tpu.memory_space<semaphore_mem>>) src(%arg12 : memref<8192xf32, #tpu.memory_space<vmem>>) dst(%dma_wait3A_380 : memref<8192xf32, #tpu.memory_space<hbm>>)
    %add3A_381 = arith.constant 1 : i32
    %add3A_382 = arith.addi %mul3A_344, %add3A_381 : i32
    %dma_wait3A_383 = arith.constant 0 : i32
    %dma_wait3A_384 = tpu.memref_slice %arg4[%add3A_382, %dma_wait3A_383] : memref<4096x8192xf32, #tpu.memory_space<hbm>> -> memref<1x8192xf32, #tpu.memory_space<hbm>>
    %dma_wait3A_385 = tpu.memref_squeeze %dma_wait3A_384 : memref<1x8192xf32, #tpu.memory_space<hbm>> -> memref<8192xf32, #tpu.memory_space<hbm>>
    %dma_wait3A_386 = arith.constant 0 : i32
    %dma_wait3A_387 = tpu.memref_slice %arg4[%add3A_382, %dma_wait3A_386] : memref<4096x8192xf32, #tpu.memory_space<hbm>> -> memref<1x8192xf32, #tpu.memory_space<hbm>>
    %dma_wait3A_388 = tpu.memref_squeeze %dma_wait3A_387 : memref<1x8192xf32, #tpu.memory_space<hbm>> -> memref<8192xf32, #tpu.memory_space<hbm>>
    tpu.wait_dma2 semaphore(%arg21 : memref<!tpu.dma_semaphore, #tpu.memory_space<semaphore_mem>>) src(%arg13 : memref<8192xf32, #tpu.memory_space<vmem>>) dst(%dma_wait3A_388 : memref<8192xf32, #tpu.memory_space<hbm>>)
    %add3A_389 = arith.constant 2 : i32
    %add3A_390 = arith.addi %mul3A_344, %add3A_389 : i32
    %dma_wait3A_391 = arith.constant 0 : i32
    %dma_wait3A_392 = tpu.memref_slice %arg4[%add3A_390, %dma_wait3A_391] : memref<4096x8192xf32, #tpu.memory_space<hbm>> -> memref<1x8192xf32, #tpu.memory_space<hbm>>
    %dma_wait3A_393 = tpu.memref_squeeze %dma_wait3A_392 : memref<1x8192xf32, #tpu.memory_space<hbm>> -> memref<8192xf32, #tpu.memory_space<hbm>>
    %dma_wait3A_394 = arith.constant 0 : i32
    %dma_wait3A_395 = tpu.memref_slice %arg4[%add3A_390, %dma_wait3A_394] : memref<4096x8192xf32, #tpu.memory_space<hbm>> -> memref<1x8192xf32, #tpu.memory_space<hbm>>
    %dma_wait3A_396 = tpu.memref_squeeze %dma_wait3A_395 : memref<1x8192xf32, #tpu.memory_space<hbm>> -> memref<8192xf32, #tpu.memory_space<hbm>>
    tpu.wait_dma2 semaphore(%arg22 : memref<!tpu.dma_semaphore, #tpu.memory_space<semaphore_mem>>) src(%arg14 : memref<8192xf32, #tpu.memory_space<vmem>>) dst(%dma_wait3A_396 : memref<8192xf32, #tpu.memory_space<hbm>>)
    %add3A_397 = arith.constant 3 : i32
    %add3A_398 = arith.addi %mul3A_344, %add3A_397 : i32
    %dma_wait3A_399 = arith.constant 0 : i32
    %dma_wait3A_400 = tpu.memref_slice %arg4[%add3A_398, %dma_wait3A_399] : memref<4096x8192xf32, #tpu.memory_space<hbm>> -> memref<1x8192xf32, #tpu.memory_space<hbm>>
    %dma_wait3A_401 = tpu.memref_squeeze %dma_wait3A_400 : memref<1x8192xf32, #tpu.memory_space<hbm>> -> memref<8192xf32, #tpu.memory_space<hbm>>
    %dma_wait3A_402 = arith.constant 0 : i32
    %dma_wait3A_403 = tpu.memref_slice %arg4[%add3A_398, %dma_wait3A_402] : memref<4096x8192xf32, #tpu.memory_space<hbm>> -> memref<1x8192xf32, #tpu.memory_space<hbm>>
    %dma_wait3A_404 = tpu.memref_squeeze %dma_wait3A_403 : memref<1x8192xf32, #tpu.memory_space<hbm>> -> memref<8192xf32, #tpu.memory_space<hbm>>
    tpu.wait_dma2 semaphore(%arg23 : memref<!tpu.dma_semaphore, #tpu.memory_space<semaphore_mem>>) src(%arg15 : memref<8192xf32, #tpu.memory_space<vmem>>) dst(%dma_wait3A_404 : memref<8192xf32, #tpu.memory_space<hbm>>)
    return
  }
}

</mosaic_0001>

<sc_bundles>
// kernel: kernel.3.cloned.1.call-start
scs
__scs_entry_jumppad:
0x0: {  	(pc) =	sbr.rel $0x88, $3  }
0x1: {  	(tag) =	ssettag $0x0;
	lr =	simm.s32 $0x1  }
0x2: {  	[smem:$0x3F9F] =	sst lr;
	_ =	strace $0xD0000000  }
0x3: {  	_ = 	snop  }
0x4: {  	_ = 	snop  }
0x5: {  	_ = 	snop  }
0x6: {  	_ = 	snop  }
0x7: {  	_ = 	snop  }
__scs_overlays_trampoline_lowered:
0x8: {  	[smem:$0x3FAE] =	sst s0  }
0x9: {  	[smem:$0x3FAF] =	sst s1  }
0xa: {  	[smem:$0x3FB0] =	sst s2  }
0xb: {  	[smem:$0x3FB1] =	sst s3  }
0xc: {  	[smem:$0x3FB2] =	sst s4  }
0xd: {  	[smem:$0x3FB3] =	sst s5  }
0xe: {  	[smem:$0x3FB4] =	sst s6  }
0xf: {  	[smem:$0x3FB5] =	sst s7  }
0x10: {  	[smem:$0x3FB6] =	sst s8  }
0x11: {  	[smem:$0x3FB7] =	sst s9;
	s0 =	simm.s32 @!p0 $0x0  }
0x12: {  	s1 =	sld [smem:$0x3F9D];
	s0 =	simm.s32 @p0 $0x1  }
0x13: {  	[smem:$0x3FB8] =	sst s0;
	s0 =	simm.s32 @!p1 $0x0  }
0x14: {  	s2 =	sld [smem:$0x3F9C];
	s0 =	simm.s32 @p1 $0x1  }
0x15: {  	[smem:$0x3FB9] =	sst s0;
	s0 =	simm.s32 @!p2 $0x0  }
0x16: {  	s3 =	sld [smem:$0x3FDB];
	s0 =	simm.s32 @p2 $0x1  }
0x17: {  	s4 =	simm.s32 $0x1BF5;
	[smem:$0x3FBB] =	sst s0  }
0x18: {  	s0 =	sld [smem:$0x3F9E];
	_ =	swait.ge [sflag:s4], $0x0  }
0x19: {  	s7 =	sld [smem:$0x3F9F]  }
0x1a: {  	s8 =	sadd.s32 $0xFFFFE003, lr  }
0x1b: {  	s9 =	sadd.s32 $0xFFFFFEF7, lr;
	s5 =	simm.s32 $0xFFFFFFFF;
	p2 =	slt.u32 s8, $0xFFFFF086  }
0x1c: {  	p1 =	slt.u32 s9, $0xF7A;
	s5 =	simm.s32 @!p2 $0x0  }
0x1d: {  	s5 =	simm.s32 @p1 $0x1;
	p0 =	seq.s32 s7, s2  }
0x1e: {  	s7 =	smul.u32 @!p0 $0xF7A, s2;
	p2 =	seq.s32 @!p0 s5, $0x0  }
0x1f: {  	s9 =	smul.u32 $0xF7A, s1;
	s8 =	simm.s32 @!p0 $0x1BF5;
	p2 =	por !p2, p0  }
0x20: {  	[sflag:s8] =	ssyncset.s32 @!p0 $0xFFFFF086;
	s6 =	sadd.s32 @!p0 s3, s7;
	s7 =	simm.s32 @!p0 $0x108  }
0x21: {  	s3 =	sadd.s32 s3, s9;
	s6 =	sadd.s32 @!p0 $0x88, s6;
	s7 =	simm.s32 @p2 $0x1082  }
0x22: {  	[simem:s7], [sflag:s8] =	dma.local @!p0 [hbm:s6], $0xF7A  }
0x23: {  	s9 =	sor.u32 $0xD0000000, s2;
	s6 =	simm.s32 $0x108;
	_ =	swait.ge @!p0 [sflag:s8], $0x0  }
0x24: {  	s3 =	sadd.s32 $0x88, s3;
	s6 =	simm.s32 @!p1 $0x1082;
	[sflag:s4] =	ssyncset.s32 $0xFFFFF086  }
0x25: {  	[simem:s6], [sflag:s4] =	dma.local [hbm:s3], $0xF7A  }
0x26: {  	[smem:$0x3F9F] =	sst s1;
	(tag) =	ssettag s2;
	_ =	strace s9  }
0x27: {  	s1 =	sld [smem:$0x3FAF]  }
0x28: {  	s2 =	sld [smem:$0x3FB0]  }
0x29: {  	s4 =	sld [smem:$0x3FB2]  }
0x2a: {  	p0 =	seq.s32 s5, $0x0;
	s5 =	sld [smem:$0x3FB3]  }
0x2b: {  	s6 =	sld [smem:$0x3FB4]  }
0x2c: {  	s7 =	sld [smem:$0x3FB5]  }
0x2d: {  	s3 =	simm.s32 $0x108;
	s8 =	sld [smem:$0x3FB6]  }
0x2e: {  	s3 =	simm.s32 @!p0 $0x1082;
	s9 =	sld [smem:$0x3FB7]  }
0x2f: {  	lr =	sadd.s32 s0, s3;
	s0 =	sld [smem:$0x3FAE]  }
0x30: {  	s3 =	sld [smem:$0x3FB1]  }
0x31: {  	[smem:$0x3FBA] =	sst s10  }
0x32: {  	s10 =	sld [smem:$0x3FB8];
	_ =	sdelay $0x3  }
0x33: {  	p0 =	seq.s32 s10, $0x1;
	s10 =	sld [smem:$0x3FBA];
	_ =	sdelay $0x3  }
0x34: {  	[smem:$0x3FBA] =	sst s10  }
0x35: {  	s10 =	sld [smem:$0x3FB9];
	_ =	sdelay $0x3  }
0x36: {  	p1 =	seq.s32 s10, $0x1;
	s10 =	sld [smem:$0x3FBA];
	_ =	sdelay $0x3  }
0x37: {  	[smem:$0x3FBA] =	sst s10  }
0x38: {  	s10 =	sld [smem:$0x3FBB]  }
0x39: {  	_ = 	snop;
	(pc) =	sbr.ind lr, $3  }
0x3a: {  	_ = 	snop  }
0x3b: {  	_ = 	snop  }
0x3c: {  	p2 =	seq.s32 s10, $0x1;
	s10 =	sld [smem:$0x3FBA]  }
0x3d: {  	_ =	shalt  }
0x3e: {  	_ =	shalt  }
0x3f: {  	_ =	shalt  }
0x40: {  	_ =	shalt  }
0x41: {  	_ =	shalt  }
0x42: {  	_ =	shalt  }
0x43: {  	_ =	shalt  }
0x44: {  	_ =	shalt  }
0x45: {  	_ =	shalt  }
0x46: {  	_ =	shalt  }
0x47: {  	_ =	shalt  }
0x48: {  	_ =	shalt  }
0x49: {  	_ =	shalt  }
0x4a: {  	_ =	shalt  }
0x4b: {  	_ =	shalt  }
0x4c: {  	_ =	shalt  }
0x4d: {  	_ =	shalt  }
0x4e: {  	_ =	shalt  }
0x4f: {  	_ =	shalt  }
0x50: {  	_ =	shalt  }
0x51: {  	_ =	shalt  }
0x52: {  	_ =	shalt  }
0x53: {  	_ =	shalt  }
0x54: {  	_ =	shalt  }
0x55: {  	_ =	shalt  }
0x56: {  	_ =	shalt  }
0x57: {  	_ =	shalt  }
0x58: {  	_ =	shalt  }
0x59: {  	_ =	shalt  }
0x5a: {  	_ =	shalt  }
0x5b: {  	_ =	shalt  }
0x5c: {  	_ =	shalt  }
0x5d: {  	_ =	shalt  }
0x5e: {  	_ =	shalt  }
0x5f: {  	_ =	shalt  }
0x60: {  	_ =	shalt  }
0x61: {  	_ =	shalt  }
0x62: {  	_ =	shalt  }
0x63: {  	_ =	shalt  }
0x64: {  	_ =	shalt  }
0x65: {  	_ =	shalt  }
0x66: {  	_ =	shalt  }
0x67: {  	_ =	shalt  }
0x68: {  	_ =	shalt  }
0x69: {  	_ =	shalt  }
0x6a: {  	_ =	shalt  }
0x6b: {  	_ =	shalt  }
0x6c: {  	_ =	shalt  }
0x6d: {  	_ =	shalt  }
0x6e: {  	_ =	shalt  }
0x6f: {  	_ =	shalt  }
0x70: {  	_ =	shalt  }
0x71: {  	_ =	shalt  }
0x72: {  	_ =	shalt  }
0x73: {  	_ =	shalt  }
0x74: {  	_ =	shalt  }
0x75: {  	_ =	shalt  }
0x76: {  	_ =	shalt  }
0x77: {  	_ =	shalt  }
0x78: {  	_ =	shalt  }
0x79: {  	_ =	shalt  }
0x7a: {  	_ =	shalt  }
0x7b: {  	_ =	shalt  }
0x7c: {  	_ =	shalt  }
0x7d: {  	_ =	shalt  }
0x7e: {  	_ =	shalt  }
0x7f: {  	_ =	shalt  }
0x80: {  	_ =	shalt  }
0x81: {  	_ =	shalt  }
0x82: {  	_ =	shalt  }
0x83: {  	_ =	shalt  }
0x84: {  	_ =	shalt  }
0x85: {  	_ =	shalt  }
0x86: {  	_ =	shalt  }
0x87: {  	_ =	shalt  }
.Lfunc_end0:
.L_simem_size_0:
called_computation_lowered:
.L_overlay_start_0:
0x88: {  	s2 =	sld [smem:$0x3FD9]  }
0x89: {  	s3 =	sld [smem:$0x3FFE];
	_ =	sdelay $0x1  }
0x8a: {  	s1 =	srdreg.scid  }
0x8b: {  	s0 =	sand.u32 $0x1, s1  }
0x8c: {  	s18 =	sshll.u32 s0, $0xA;
	s2 =	sadd.s32 s3, s2  }
0x8d: {  	s2 =	sadd.s32 s2, s18  }
0x8e: {  	[smem:$0x3FC6] =	sst s2  }
0x8f: {  	_ = 	snop  }
0x90: {  	s2 =	sld [smem:$0x3FC9]  }
0x91: {  	s19 =	sld [smem:$0x3FC8]  }
0x92: {  	s4 =	sld [smem:$0x3FD0];
	(tm) =	ssettm $0x1  }
0x93: {  	s5 =	sld [smem:$0x3FFB];
	_ =	sdelay $0x3  }
0x94: {  	_ =	strace s5  }
0x95: {  	s5 =	sld [smem:$0x3FFC];
	_ =	sdelay $0x3  }
0x96: {  	_ =	strace s5  }
0x97: {  	s5 =	sld [smem:$0x3FFD];
	_ =	sdelay $0x3  }
0x98: {  	_ =	strace s5  }
0x99: {  	_ =	strace $0x8FFFFFFF  }
0x9a: {  	s20 =	sld [smem:$0x3FDB];
	_ =	sdelay $0x1  }
0x9b: {  	s6 =	simm.s32 $_scs_section_size  }
0x9c: {  	s7 =	simm.s32 $_size__tile_overlayer_lowered;
	s8 =	simm.s32 $_tile_overlayer_lowered  }
0x9d: {  	s23 =	simm.s32 $0x1BFF;
	s22 =	sshll.u32 s8, $0x1;
	s5 =	sadd.s32 s6, s20  }
0x9e: {  	s9 =	simm.s32 $0x0;
	s21 =	sshll.u32 s7, $0x1;
	s7 =	sadd.s32 s22, s5  }
0x9f: {  	[timem:s9], [sflag:s23] =	dma.local [hbm:s7], s21  }
0xa0: {  	_ =	swait.ge [sflag:s23], s21  }
0xa1: {  	s6 =	ssub.s32 $0x0, s21;
	[sflag:s23] =	ssyncset.done $0x0  }
0xa2: {  	[sflag:s23] =	ssyncadd.s32 s6;
	_ =	sdelay $0x1  }
0xa3: {  	s24 =	simm.s32 $0x1B8B  }
0xa4: {  	_ =	swait.ge [sflag:s24], $0x1  }
0xa5: {  	[sflag:s24] =	ssyncset.done $0x0  }
0xa6: {  	s25 =	simm.s32 $0x1B8E;
	[sflag:s24] =	ssyncadd.s32 $0xFFFFFFFF  }
0xa7: {  	s26 =	simm.s32 $execute0_lowered;
	[smem:$0x3FD2] =	sst s25  }
0xa8: {  	s6 =	sshll.u32 s26, $0x1;
	_ =	strace $0x80000046;
	[dreg:$0x1] =	wrdreg $0xFFFFFFFF  }
0xa9: {  	s28 =	simm.s32 $_size_execute0_lowered;
	s5 =	sadd.s32 s5, s6;
	[dreg:$0x0] =	wrdreg $0x0  }
0xaa: {  	s6 =	sshll.u32 s28, $0x1;
	[dreg:$0x2] =	wrdreg s5  }
0xab: {  	[dreg:$0x3] =	wrdreg s6  }
0xac: {  	[dreg:$0x4] =	wrdreg $0xC0  }
0xad: {  	_ =	task [dreg:s9], $0x5FFFF  }
0xae: {  	[dreg:$0x1] =	wrdreg $0xFFFFFFFF  }
0xaf: {  	[dreg:$0x0] =	wrdreg $0x60  }
0xb0: {  	[dreg:$0x2] =	wrdreg s2  }
0xb1: {  	[dreg:$0x3] =	wrdreg s19  }
0xb2: {  	[dreg:$0x4] =	wrdreg s4  }
0xb3: {  	[dreg:$0x5] =	wrdreg $0x9  }
0xb4: {  	_ =	task.clear_ibuf [dreg:s9], $0x6FFFF;
	_ =	strace $0x90000046  }
0xb5: {  	s29 =	simm.s32 $0x9;
	_ =	strace $0x80000048  }
0xb6: {  	_ =	swait.ge [sflag:s29], $0x1  }
0xb7: {  	[sflag:s29] =	ssyncadd.s32 $0xFFFFFFFF  }
0xb8: {  	_ =	strace $0x90000048  }
0xb9: {  	_ =	sfence  }
0xba: {  	s30 =	sld [smem:$0x0];
	_ =	sdelay $0x2  }
0xbb: {  	s31 =	sshll.u32 s1, $0xD;
	s1 =	sshrl.u32 s1, $0x2  }
0xbc: {  	s3 =	sand.u32 $0x4000, s31;
	s1 =	sadd.s32 s1, s30  }
0xbd: {  	s0 =	sor.u32 s3, s0;
	s1 =	sshll.u32 s1, $0x11  }
0xbe: {  	s0 =	sor.u32 s1, s0  }
0xbf: {  	s0 =	sadd.s32 $0x8F2B, s0  }
0xc0: {  	[sflag:s0] =	ssyncadd.remote.s32 $0x1  }
0xc1: {  	_ =	sfence.sel $0xFFFF  }
0xc2: {  	[dreg:$0x0] =	wrdreg $0xFFFFFFFF;
	(pc) =	sbr.abs _section_cstart, $3  }
0xc3: {  	[dreg:$0x1] =	wrdreg $0xFFFFFFFF  }
0xc4: {  	_ =	task.clear_ibuf [dreg:s9], $0x2FFFF;
	_ =	strace $0x9FFFFFFF  }
0xc5: {  	(tm) =	ssettm $0x7FFFFFFF  }
tec
execute0_lowered:
.L_overlay_start_1:
0x0: {  	(tag) =	ssettag $0x1  }
0x1: {  	s2 =	rddreg [dreg:$0x0]  }
0x2: {  	s0 =	srdreg.scid;
	s4 =	rddreg [dreg:$0x2]  }
0x3: {  	s1 =	stileid.u32;
	s5 =	simm.s32 $0x0;
	s12 =	simm.s32 $0x80  }
0x4: {  	s13 =	simm.s32 $0x400;
	s14 =	simm.s32 $0x180;
	s15 =	simm.s32 $0x2180  }
0x5: {  	s16 =	simm.s32 $0x4180;
	s17 =	simm.s32 $0x6180;
	s18 =	simm.s32 $0x1  }
0x6: {  	s19 =	simm.s32 $0x100;
	s20 =	simm.s32 $0x8180;
	s0 =	sand.u32 $0x1, s0  }
0x7: {  	s21 =	simm.s32 $0x2;
	s1 =	sshll.u32 s1, $0x8;
	s3 =	sshll.u32 s0, $0x7  }
0x8: {  	s22 =	simm.s32 $0xA180;
	s0 =	ssub.s32 $0x2, s0;
	s6 =	sor.u32 s3, s1  }
0x9: {  	s23 =	simm.s32 $0x3;
	s30 =	sshrl.u32 s0, $0x1;
	s3 =	sshll.u32 s6, $0xA  }
0xa: {  	[smem:$0x7FF] =	sst s5;
	s0 =	ssub.s32 s0, s30;
	s31 =	sadd.s32 s2, s3  }
0xb: {  	_ =	strace $0x80000047;
	s0 =	smax.u32 s0, $0x1;
	[dreg:$0x4] =	wrdreg s31  }
0xc: {  	s24 =	simm.s32 $0xC180;
	s3 =	sadd.s32 $0x10, s31;
	[dreg:$0x7] =	wrdreg s0  }
0xd: {  	s25 =	simm.s32 $0x4;
	v1 =	vimm.f32 $1.000000000e+00;
	v0 =	vlaneseq.u32;
	s1 =	sadd.s32 $0x20, s31;
	[dreg:$0x5] =	wrdreg s3  }
0xe: {  	s26 =	simm.s32 $0xE180;
	v2 =	vimm.s32 $0x0;
	v1 =	vand.u32 $0x7FFFFFFF, v1;
	v3 =	vadd.s32 $0x1, v0;
	[dreg:$0x6] =	wrdreg s1;
	s3 =	simm.s32 $0x0  }
.LBB2_1:
0xf: {  	[dreg:$0x8] =	wrdreg s3  }
0x10: {  	s0 =	rddreg [dreg:$0x1];
	s1 =	simm.s32 $0x0;
	s28 =	simm.s32 $0x9  }
0x11: {  	[tilespmem:s1], [sflag:$0x9] =	stream.linear.gather [hbm4b:s0+s1], $0x80, $0x38;
	[tilespmem:$0x10180] =	vst v63  }
0x12: {  	_ =	swait.ge [sflag:s28], $0x80  }
0x13: {  	[sflag:s28] =	ssyncset.done $0x0  }
0x14: {  	[sflag:s28] =	ssyncadd.s32 $0xFFFFFF80  }
0x15: {  	v4 =	vld [tilespmem:$0x0];
	_ =	sdelay $0x4  }
0x16: {  	v5 =	vand.u32 $0x7FFFFFFF, v4  }
0x17: {  	v5 =	vmul.f32 $-2.000000000e+00, v5;
	_ =	sdelay $0x1  }
0x18: {  	v5 =	vmul.f32 $1.442695020e+00, v5;
	_ =	sdelay $0x1  }
0x19: {  	(erf) = vpow2.f32 v5;
	_ =	sdelay $0x2  }
0x1a: {  	v5 =	vld [tilespmem:$0x10];
	_ =	sdelay $0x4  }
0x1b: {  	v6 =	vand.u32 $0x7FFFFFFF, v5  }
0x1c: {  	v6 =	vmul.f32 $-2.000000000e+00, v6;
	v7 =	vpop (erf)  }
0x1d: {  	v8 =	vadd.f32 $1.000000000e+00, v7  }
0x1e: {  	v6 =	vmul.f32 $1.442695020e+00, v6  }
0x1f: {  	(erf) = vrcp.f32 v8  }
0x20: {  	(erf) = vpow2.f32 v6;
	_ =	sdelay $0x2  }
0x21: {  	v44 =	vld [tilespmem:$0x20];
	_ =	sdelay $0x4  }
0x22: {  	v9 =	vand.u32 $0x7FFFFFFF, v44;
	v8 =	vpop (erf)  }
0x23: {  	v9 =	vmul.f32 $-2.000000000e+00, v9;
	v10 =	vpop (erf)  }
0x24: {  	v11 =	vadd.f32 $1.000000000e+00, v10  }
0x25: {  	v9 =	vmul.f32 $1.442695020e+00, v9  }
0x26: {  	(erf) = vrcp.f32 v11  }
0x27: {  	(erf) = vpow2.f32 v9;
	_ =	sdelay $0x2  }
0x28: {  	v45 =	vld [tilespmem:$0x30];
	_ =	sdelay $0x4  }
0x29: {  	v12 =	vand.u32 $0x7FFFFFFF, v45;
	v11 =	vpop (erf)  }
0x2a: {  	v12 =	vmul.f32 $-2.000000000e+00, v12;
	v13 =	vpop (erf)  }
0x2b: {  	v14 =	vadd.f32 $1.000000000e+00, v13  }
0x2c: {  	v12 =	vmul.f32 $1.442695020e+00, v12  }
0x2d: {  	(erf) = vrcp.f32 v14  }
0x2e: {  	(erf) = vpow2.f32 v12;
	_ =	sdelay $0x2  }
0x2f: {  	v46 =	vld [tilespmem:$0x40];
	_ =	sdelay $0x4  }
0x30: {  	v15 =	vand.u32 $0x7FFFFFFF, v46;
	v14 =	vpop (erf)  }
0x31: {  	v15 =	vmul.f32 $-2.000000000e+00, v15;
	v16 =	vpop (erf)  }
0x32: {  	v17 =	vadd.f32 $1.000000000e+00, v16  }
0x33: {  	v15 =	vmul.f32 $1.442695020e+00, v15  }
0x34: {  	(erf) = vrcp.f32 v17  }
0x35: {  	(erf) = vpow2.f32 v15;
	_ =	sdelay $0x2  }
0x36: {  	v47 =	vld [tilespmem:$0x50];
	_ =	sdelay $0x4  }
0x37: {  	v18 =	vand.u32 $0x7FFFFFFF, v47;
	v17 =	vpop (erf)  }
0x38: {  	v18 =	vmul.f32 $-2.000000000e+00, v18;
	v19 =	vpop (erf)  }
0x39: {  	v20 =	vadd.f32 $1.000000000e+00, v19  }
0x3a: {  	v18 =	vmul.f32 $1.442695020e+00, v18  }
0x3b: {  	(erf) = vrcp.f32 v20  }
0x3c: {  	(erf) = vpow2.f32 v18;
	_ =	sdelay $0x2  }
0x3d: {  	v48 =	vld [tilespmem:$0x60];
	_ =	sdelay $0x2  }
0x3e: {  	v55 =	vld [tilespmem:$0x70];
	_ =	sdelay $0x1  }
0x3f: {  	v49 =	vand.u32 $0x80000000, v4;
	v22 =	vand.u32 $0x7FFFFFFF, v48;
	v21 =	vpop (erf)  }
0x40: {  	vm0 =	vlt.f32 v4, $0.0e+00;
	vm1 =	vgt.f32 v4, $0.0e+00;
	v22 =	vmul.f32 $-2.000000000e+00, v22;
	v50 =	vpop (erf)  }
0x41: {  	vm9 =	vlt.f32 v44, $0.0e+00;
	vm10 =	vgt.f32 v44, $0.0e+00;
	v51 =	vadd.f32 $1.000000000e+00, v50  }
0x42: {  	v59 =	vand.u32 $0x7FFFFFFF, v55;
	v23 =	vand.u32 $0x80000000, v44;
	v52 =	vmul.f32 $1.442695020e+00, v22  }
0x43: {  	v26 =	vand.u32 $0x80000000, v45;
	vm12 =	vlt.f32 v45, $0.0e+00;
	(erf) = vrcp.f32 v51  }
0x44: {  	vm13 =	vgt.f32 v45, $0.0e+00;
	v32 =	vand.u32 $0x80000000, v46;
	(erf) = vpow2.f32 v52  }
0x45: {  	vm15 =	vlt.f32 v46, $0.0e+00;
	vm4 =	vgt.f32 v46, $0.0e+00;
	v38 =	vand.u32 $0x80000000, v47  }
0x46: {  	v39 =	vand.u32 $0x80000000, v48;
	v42 =	vand.u32 $0x80000000, v55;
	v22 =	vmul.f32 $-2.000000000e+00, v59  }
0x47: {  	vm0 =	vmor vm1, vm0;
	v23 =	vor.u32 v23, v1;
	v40 =	vor.u32 v39, v1  }
0x48: {  	v43 =	vor.u32 v42, v1;
	v22 =	vmul.f32 $1.442695020e+00, v22;
	v53 =	vand.u32 $0x80000000, v5  }
0x49: {  	vm6 =	vlt.f32 v5, $0.0e+00;
	v7 =	vsub.f32 $1.000000000e+00, v7;
	v20 =	vor.u32 v49, v1  }
0x4a: {  	vm7 =	vgt.f32 v5, $0.0e+00;
	v10 =	vsub.f32 $1.000000000e+00, v10;
	v13 =	vsub.f32 $1.000000000e+00, v13  }
0x4b: {  	v54 =	vor.u32 v53, v1;
	v7 =	vmul.f32 v8, v7;
	v25 =	vsub.f32 $1.000000000e+00, v16  }
0x4c: {  	v10 =	vmul.f32 v11, v10;
	v13 =	vmul.f32 v14, v13;
	v4 =	vsel vm0, v20, v4;
	v20 =	vpop (erf)  }
0x4d: {  	v16 =	vor.u32 v26, v1;
	v14 =	vmul.f32 v17, v25;
	v33 =	vsub.f32 $1.000000000e+00, v19;
	v24 =	vpop (erf)  }
0x4e: {  	vm0 =	vmor vm7, vm6;
	vm6 =	vlt.f32 v47, $0.0e+00;
	v60 =	vadd.f32 $1.000000000e+00, v24  }
0x4f: {  	vm7 =	vgt.f32 v47, $0.0e+00;
	v4 =	vmul.f32 v7, v4;
	v5 =	vsel vm0, v54, v5  }
0x50: {  	vm0 =	vmor vm10, vm9;
	vm9 =	vgt.f32 v48, $0.0e+00;
	(erf) = vrcp.f32 v60  }
0x51: {  	vm10 =	vlt.f32 v55, $0.0e+00;
	v5 =	vmul.f32 v10, v5;
	(erf) = vpow2.f32 v22  }
0x52: {  	v6 =	vsel vm0, v23, v44;
	vm0 =	vmor vm13, vm12;
	v4 =	vmul.f32 $2.040000000e+02, v4  }
0x53: {  	v6 =	vmul.f32 v13, v6;
	v9 =	vsel vm0, v16, v45;
	v16 =	vor.u32 v32, v1  }
0x54: {  	vm0 =	vmor vm4, vm15;
	v5 =	vmul.f32 $2.040000000e+02, v5;
	v9 =	vmul.f32 v14, v9  }
0x55: {  	v12 =	vsel vm0, v16, v46;
	vm0 =	vmor vm7, vm6;
	v16 =	vor.u32 v38, v1  }
0x56: {  	v56 =	vtrunc.f32 v4;
	v6 =	vmul.f32 $2.040000000e+02, v6;
	v15 =	vsel vm0, v16, v47  }
0x57: {  	v57 =	vcvt.f32.s32 v56;
	vm8 =	vlt.f32 v4, v56;
	v58 =	vtrunc.f32 v5  }
0x58: {  	v9 =	vmul.f32 $2.040000000e+02, v9;
	v10 =	vsel vm8, $0xFFFFFFFF, v2;
	v17 =	vmul.f32 v21, v33  }
0x59: {  	v61 =	vcvt.f32.s32 v58;
	vm11 =	vlt.f32 v5, v58;
	v28 =	vtrunc.f32 v6;
	v31 =	vpop (erf)  }
0x5a: {  	vm8 =	vlt.f32 v48, $0.0e+00;
	v10 =	vadd.s32 v57, v10;
	v12 =	vmul.f32 v17, v12;
	v34 =	vpop (erf)  }
0x5b: {  	v63 =	vsel vm11, $0xFFFFFFFF, v2;
	v29 =	vcvt.f32.s32 v28;
	v36 =	vadd.f32 $1.000000000e+00, v34  }
0x5c: {  	vm14 =	vlt.f32 v6, v28;
	v35 =	vtrunc.f32 v9;
	v12 =	vmul.f32 $2.040000000e+02, v12  }
0x5d: {  	vm0 =	vmor vm9, vm8;
	v62 =	vcvt.s32.f32 v10;
	(erf) = vrcp.f32 v36  }
0x5e: {  	vm11 =	vgt.f32 v55, $0.0e+00;
	v13 =	vadd.s32 v61, v63;
	v44 =	vtrunc.f32 v12  }
0x5f: {  	v4 =	vsub.f32 v4, v62;
	vm12 =	vlt.f32 v12, v44;
	v16 =	vcvt.f32.s32 v44  }
0x60: {  	v30 =	vsel vm14, $0xFFFFFFFF, v2;
	v8 =	vsub.f32 $1.000000000e+00, v50;
	v49 =	vsel vm12, $0xFFFFFFFF, v2  }
0x61: {  	vm5 =	vlt.f32 v9, v35;
	v27 =	vcvt.s32.f32 v13;
	[tilespmem:$0x100] =	vst v4;
	v4 =	vadd.s32 v16, v49  }
0x62: {  	v11 =	vadd.s32 v29, v30;
	v51 =	vcvt.s32.f32 v4;
	v8 =	vmul.f32 v20, v8  }
0x63: {  	v37 =	vsel vm5, $0xFFFFFFFF, v2;
	v5 =	vsub.f32 v5, v27;
	v41 =	vsub.f32 $1.000000000e+00, v24  }
0x64: {  	[tilespmem:$0x80] =	vst v10;
	v10 =	vsub.f32 v12, v51;
	v8 =	vmul.f32 v8, v15;
	v15 =	vsel vm0, v40, v48  }
0x65: {  	v22 =	vcvt.f32.s32 v35;
	v14 =	vmul.f32 v31, v41;
	v45 =	vsub.f32 $1.000000000e+00, v34  }
0x66: {  	vm0 =	vmor vm11, vm10;
	v48 =	vcvt.s32.f32 v11;
	v8 =	vmul.f32 $2.040000000e+02, v8;
	v46 =	vpop (erf)  }
0x67: {  	v21 =	vadd.s32 v22, v37;
	v14 =	vmul.f32 v14, v15;
	v47 =	vmul.f32 v46, v45  }
0x68: {  	[tilespmem:$0x90] =	vst v13;
	v7 =	vsel vm0, v43, v55;
	v52 =	vtrunc.f32 v8;
	v50 =	vcvt.s32.f32 v21  }
0x69: {  	[tilespmem:$0xA0] =	vst v11;
	vm13 =	vlt.f32 v8, v52;
	v53 =	vmul.f32 $2.040000000e+02, v14;
	v7 =	vmul.f32 v47, v7  }
0x6a: {  	[tilespmem:$0x110] =	vst v5;
	v6 =	vsub.f32 v6, v48;
	v54 =	vcvt.f32.s32 v52;
	v55 =	vsel vm13, $0xFFFFFFFF, v2  }
0x6b: {  	[tilespmem:$0xC0] =	vst v4;
	v5 =	vsub.f32 v9, v50;
	v56 =	vtrunc.f32 v53;
	v7 =	vmul.f32 $2.040000000e+02, v7  }
0x6c: {  	[tilespmem:$0x120] =	vst v6;
	v6 =	vadd.s32 v54, v55;
	v57 =	vcvt.f32.s32 v56;
	vm14 =	vlt.f32 v53, v56  }
0x6d: {  	[tilespmem:$0x130] =	vst v5;
	v5 =	vcvt.s32.f32 v6;
	v9 =	vsel vm14, $0xFFFFFFFF, v2;
	v58 =	vtrunc.f32 v7  }
0x6e: {  	[tilespmem:$0x140] =	vst v10;
	v4 =	vadd.s32 v57, v9;
	vm15 =	vlt.f32 v7, v58;
	v59 =	vcvt.f32.s32 v58  }
0x6f: {  	[tilespmem:$0xB0] =	vst v21;
	v5 =	vsub.f32 v8, v5;
	v60 =	vcvt.s32.f32 v4;
	v61 =	vsel vm15, $0xFFFFFFFF, v2  }
0x70: {  	[tilespmem:$0xD0] =	vst v6;
	v62 =	vadd.s32 v59, v61  }
0x71: {  	[tilespmem:$0x150] =	vst v5;
	v5 =	vsub.f32 v53, v60;
	v63 =	vcvt.s32.f32 v62  }
0x72: {  	[tilespmem:$0xE0] =	vst v4  }
0x73: {  	[tilespmem:$0x160] =	vst v5;
	v4 =	vsub.f32 v7, v63  }
0x74: {  	[tilespmem:$0xF0] =	vst v62  }
0x75: {  	s29 =	rddreg [dreg:$0x4];
	[tilespmem:$0x170] =	vst v4  }
0x76: {  	[tilespmem:s14], [sflag:$0x1] =	stream.strided.gather [hbm4b:s29+s12], $0x2000, s13, s12, $0x38;
	[tilespmem:$0x10180] =	vst v63  }
0x77: {  	s30 =	rddreg [dreg:$0x5]  }
0x78: {  	[tilespmem:s15], [sflag:$0x2] =	stream.strided.gather [hbm4b:s30+s12], $0x2000, s13, s12, $0x38;
	[tilespmem:$0x10180] =	vst v63  }
0x79: {  	s1 =	simm.s32 $0x0;
	s31 =	rddreg [dreg:$0x6]  }
0x7a: {  	[tilespmem:s16], [sflag:$0x3] =	stream.strided.gather [hbm4b:s31+s12], $0x2000, s13, s12, $0x38;
	[tilespmem:$0x10180] =	vst v63  }
.LBB2_2:
0x7b: {  	s7 =	sshll.u32 s1, $0x2  }
0x7c: {  	s5 =	sshll.u32 s1, $0x6;
	s3 =	sor.u32 s6, s7  }
0x7d: {  	s8 =	sand.u32 $0x40, s5;
	s9 =	sshll.u32 s3, $0xA  }
0x7e: {  	v4 =	vmov s7;
	s30 =	sadd.s32 s8, s2;
	s5 =	sand.u32 $0x3FE000, s9  }
0x7f: {  	v5 =	vbroadcast v4, $0x0;
	s31 =	sadd.s32 s5, s30  }
0x80: {  	s7 =	sadd.s32 $0x30, s31  }
0x81: {  	[tilespmem:s17], [sflag:$0x4] =	stream.strided.gather [hbm4b:s7+s12], $0x2000, s13, s12, $0x38;
	[tilespmem:$0x10180] =	vst v63  }
0x82: {  	_ =	swait.ge [sflag:s18], $0x2000  }
0x83: {  	[sflag:s18] =	ssyncset.done $0x0  }
0x84: {  	[sflag:s18] =	ssyncadd.s32 $0xFFFFE000  }
0x85: {  	v4 =	vld.idx.msk [tilespmem:v5+s19+$0x0], $0xffff  }
0x86: {  	v7 =	vld.idx.msk [tilespmem:v5+s12+$0x0], $0xffff  }
0x87: {  	p0 =	seq.s32 s1, $0x0  }
0x88: {  	s7 =	simm.s32 @!p0 $0x5  }
0x89: {  	_ =	swait.ge @!p0 [sflag:s7], $0x2000  }
0x8a: {  	[sflag:s7] =	ssyncset.done @!p0 $0x0  }
0x8b: {  	p1 =	por $0x1, $0x1;
	[sflag:s7] =	ssyncadd.s32 @!p0 $0xFFFFE000;
	s7 =	simm.s32 $0x0;
	v6 =	vadd.s32 v0, v7;
	v5 =	vsub.f32 $1.000000000e+00, v4;
	v7 =	vadd.s32 v3, v7  }
.LBB2_3:
0x8c: {  	v8 =	vadd.s32 s7, v6;
	v9 =	vadd.s32 s7, v7  }
0x8d: {  	s9 =	sor.u32 $0x10, s7;
	s10 =	sor.u32 $0x20, s7;
	vm0 =	vgt.s32 v8, $0x0;
	vm13 =	vgt.s32 v9, $0x0  }
0x8e: {  	s11 =	sor.u32 $0x30, s7;
	v10 =	vadd.s32 s9, v6;
	v11 =	vadd.s32 s9, v7;
	v12 =	vadd.s32 s10, v6  }
0x8f: {  	s28 =	sor.u32 $0x40, s7;
	s29 =	sor.u32 $0x50, s7;
	v13 =	vadd.s32 s10, v7;
	v14 =	vadd.s32 s11, v6;
	v15 =	vadd.s32 s11, v7  }
0x90: {  	s30 =	sor.u32 $0x60, s7;
	v16 =	vadd.s32 s28, v6;
	v17 =	vadd.s32 s28, v7;
	v18 =	vadd.s32 s29, v6  }
0x91: {  	s31 =	sor.u32 $0x70, s7;
	v19 =	vadd.s32 s29, v7;
	v20 =	vadd.s32 s30, v6;
	v21 =	vadd.s32 s30, v7  }
0x92: {  	v22 =	vadd.s32 s31, v6;
	v23 =	vadd.s32 s31, v7;
	v8 =	vnsel vm0, $0x0, v8  }
0x93: {  	v9 =	vnsel vm13, $0x0, v9;
	vm14 =	vgt.s32 v10, $0x0;
	v8 =	vmin.u32 v8, $0x1FFF  }
0x94: {  	vm15 =	vgt.s32 v11, $0x0;
	v9 =	vmin.u32 v9, $0x1FFF;
	v10 =	vnsel vm14, $0x0, v10  }
0x95: {  	vm4 =	vgt.s32 v12, $0x0;
	v11 =	vnsel vm15, $0x0, v11;
	v10 =	vmin.u32 v10, $0x1FFF  }
0x96: {  	vm5 =	vgt.s32 v13, $0x0;
	v12 =	vnsel vm4, $0x0, v12;
	v11 =	vmin.u32 v11, $0x1FFF  }
0x97: {  	vm6 =	vgt.s32 v14, $0x0;
	v13 =	vnsel vm5, $0x0, v13;
	v12 =	vmin.u32 v12, $0x1FFF  }
0x98: {  	vm7 =	vgt.s32 v15, $0x0;
	v14 =	vnsel vm6, $0x0, v14;
	v13 =	vmin.u32 v13, $0x1FFF;
	v8 =	vld.idx.msk [tilespmem:v8+s14+$0x0], $0xffff  }
0x99: {  	vm8 =	vgt.s32 v16, $0x0;
	v15 =	vnsel vm7, $0x0, v15;
	v14 =	vmin.u32 v14, $0x1FFF;
	v9 =	vld.idx.msk [tilespmem:v9+s14+$0x0], $0xffff  }
0x9a: {  	vm9 =	vgt.s32 v17, $0x0;
	v16 =	vnsel vm8, $0x0, v16;
	v15 =	vmin.u32 v15, $0x1FFF;
	v10 =	vld.idx.msk [tilespmem:v10+s14+$0x0], $0xffff  }
0x9b: {  	vm10 =	vgt.s32 v18, $0x0;
	v17 =	vnsel vm9, $0x0, v17;
	v16 =	vmin.u32 v16, $0x1FFF;
	v11 =	vld.idx.msk [tilespmem:v11+s14+$0x0], $0xffff  }
0x9c: {  	vm11 =	vgt.s32 v19, $0x0;
	v18 =	vnsel vm10, $0x0, v18;
	v17 =	vmin.u32 v17, $0x1FFF;
	v12 =	vld.idx.msk [tilespmem:v12+s14+$0x0], $0xffff  }
0x9d: {  	vm12 =	vgt.s32 v20, $0x0;
	v19 =	vnsel vm11, $0x0, v19;
	v18 =	vmin.u32 v18, $0x1FFF;
	v13 =	vld.idx.msk [tilespmem:v13+s14+$0x0], $0xffff  }
0x9e: {  	v20 =	vnsel vm12, $0x0, v20;
	vm14 =	vgt.s32 v22, $0x0;
	v19 =	vmin.u32 v19, $0x1FFF;
	v14 =	vld.idx.msk [tilespmem:v14+s14+$0x0], $0xffff  }
0x9f: {  	vm15 =	vgt.s32 v23, $0x0;
	v20 =	vmin.u32 v20, $0x1FFF;
	v22 =	vnsel vm14, $0x0, v22;
	v15 =	vld.idx.msk [tilespmem:v15+s14+$0x0], $0xffff  }
0xa0: {  	vm13 =	vgt.s32 v21, $0x0;
	v23 =	vnsel vm15, $0x0, v23;
	v22 =	vmin.u32 v22, $0x1FFF;
	v16 =	vld.idx.msk [tilespmem:v16+s14+$0x0], $0xffff  }
0xa1: {  	v21 =	vnsel vm13, $0x0, v21;
	v23 =	vmin.u32 v23, $0x1FFF;
	v17 =	vld.idx.msk [tilespmem:v17+s14+$0x0], $0xffff  }
0xa2: {  	v21 =	vmin.u32 v21, $0x1FFF;
	v18 =	vld.idx.msk [tilespmem:v18+s14+$0x0], $0xffff  }
0xa3: {  	v19 =	vld.idx.msk [tilespmem:v19+s14+$0x0], $0xffff  }
0xa4: {  	v20 =	vld.idx.msk [tilespmem:v20+s14+$0x0], $0xffff  }
0xa5: {  	v22 =	vld.idx.msk [tilespmem:v22+s14+$0x0], $0xffff;
	v8 =	vmul.f32 v8, v5;
	v9 =	vmul.f32 v9, v4  }
0xa6: {  	v51 =	vld.idx.msk [tilespmem:v23+s14+$0x0], $0xffff;
	v10 =	vmul.f32 v10, v5;
	v11 =	vmul.f32 v11, v4  }
0xa7: {  	v21 =	vld.idx.msk [tilespmem:v21+s14+$0x0], $0xffff;
	v52 =	vmul.f32 v14, v5;
	v53 =	vmul.f32 v15, v4;
	v8 =	vadd.f32 v9, v8  }
0xa8: {  	v49 =	vmul.f32 v12, v5;
	v50 =	vmul.f32 v13, v4;
	v10 =	vadd.f32 v11, v10  }
0xa9: {  	v57 =	vmul.f32 v18, v5;
	v58 =	vmul.f32 v19, v4;
	v56 =	vadd.f32 v53, v52;
	[tilespmem:s7+$0x8180] =	vst v8  }
0xaa: {  	v54 =	vmul.f32 v16, v5;
	v55 =	vmul.f32 v17, v4;
	v8 =	vadd.f32 v50, v49;
	[tilespmem:s7+$0x8190] =	vst v10  }
0xab: {  	p2 =	por p1, p1;
	v62 =	vmul.f32 v22, v5;
	v13 =	vmul.f32 v51, v4;
	v61 =	vadd.f32 v58, v57;
	[tilespmem:s7+$0x81B0] =	vst v56  }
.Ltmp0:
0xac: {  	v59 =	vmul.f32 v20, v5;
	v60 =	vmul.f32 v21, v4;
	[tilespmem:s7+$0x81A0] =	vst v8;
	v8 =	vadd.f32 v55, v54;
	(pc) =	sbr.rel @p2 .LBB2_3-.Ltmp0, $4  }
0xad: {  	v63 =	vadd.f32 v13, v62;
	[tilespmem:s7+$0x81D0] =	vst v61  }
0xae: {  	[tilespmem:s7+$0x81C0] =	vst v8;
	v8 =	vadd.f32 v60, v59  }
0xaf: {  	p1 =	por $0x0, $0x0;
	[tilespmem:s7+$0x81F0] =	vst v63  }
0xb0: {  	s9 =	simm.s32 $0x170;
	s10 =	simm.s32 $0x82F0;
	[tilespmem:s7+$0x81E0] =	vst v8;
	s7 =	simm.s32 $0x80  }
0xb1: {  	v8 =	vadd.s32 s9, v6  }
0xb2: {  	s7 =	simm.s32 $0x160;
	v23 =	vadd.s32 s9, v7  }
0xb3: {  	v9 =	vadd.s32 s7, v6  }
0xb4: {  	s11 =	simm.s32 $0x110;
	v10 =	vadd.s32 s7, v7  }
0xb5: {  	s29 =	simm.s32 $0x100;
	v11 =	vadd.s32 s11, v6  }
0xb6: {  	v12 =	vadd.s32 s29, v6;
	v8 =	vld.idx.msk [tilespmem:v8+s14+$0x0], $0xffff  }
0xb7: {  	v13 =	vadd.s32 s29, v7;
	v23 =	vld.idx.msk [tilespmem:v23+s14+$0x0], $0xffff  }
0xb8: {  	s30 =	simm.s32 $0x120;
	v14 =	vadd.s32 s11, v7;
	v9 =	vld.idx.msk [tilespmem:v9+s14+$0x0], $0xffff  }
0xb9: {  	v15 =	vadd.s32 s30, v6;
	v10 =	vld.idx.msk [tilespmem:v10+s14+$0x0], $0xffff  }
0xba: {  	s31 =	simm.s32 $0x130;
	v16 =	vadd.s32 s30, v7;
	v11 =	vld.idx.msk [tilespmem:v11+s14+$0x0], $0xffff  }
0xbb: {  	v17 =	vadd.s32 s31, v6;
	s29 =	simm.s32 $0x150;
	v12 =	vld.idx.msk [tilespmem:v12+s14+$0x0], $0xffff  }
0xbc: {  	v21 =	vadd.s32 s29, v6;
	v13 =	vld.idx.msk [tilespmem:v13+s14+$0x0], $0xffff  }
0xbd: {  	s0 =	simm.s32 $0x140;
	v22 =	vadd.s32 s29, v7;
	v14 =	vld.idx.msk [tilespmem:v14+s14+$0x0], $0xffff  }
0xbe: {  	v20 =	vadd.s32 s0, v7;
	v15 =	vld.idx.msk [tilespmem:v15+s14+$0x0], $0xffff  }
0xbf: {  	v18 =	vadd.s32 s31, v7;
	v16 =	vld.idx.msk [tilespmem:v16+s14+$0x0], $0xffff  }
0xc0: {  	v19 =	vadd.s32 s0, v6;
	s7 =	simm.s32 $0x1F0;
	s30 =	simm.s32 $0x1E0;
	s31 =	simm.s32 $0x190;
	v17 =	vld.idx.msk [tilespmem:v17+s14+$0x0], $0xffff  }
0xc1: {  	s0 =	simm.s32 $0x180;
	v24 =	vadd.s32 s7, v6;
	v25 =	vadd.s32 s30, v6;
	v27 =	vadd.s32 s31, v7;
	v21 =	vld.idx.msk [tilespmem:v21+s14+$0x0], $0xffff  }
0xc2: {  	v28 =	vadd.s32 s0, v6;
	v22 =	vld.idx.msk [tilespmem:v22+s14+$0x0], $0xffff;
	v26 =	vmul.f32 v8, v5;
	v9 =	vmul.f32 v9, v5  }
0xc3: {  	v30 =	vadd.s32 s0, v7;
	v20 =	vld.idx.msk [tilespmem:v20+s14+$0x0], $0xffff;
	v10 =	vmul.f32 v10, v4;
	v8 =	vmul.f32 v11, v5  }
0xc4: {  	s29 =	simm.s32 $0x1A0;
	v18 =	vld.idx.msk [tilespmem:v18+s14+$0x0], $0xffff;
	v11 =	vadd.s32 s30, v7;
	v12 =	vmul.f32 v12, v5;
	v13 =	vmul.f32 v13, v4  }
0xc5: {  	v31 =	vadd.s32 s29, v7;
	v19 =	vld.idx.msk [tilespmem:v19+s14+$0x0], $0xffff;
	v15 =	vmul.f32 v15, v5;
	v16 =	vmul.f32 v16, v4  }
0xc6: {  	v24 =	vld.idx.msk [tilespmem:v24+s14+$0x0], $0xffff;
	v14 =	vmul.f32 v14, v4;
	v9 =	vadd.f32 v10, v9;
	v10 =	vadd.s32 s31, v6  }
0xc7: {  	v25 =	vld.idx.msk [tilespmem:v25+s14+$0x0], $0xffff;
	v15 =	vadd.f32 v16, v15;
	v16 =	vmul.f32 v21, v5;
	v21 =	vmul.f32 v22, v4  }
0xc8: {  	v12 =	vadd.f32 v13, v12;
	v8 =	vadd.f32 v14, v8;
	v14 =	vmul.f32 v20, v4;
	v20 =	vld.idx.msk [tilespmem:v28+s14+$0x0], $0xffff  }
0xc9: {  	v29 =	vadd.s32 s29, v6;
	s30 =	simm.s32 $0x1B0;
	[tilespmem:s10+$0xFFFFFFF0] =	vst v9;
	v62 =	vadd.f32 v21, v16;
	v13 =	vld.idx.msk [tilespmem:v11+s14+$0x0], $0xffff  }
0xca: {  	[tilespmem:s10+$0xFFFFFF90] =	vst v12;
	v16 =	vld.idx.msk [tilespmem:v31+s14+$0x0], $0xffff;
	v11 =	vmul.f32 v17, v5;
	v17 =	vmul.f32 v18, v4;
	v18 =	vadd.s32 s30, v6  }
0xcb: {  	v61 =	vadd.s32 s30, v7;
	s31 =	simm.s32 $0x1C0;
	[tilespmem:s10+$0xFFFFFFA0] =	vst v8;
	v32 =	vld.idx.msk [tilespmem:v10+s14+$0x0], $0xffff;
	v10 =	vmul.f32 v19, v5  }
0xcc: {  	v23 =	vmul.f32 v23, v4;
	[tilespmem:s10+$0xFFFFFFB0] =	vst v15;
	v17 =	vadd.f32 v17, v11;
	v19 =	vld.idx.msk [tilespmem:v30+s14+$0x0], $0xffff;
	v11 =	vadd.s32 s31, v6  }
0xcd: {  	s28 =	simm.s32 $0x1D0;
	v25 =	vmul.f32 v25, v5;
	v12 =	vadd.s32 s31, v7;
	[tilespmem:s10+$0xFFFFFFE0] =	vst v62;
	v22 =	vadd.f32 v14, v10;
	v10 =	vld.idx.msk [tilespmem:v27+s14+$0x0], $0xffff  }
0xce: {  	v9 =	vadd.s32 s7, v7;
	v14 =	vld.idx.msk [tilespmem:v29+s14+$0x0], $0xffff;
	[tilespmem:s10+$0xFFFFFFC0] =	vst v17;
	v63 =	vmul.f32 v13, v4;
	v13 =	vadd.s32 s28, v6  }
0xcf: {  	s9 =	simm.s32 $0xA0F0;
	v8 =	vmul.f32 v24, v5;
	v21 =	vadd.f32 v23, v26;
	v15 =	vadd.s32 s28, v7;
	v18 =	vld.idx.msk [tilespmem:v18+s14+$0x0], $0xffff;
	[tilespmem:s10+$0xFFFFFFD0] =	vst v22  }
0xd0: {  	s11 =	simm.s32 $0x18;
	s7 =	simm.s32 $0x1F70;
	s28 =	simm.s32 $0x270;
	v22 =	vmul.f32 v20, v5;
	v20 =	vld.idx.msk [tilespmem:v61+s14+$0x0], $0xffff;
	v17 =	vmul.f32 v32, v5;
	v23 =	vadd.f32 v63, v25  }
.LBB2_5:
0xd1: {  	s29 =	sadd.s32 $0xFFFFFFA0, s28;
	s30 =	sadd.s32 $0xFFFFFFF0, s28;
	v24 =	vadd.s32 s28, v6;
	v25 =	vadd.s32 s28, v7;
	v19 =	vmul.f32 v19, v4;
	v26 =	vld.idx.msk [tilespmem:v11+s14+$0x0], $0xffff;
	[tilespmem:s10+$0x0] =	vst v21;
	s10 =	sadd.s32 $0x80, s10  }
0xd2: {  	s31 =	sadd.s32 $0xFFFFFFC0, s28;
	s11 =	sadd.s32 $0x8, s11;
	v21 =	vadd.s32 s29, v6;
	v27 =	vadd.s32 s29, v7;
	s29 =	sadd.s32 $0xFFFFFFB0, s28;
	v28 =	vadd.s32 s30, v6;
	v29 =	vld.idx.msk [tilespmem:v12+s14+$0x0], $0xffff;
	[tilespmem:s10+$0xFFFFFFF0] =	vst v23  }
0xd3: {  	s0 =	sadd.s32 $0xFFFFFFE0, s28;
	v31 =	vadd.s32 s30, v7;
	p1 =	slt.u32 s11, $0x1E8;
	v23 =	vadd.s32 s29, v6;
	v30 =	vadd.s32 s29, v7;
	s29 =	sadd.s32 $0xFFFFFFD0, s28;
	v32 =	vld.idx.msk [tilespmem:v13+s14+$0x0], $0xffff  }
0xd4: {  	s30 =	sadd.s32 $0xFFFFFF90, s28;
	v33 =	vadd.s32 s31, v6;
	v34 =	vadd.s32 s31, v7;
	v11 =	vadd.s32 s29, v6;
	v35 =	vld.idx.msk [tilespmem:v15+s14+$0x0], $0xffff  }
0xd5: {  	v36 =	vadd.s32 s30, v6;
	v37 =	vadd.s32 s30, v7;
	v12 =	vadd.s32 s29, v7;
	v38 =	vld.idx.msk [tilespmem:v9+s14+$0x0], $0xffff;
	v9 =	vmovc v25  }
0xd6: {  	v10 =	vmul.f32 v10, v4;
	v13 =	vadd.s32 s0, v6;
	v15 =	vadd.s32 s0, v7;
	v24 =	vld.idx.msk [tilespmem:v24+s14+$0x0], $0xffff  }
0xd7: {  	v14 =	vmul.f32 v14, v5;
	v22 =	vadd.f32 v19, v22;
	v16 =	vmul.f32 v16, v4;
	v25 =	vld.idx.msk [tilespmem:v28+s14+$0x0], $0xffff  }
0xd8: {  	v17 =	vadd.f32 v10, v17;
	v10 =	vmul.f32 v18, v5;
	v18 =	vmul.f32 v20, v4;
	v28 =	vld.idx.msk [tilespmem:v31+s14+$0x0], $0xffff  }
0xd9: {  	v16 =	vadd.f32 v16, v14;
	v14 =	vmul.f32 v26, v5;
	v20 =	vld.idx.msk [tilespmem:v21+s14+$0x0], $0xffff;
	v21 =	vmul.f32 v29, v4  }
0xda: {  	v18 =	vadd.f32 v18, v10;
	v29 =	vmul.f32 v32, v5;
	v31 =	vmul.f32 v35, v4;
	v26 =	vld.idx.msk [tilespmem:v36+s14+$0x0], $0xffff  }
0xdb: {  	v19 =	vld.idx.msk [tilespmem:v37+s14+$0x0], $0xffff;
	[tilespmem:s10+$0xFFFFFF90] =	vst v22;
	v22 =	vadd.f32 v21, v14;
	v21 =	vmul.f32 v38, v4  }
.Ltmp1:
0xdc: {  	v24 =	vmul.f32 v24, v5;
	v10 =	vld.idx.msk [tilespmem:v27+s14+$0x0], $0xffff;
	[tilespmem:s10+$0xFFFFFFA0] =	vst v17;
	v27 =	vadd.f32 v31, v29;
	(pc) =	sbr.rel @p1 .LBB2_5-.Ltmp1, $4  }
0xdd: {  	v14 =	vld.idx.msk [tilespmem:v23+s14+$0x0], $0xffff;
	[tilespmem:s10+$0xFFFFFFB0] =	vst v16;
	v21 =	vadd.f32 v21, v8  }
0xde: {  	v23 =	vmul.f32 v25, v5;
	v25 =	vmul.f32 v28, v4;
	v8 =	vmov v24;
	v16 =	vld.idx.msk [tilespmem:v30+s14+$0x0], $0xffff;
	[tilespmem:s10+$0xFFFFFFC0] =	vst v18  }
0xdf: {  	v17 =	vmul.f32 v20, v5;
	v18 =	vld.idx.msk [tilespmem:v33+s14+$0x0], $0xffff;
	[tilespmem:s10+$0xFFFFFFD0] =	vst v22  }
0xe0: {  	s28 =	sadd.s32 $0x80, s28;
	v22 =	vmul.f32 v26, v5;
	v23 =	vadd.f32 v25, v23;
	v20 =	vld.idx.msk [tilespmem:v34+s14+$0x0], $0xffff;
	[tilespmem:s10+$0xFFFFFFE0] =	vst v27  }
0xe1: {  	_ =	sdelay $0x3  }
0xe2: {  	v11 =	vld.idx.msk [tilespmem:v11+s14+$0x0], $0xffff  }
0xe3: {  	v12 =	vld.idx.msk [tilespmem:v12+s14+$0x0], $0xffff;
	v19 =	vmul.f32 v19, v4;
	s28 =	simm.s32 $0x1F30  }
0xe4: {  	v13 =	vld.idx.msk [tilespmem:v13+s14+$0x0], $0xffff;
	v10 =	vmul.f32 v10, v4;
	[tilespmem:s10+$0x0] =	vst v21;
	s10 =	sadd.s32 $0x80, s10;
	s31 =	simm.s32 $0x1F50;
	v14 =	vmul.f32 v14, v5;
	v21 =	vadd.s32 s28, v7  }
0xe5: {  	v15 =	vld.idx.msk [tilespmem:v15+s14+$0x0], $0xffff;
	s11 =	simm.s32 $0x1F10;
	s29 =	simm.s32 $0x1F60;
	[tilespmem:s10+$0xFFFFFFF0] =	vst v23;
	v23 =	vadd.s32 s31, v6;
	v16 =	vmul.f32 v16, v4;
	v19 =	vadd.f32 v19, v22  }
0xe6: {  	v9 =	vld.idx.msk [tilespmem:v9+s14+$0x0], $0xffff;
	v10 =	vadd.f32 v10, v17;
	v17 =	vadd.s32 s11, v7;
	v22 =	vadd.s32 s29, v6  }
0xe7: {  	vm1 =	vgt.s32 v21, $0x0;
	vm2 =	vgt.s32 v23, $0x0;
	v18 =	vmul.f32 v18, v5  }
0xe8: {  	s30 =	simm.s32 $0x1F40;
	vm15 =	vgt.s32 v22, $0x0;
	v20 =	vmul.f32 v20, v4;
	v14 =	vadd.f32 v16, v14;
	[tilespmem:s10+$0xFFFFFF90] =	vst v19  }
0xe9: {  	v19 =	vadd.s32 s30, v7;
	[tilespmem:s10+$0xFFFFFFA0] =	vst v10;
	v10 =	vadd.s32 s29, v7;
	v11 =	vmul.f32 v11, v5  }
0xea: {  	v22 =	vnsel vm15, $0x0, v22;
	v12 =	vmul.f32 v12, v4;
	v13 =	vmul.f32 v13, v5  }
0xeb: {  	vm15 =	vgt.s32 v17, $0x0;
	v15 =	vmul.f32 v15, v4;
	v9 =	vmul.f32 v9, v4  }
0xec: {  	vm5 =	vgt.s32 v10, $0x0;
	vm8 =	vgt.s32 v19, $0x0;
	v17 =	vnsel vm15, $0x0, v17  }
0xed: {  	v16 =	vadd.f32 v20, v18;
	[tilespmem:s10+$0xFFFFFFB0] =	vst v14;
	v14 =	vnsel vm1, $0x0, v21;
	v21 =	vmin.u32 v22, $0x1FFF  }
0xee: {  	v10 =	vnsel vm5, $0x0, v10;
	v19 =	vnsel vm8, $0x0, v19;
	v11 =	vadd.f32 v12, v11  }
0xef: {  	s0 =	simm.s32 $0x1F00;
	v12 =	vadd.f32 v15, v13;
	v8 =	vadd.f32 v9, v8;
	v9 =	vadd.s32 s7, v6  }
0xf0: {  	v13 =	vadd.s32 s0, v6;
	v15 =	vadd.s32 s0, v7;
	v10 =	vmin.u32 v10, $0x1FFF  }
0xf1: {  	v19 =	vmin.u32 v19, $0x1FFF;
	v14 =	vmin.u32 v14, $0x1FFF;
	[tilespmem:s10+$0xFFFFFFC0] =	vst v16;
	v16 =	vadd.s32 s30, v6  }
0xf2: {  	vm0 =	vgt.s32 v9, $0x0;
	vm4 =	vgt.s32 v13, $0x0;
	vm7 =	vgt.s32 v16, $0x0  }
0xf3: {  	v20 =	vnsel vm0, $0x0, v9;
	v9 =	vadd.s32 s28, v6;
	[tilespmem:s10+$0xFFFFFFD0] =	vst v11;
	v11 =	vnsel vm7, $0x0, v16  }
0xf4: {  	s0 =	simm.s32 $0x1F20;
	v13 =	vnsel vm4, $0x0, v13;
	[tilespmem:s10+$0x0] =	vst v8;
	vm6 =	vgt.s32 v9, $0x0;
	v8 =	vmin.u32 v11, $0x1FFF  }
0xf5: {  	v18 =	vadd.s32 s0, v6;
	[tilespmem:s10+$0xFFFFFFE0] =	vst v12;
	v11 =	vmin.u32 v13, $0x1FFF;
	v9 =	vnsel vm6, $0x0, v9  }
0xf6: {  	vm12 =	vgt.s32 v15, $0x0;
	vm10 =	vgt.s32 v18, $0x0;
	v16 =	vld.idx.msk [tilespmem:v21+s14+$0x0], $0xffff;
	v21 =	vmin.u32 v9, $0x1FFF  }
0xf7: {  	v12 =	vnsel vm2, $0x0, v23;
	v15 =	vnsel vm12, $0x0, v15;
	v18 =	vnsel vm10, $0x0, v18  }
0xf8: {  	v25 =	vmin.u32 v20, $0x1FFF;
	v15 =	vmin.u32 v15, $0x1FFF;
	v13 =	vadd.s32 s31, v7;
	v23 =	vld.idx.msk [tilespmem:v10+s14+$0x0], $0xffff  }
0xf9: {  	v22 =	vmin.u32 v18, $0x1FFF;
	v18 =	vadd.s32 s11, v6;
	vm9 =	vgt.s32 v13, $0x0;
	v8 =	vld.idx.msk [tilespmem:v8+s14+$0x0], $0xffff  }
0xfa: {  	v9 =	vadd.s32 s0, v7;
	v10 =	vadd.s32 s7, v7;
	vm14 =	vgt.s32 v18, $0x0;
	v11 =	vld.idx.msk [tilespmem:v11+s14+$0x0], $0xffff  }
0xfb: {  	vm11 =	vgt.s32 v9, $0x0;
	vm13 =	vgt.s32 v10, $0x0;
	v18 =	vnsel vm14, $0x0, v18;
	v21 =	vld.idx.msk [tilespmem:v21+s14+$0x0], $0xffff  }
0xfc: {  	v14 =	vld.idx.msk [tilespmem:v14+s14+$0x0], $0xffff;
	v20 =	vnsel vm9, $0x0, v13;
	v9 =	vnsel vm11, $0x0, v9;
	v10 =	vnsel vm13, $0x0, v10  }
0xfd: {  	v18 =	vmin.u32 v18, $0x1FFF;
	v24 =	vmul.f32 v16, v5;
	v16 =	vmin.u32 v12, $0x1FFF  }
0xfe: {  	v9 =	vmin.u32 v9, $0x1FFF;
	v12 =	vmin.u32 v10, $0x1FFF;
	v10 =	vld.idx.msk [tilespmem:v19+s14+$0x0], $0xffff;
	v23 =	vmul.f32 v23, v4  }
0xff: {  	v13 =	vld.idx.msk [tilespmem:v22+s14+$0x0], $0xffff;
	v19 =	vmin.u32 v20, $0x1FFF;
	v20 =	vmin.u32 v17, $0x1FFF;
	v11 =	vmul.f32 v11, v5  }
0x100: {  	s10 =	simm.s32 $0x1FF0;
	s11 =	simm.s32 $0xA170;
	s7 =	simm.s32 $0x1F0;
	v17 =	vld.idx.msk [tilespmem:v25+s14+$0x0], $0xffff;
	v22 =	vadd.f32 v23, v24;
	v8 =	vmul.f32 v8, v5;
	v21 =	vmul.f32 v21, v5  }
.LBB2_7:
0x101: {  	s0 =	sadd.s32 $0xFFFFFF90, s10;
	s28 =	sadd.s32 $0xFFFFFFA0, s10;
	v23 =	vadd.s32 s10, v6;
	s7 =	sadd.s32 $0x8, s7;
	v15 =	vld.idx.msk [tilespmem:v15+s14+$0x0], $0xffff;
	v14 =	vmul.f32 v14, v4  }
0x102: {  	s29 =	sadd.s32 $0xFFFFFFB0, s10;
	v24 =	vadd.s32 s0, v6;
	v25 =	vadd.s32 s0, v7;
	vm0 =	vgt.s32 v23, $0x0;
	p1 =	slt.u32 s7, $0x1F8;
	v16 =	vld.idx.msk [tilespmem:v16+s14+$0x0], $0xffff;
	[tilespmem:s9+$0xFFFFFFF0] =	vst v22  }
0x103: {  	s30 =	sadd.s32 $0xFFFFFFD0, s10;
	v22 =	vadd.s32 s28, v7;
	v26 =	vadd.s32 s29, v6;
	s0 =	sadd.s32 $0xFFFFFFC0, s10;
	v23 =	vnsel vm0, $0x0, v23;
	v18 =	vld.idx.msk [tilespmem:v18+s14+$0x0], $0xffff  }
0x104: {  	v27 =	vadd.s32 s0, v6;
	v28 =	vadd.s32 s0, v7;
	s0 =	sadd.s32 $0xFFFFFFE0, s10;
	v14 =	vadd.f32 v14, v21;
	v19 =	vld.idx.msk [tilespmem:v19+s14+$0x0], $0xffff  }
0x105: {  	s31 =	sadd.s32 $0xFFFFFFF0, s10;
	v13 =	vmul.f32 v13, v5;
	v21 =	vadd.s32 s30, v7;
	v29 =	vadd.s32 s0, v6;
	v20 =	vld.idx.msk [tilespmem:v20+s14+$0x0], $0xffff  }
0x106: {  	v30 =	vadd.s32 s31, v6;
	v31 =	vadd.s32 s31, v7;
	v9 =	vld.idx.msk [tilespmem:v9+s14+$0x0], $0xffff;
	[tilespmem:s9+$0xFFFFFFC0] =	vst v14;
	v14 =	vmul.f32 v17, v5  }
0x107: {  	vm0 =	vgt.s32 v24, $0x0;
	vm1 =	vgt.s32 v28, $0x0;
	v15 =	vmul.f32 v15, v4;
	v12 =	vld.idx.msk [tilespmem:v12+s14+$0x0], $0xffff  }
0x108: {  	v17 =	vnsel vm1, $0x0, v28;
	vm1 =	vgt.s32 v31, $0x0;
	v16 =	vmul.f32 v16, v5  }
0x109: {  	v24 =	vnsel vm0, $0x0, v24;
	vm0 =	vgt.s32 v27, $0x0  }
0x10a: {  	v10 =	vmul.f32 v10, v4;
	vm2 =	vgt.s32 v30, $0x0;
	v28 =	vnsel vm1, $0x0, v31  }
0x10b: {  	v30 =	vnsel vm2, $0x0, v30;
	v31 =	vadd.s32 s30, v6;
	v20 =	vmul.f32 v20, v4  }
0x10c: {  	v30 =	vmin.u32 v30, $0x1FFF;
	vm1 =	vgt.s32 v31, $0x0;
	v28 =	vmin.u32 v28, $0x1FFF  }
0x10d: {  	v31 =	vnsel vm1, $0x0, v31;
	vm1 =	vgt.s32 v21, $0x0;
	v12 =	vmul.f32 v12, v4  }
0x10e: {  	vm2 =	vgt.s32 v29, $0x0;
	v11 =	vadd.f32 v15, v11;
	v31 =	vmin.u32 v31, $0x1FFF  }
0x10f: {  	v15 =	vmin.u32 v24, $0x1FFF;
	v24 =	vadd.s32 s0, v7;
	v9 =	vmul.f32 v9, v4  }
0x110: {  	v27 =	vnsel vm0, $0x0, v27;
	v29 =	vnsel vm2, $0x0, v29;
	[tilespmem:s9+$0xFFFFFF90] =	vst v11;
	v11 =	vmul.f32 v18, v5  }
0x111: {  	vm0 =	vgt.s32 v24, $0x0;
	v12 =	vadd.f32 v12, v14;
	v18 =	vnsel vm1, $0x0, v21;
	v21 =	vld.idx.msk [tilespmem:v30+s14+$0x0], $0xffff  }
0x112: {  	v19 =	vmul.f32 v19, v4;
	v14 =	vmin.u32 v27, $0x1FFF;
	v18 =	vmin.u32 v18, $0x1FFF  }
0x113: {  	v17 =	vmin.u32 v17, $0x1FFF;
	vm1 =	vgt.s32 v26, $0x0;
	v11 =	vadd.f32 v20, v11;
	v27 =	vld.idx.msk [tilespmem:v31+s14+$0x0], $0xffff;
	[tilespmem:s9+$0x0] =	vst v12  }
0x114: {  	v8 =	vadd.f32 v10, v8;
	v20 =	vadd.s32 s29, v7;
	v12 =	vnsel vm1, $0x0, v26  }
0x115: {  	vm1 =	vgt.s32 v25, $0x0;
	vm2 =	vgt.s32 v20, $0x0;
	v30 =	vmin.u32 v12, $0x1FFF;
	v26 =	vld.idx.msk [tilespmem:v15+s14+$0x0], $0xffff;
	[tilespmem:s9+$0xFFFFFFA0] =	vst v11  }
0x116: {  	v13 =	vadd.f32 v9, v13;
	v10 =	vnsel vm2, $0x0, v20;
	v12 =	vadd.s32 s10, v7;
	v11 =	vld.idx.msk [tilespmem:v28+s14+$0x0], $0xffff;
	[tilespmem:s9+$0xFFFFFFD0] =	vst v8  }
0x117: {  	v9 =	vmin.u32 v10, $0x1FFF;
	v31 =	vmul.f32 v21, v5;
	v8 =	vadd.f32 v19, v16;
	v28 =	vld.idx.msk [tilespmem:v14+s14+$0x0], $0xffff  }
0x118: {  	v10 =	vnsel vm1, $0x0, v25;
	vm1 =	vgt.s32 v12, $0x0;
	v14 =	vld.idx.msk [tilespmem:v17+s14+$0x0], $0xffff;
	v17 =	vmin.u32 v23, $0x1FFF;
	[tilespmem:s9+$0xFFFFFFB0] =	vst v13  }
0x119: {  	v15 =	vmin.u32 v10, $0x1FFF;
	v12 =	vnsel vm1, $0x0, v12;
	v13 =	vadd.s32 s28, v6;
	[tilespmem:s9+$0xFFFFFFE0] =	vst v8;
	s9 =	smov.u32 s11  }
.Ltmp2:
0x11a: {  	v16 =	vmin.u32 v29, $0x1FFF;
	v12 =	vmin.u32 v12, $0x1FFF;
	vm1 =	vgt.s32 v13, $0x0;
	v10 =	vld.idx.msk [tilespmem:v18+s14+$0x0], $0xffff;
	(pc) =	sbr.rel @p1 .LBB2_7-.Ltmp2, $4  }
0x11b: {  	v19 =	vnsel vm0, $0x0, v24;
	v8 =	vnsel vm1, $0x0, v13;
	vm1 =	vgt.s32 v22, $0x0;
	v13 =	vld.idx.msk [tilespmem:v30+s14+$0x0], $0xffff  }
0x11c: {  	v18 =	vmin.u32 v8, $0x1FFF;
	v20 =	vnsel vm1, $0x0, v22;
	v22 =	vmul.f32 v11, v4  }
0x11d: {  	v19 =	vmin.u32 v19, $0x1FFF;
	v11 =	vmul.f32 v26, v5;
	v8 =	vmul.f32 v27, v5  }
0x11e: {  	s10 =	sadd.s32 $0x80, s10;
	s11 =	sadd.s32 $0x80, s11;
	v20 =	vmin.u32 v20, $0x1FFF;
	v21 =	vmul.f32 v28, v5;
	v22 =	vadd.f32 v22, v31;
	v17 =	vld.idx.msk [tilespmem:v17+s14+$0x0], $0xffff  }
0x11f: {  	_ =	sdelay $0x3  }
0x120: {  	v6 =	vld.idx.msk [tilespmem:v15+s14+$0x0], $0xffff  }
0x121: {  	v7 =	vld.idx.msk [tilespmem:v18+s14+$0x0], $0xffff  }
0x122: {  	v12 =	vld.idx.msk [tilespmem:v12+s14+$0x0], $0xffff  }
0x123: {  	v60 =	vld.idx.msk [tilespmem:v20+s14+$0x0], $0xffff  }
0x124: {  	v16 =	vld.idx.msk [tilespmem:v16+s14+$0x0], $0xffff  }
0x125: {  	v9 =	vld.idx.msk [tilespmem:v9+s14+$0x0], $0xffff  }
0x126: {  	v14 =	vmul.f32 v14, v4;
	v61 =	vld.idx.msk [tilespmem:v19+s14+$0x0], $0xffff  }
0x127: {  	v10 =	vmul.f32 v10, v4;
	v63 =	vmul.f32 v13, v5  }
0x128: {  	v17 =	vmul.f32 v17, v5;
	v6 =	vmul.f32 v6, v4  }
0x129: {  	v12 =	vmul.f32 v12, v4;
	v15 =	vmul.f32 v60, v4  }
0x12a: {  	v14 =	vadd.f32 v14, v21;
	v7 =	vmul.f32 v7, v5;
	v9 =	vmul.f32 v9, v4  }
0x12b: {  	[tilespmem:s9+$0xFFFFFFF0] =	vst v22;
	v5 =	vmul.f32 v16, v5;
	v4 =	vmul.f32 v61, v4;
	v6 =	vadd.f32 v6, v11  }
0x12c: {  	[tilespmem:s9+$0xFFFFFFC0] =	vst v14;
	v62 =	vadd.f32 v12, v17  }
0x12d: {  	v4 =	vadd.f32 v4, v5;
	[tilespmem:s9+$0xFFFFFF90] =	vst v6  }
0x12e: {  	v6 =	vadd.f32 v15, v7;
	[tilespmem:s9+$0x0] =	vst v62  }
0x12f: {  	v7 =	vadd.f32 v10, v8;
	[tilespmem:s9+$0xFFFFFFE0] =	vst v4  }
0x130: {  	[tilespmem:s9+$0xFFFFFFA0] =	vst v6;
	v6 =	vadd.f32 v9, v63  }
0x131: {  	s0 =	sadd.s32 s4, s8;
	[tilespmem:s9+$0xFFFFFFD0] =	vst v7  }
0x132: {  	p1 =	seq.s32 s1, $0x1F;
	s0 =	sadd.s32 s5, s0;
	[tilespmem:s9+$0xFFFFFFB0] =	vst v6  }
0x133: {  	[hbm4b:s0+s12] =	stream.strided.scatter [tilespmem:s20], [sflag:$0x5], $0x2000, s13, s12, $0x38;
	[tilespmem:$0x10180] =	vst v63  }
0x134: {  	s0 =	sadd.s32 @!p1 $0x4, s3  }
0x135: {  	s29 =	sor.u32 $0x1, s3;
	s7 =	sshll.u32 @!p1 s0, $0x4  }
0x136: {  	s30 =	sand.u32 $0x7D, s29;
	s0 =	sshll.u32 @!p1 s0, $0xA;
	s7 =	sand.u32 @!p1 $0x40, s7  }
0x137: {  	s10 =	simm.s32 @!p1 $0x400;
	s0 =	sand.u32 @!p1 $0xFFFE000, s0;
	s7 =	sadd.s32 @!p1 s2, s7  }
0x138: {  	v5 =	vmov s30;
	s9 =	simm.s32 @!p1 $0x80;
	s0 =	sadd.s32 @!p1 s0, s7;
	s7 =	simm.s32 @!p1 $0x180  }
0x139: {  	[tilespmem:s7], [sflag:$0x1] =	stream.strided.gather @!p1 [hbm4b:s0+s9], $0x2000, s10, s9, $0x38;
	[tilespmem:$0x10180] =	vst v63  }
0x13a: {  	_ =	swait.ge [sflag:s21], $0x2000  }
0x13b: {  	[sflag:s21] =	ssyncset.done $0x0  }
0x13c: {  	[sflag:s21] =	ssyncadd.s32 $0xFFFFE000  }
0x13d: {  	v4 =	vld.idx.msk [tilespmem:v5+s19+$0x0], $0xffff  }
0x13e: {  	v7 =	vld.idx.msk [tilespmem:v5+s12+$0x0], $0xffff;
	_ =	sdelay $0x1  }
0x13f: {  	s0 =	simm.s32 @!p0 $0x6  }
0x140: {  	_ =	swait.ge @!p0 [sflag:s0], $0x2000  }
0x141: {  	p2 =	por $0x1, $0x1;
	s31 =	sshll.u32 s29, $0x4;
	[sflag:s0] =	ssyncset.done @!p0 $0x0  }
0x142: {  	s8 =	sand.u32 $0x50, s31;
	s7 =	simm.s32 $0x0;
	[sflag:s0] =	ssyncadd.s32 @!p0 $0xFFFFE000;
	v6 =	vadd.s32 v0, v7;
	v5 =	vsub.f32 $1.000000000e+00, v4;
	v7 =	vadd.s32 v3, v7  }
.LBB2_9:
0x143: {  	v8 =	vadd.s32 s7, v6;
	v9 =	vadd.s32 s7, v7  }
0x144: {  	s0 =	sor.u32 $0x10, s7;
	s10 =	sor.u32 $0x20, s7;
	vm0 =	vgt.s32 v8, $0x0;
	vm13 =	vgt.s32 v9, $0x0  }
0x145: {  	s11 =	sor.u32 $0x30, s7;
	v10 =	vadd.s32 s0, v6;
	v11 =	vadd.s32 s0, v7;
	v12 =	vadd.s32 s10, v6  }
0x146: {  	s28 =	sor.u32 $0x40, s7;
	s29 =	sor.u32 $0x50, s7;
	v13 =	vadd.s32 s10, v7;
	v14 =	vadd.s32 s11, v6;
	v15 =	vadd.s32 s11, v7  }
0x147: {  	s30 =	sor.u32 $0x60, s7;
	v16 =	vadd.s32 s28, v6;
	v17 =	vadd.s32 s28, v7;
	v18 =	vadd.s32 s29, v6  }
0x148: {  	s31 =	sor.u32 $0x70, s7;
	v19 =	vadd.s32 s29, v7;
	v20 =	vadd.s32 s30, v6;
	v21 =	vadd.s32 s30, v7  }
0x149: {  	v22 =	vadd.s32 s31, v6;
	v23 =	vadd.s32 s31, v7;
	v8 =	vnsel vm0, $0x0, v8  }
0x14a: {  	v9 =	vnsel vm13, $0x0, v9;
	vm14 =	vgt.s32 v10, $0x0;
	v8 =	vmin.u32 v8, $0x1FFF  }
0x14b: {  	vm15 =	vgt.s32 v11, $0x0;
	v9 =	vmin.u32 v9, $0x1FFF;
	v10 =	vnsel vm14, $0x0, v10  }
0x14c: {  	vm4 =	vgt.s32 v12, $0x0;
	v11 =	vnsel vm15, $0x0, v11;
	v10 =	vmin.u32 v10, $0x1FFF  }
0x14d: {  	vm5 =	vgt.s32 v13, $0x0;
	v12 =	vnsel vm4, $0x0, v12;
	v11 =	vmin.u32 v11, $0x1FFF  }
0x14e: {  	vm6 =	vgt.s32 v14, $0x0;
	v13 =	vnsel vm5, $0x0, v13;
	v12 =	vmin.u32 v12, $0x1FFF  }
0x14f: {  	vm7 =	vgt.s32 v15, $0x0;
	v14 =	vnsel vm6, $0x0, v14;
	v13 =	vmin.u32 v13, $0x1FFF;
	v8 =	vld.idx.msk [tilespmem:v8+s15+$0x0], $0xffff  }
0x150: {  	vm8 =	vgt.s32 v16, $0x0;
	v15 =	vnsel vm7, $0x0, v15;
	v14 =	vmin.u32 v14, $0x1FFF;
	v9 =	vld.idx.msk [tilespmem:v9+s15+$0x0], $0xffff  }
0x151: {  	vm9 =	vgt.s32 v17, $0x0;
	v16 =	vnsel vm8, $0x0, v16;
	v15 =	vmin.u32 v15, $0x1FFF;
	v10 =	vld.idx.msk [tilespmem:v10+s15+$0x0], $0xffff  }
0x152: {  	vm10 =	vgt.s32 v18, $0x0;
	v17 =	vnsel vm9, $0x0, v17;
	v16 =	vmin.u32 v16, $0x1FFF;
	v11 =	vld.idx.msk [tilespmem:v11+s15+$0x0], $0xffff  }
0x153: {  	vm11 =	vgt.s32 v19, $0x0;
	v18 =	vnsel vm10, $0x0, v18;
	v17 =	vmin.u32 v17, $0x1FFF;
	v12 =	vld.idx.msk [tilespmem:v12+s15+$0x0], $0xffff  }
0x154: {  	vm12 =	vgt.s32 v20, $0x0;
	v19 =	vnsel vm11, $0x0, v19;
	v18 =	vmin.u32 v18, $0x1FFF;
	v13 =	vld.idx.msk [tilespmem:v13+s15+$0x0], $0xffff  }
0x155: {  	v20 =	vnsel vm12, $0x0, v20;
	vm14 =	vgt.s32 v22, $0x0;
	v19 =	vmin.u32 v19, $0x1FFF;
	v14 =	vld.idx.msk [tilespmem:v14+s15+$0x0], $0xffff  }
0x156: {  	vm15 =	vgt.s32 v23, $0x0;
	v20 =	vmin.u32 v20, $0x1FFF;
	v22 =	vnsel vm14, $0x0, v22;
	v15 =	vld.idx.msk [tilespmem:v15+s15+$0x0], $0xffff  }
0x157: {  	vm13 =	vgt.s32 v21, $0x0;
	v23 =	vnsel vm15, $0x0, v23;
	v22 =	vmin.u32 v22, $0x1FFF;
	v16 =	vld.idx.msk [tilespmem:v16+s15+$0x0], $0xffff  }
0x158: {  	v21 =	vnsel vm13, $0x0, v21;
	v23 =	vmin.u32 v23, $0x1FFF;
	v17 =	vld.idx.msk [tilespmem:v17+s15+$0x0], $0xffff  }
0x159: {  	v21 =	vmin.u32 v21, $0x1FFF;
	v18 =	vld.idx.msk [tilespmem:v18+s15+$0x0], $0xffff  }
0x15a: {  	v19 =	vld.idx.msk [tilespmem:v19+s15+$0x0], $0xffff  }
0x15b: {  	v20 =	vld.idx.msk [tilespmem:v20+s15+$0x0], $0xffff  }
0x15c: {  	v22 =	vld.idx.msk [tilespmem:v22+s15+$0x0], $0xffff;
	v8 =	vmul.f32 v8, v5;
	v9 =	vmul.f32 v9, v4  }
0x15d: {  	v51 =	vld.idx.msk [tilespmem:v23+s15+$0x0], $0xffff;
	v10 =	vmul.f32 v10, v5;
	v11 =	vmul.f32 v11, v4  }
0x15e: {  	v21 =	vld.idx.msk [tilespmem:v21+s15+$0x0], $0xffff;
	v52 =	vmul.f32 v14, v5;
	v53 =	vmul.f32 v15, v4;
	v8 =	vadd.f32 v9, v8  }
0x15f: {  	v49 =	vmul.f32 v12, v5;
	v50 =	vmul.f32 v13, v4;
	v10 =	vadd.f32 v11, v10  }
0x160: {  	v57 =	vmul.f32 v18, v5;
	v58 =	vmul.f32 v19, v4;
	v56 =	vadd.f32 v53, v52;
	[tilespmem:s7+$0xA180] =	vst v8  }
0x161: {  	v54 =	vmul.f32 v16, v5;
	v55 =	vmul.f32 v17, v4;
	v8 =	vadd.f32 v50, v49;
	[tilespmem:s7+$0xA190] =	vst v10  }
0x162: {  	p3 =	por p2, p2;
	v62 =	vmul.f32 v22, v5;
	v13 =	vmul.f32 v51, v4;
	v61 =	vadd.f32 v58, v57;
	[tilespmem:s7+$0xA1B0] =	vst v56  }
.Ltmp3:
0x163: {  	v59 =	vmul.f32 v20, v5;
	v60 =	vmul.f32 v21, v4;
	[tilespmem:s7+$0xA1A0] =	vst v8;
	v8 =	vadd.f32 v55, v54;
	(pc) =	sbr.rel @p3 .LBB2_9-.Ltmp3, $4  }
0x164: {  	v63 =	vadd.f32 v13, v62;
	[tilespmem:s7+$0xA1D0] =	vst v61  }
0x165: {  	[tilespmem:s7+$0xA1C0] =	vst v8;
	v8 =	vadd.f32 v60, v59  }
0x166: {  	s9 =	simm.s32 $0x170;
	[tilespmem:s7+$0xA1F0] =	vst v63  }
0x167: {  	p2 =	por $0x0, $0x0;
	s10 =	simm.s32 $0xA2F0;
	[tilespmem:s7+$0xA1E0] =	vst v8;
	s7 =	simm.s32 $0x80  }
0x168: {  	v8 =	vadd.s32 s9, v6  }
0x169: {  	s0 =	simm.s32 $0x160;
	v23 =	vadd.s32 s9, v7  }
0x16a: {  	v9 =	vadd.s32 s0, v6  }
0x16b: {  	s7 =	simm.s32 $0x110;
	v10 =	vadd.s32 s0, v7  }
0x16c: {  	s31 =	simm.s32 $0x100;
	v11 =	vadd.s32 s7, v6  }
0x16d: {  	v12 =	vadd.s32 s31, v6;
	v8 =	vld.idx.msk [tilespmem:v8+s15+$0x0], $0xffff  }
0x16e: {  	v13 =	vadd.s32 s31, v7;
	v23 =	vld.idx.msk [tilespmem:v23+s15+$0x0], $0xffff  }
0x16f: {  	s11 =	simm.s32 $0x120;
	v14 =	vadd.s32 s7, v7;
	v9 =	vld.idx.msk [tilespmem:v9+s15+$0x0], $0xffff  }
0x170: {  	v15 =	vadd.s32 s11, v6;
	v10 =	vld.idx.msk [tilespmem:v10+s15+$0x0], $0xffff  }
0x171: {  	s28 =	simm.s32 $0x130;
	v16 =	vadd.s32 s11, v7;
	v11 =	vld.idx.msk [tilespmem:v11+s15+$0x0], $0xffff  }
0x172: {  	v17 =	vadd.s32 s28, v6;
	v12 =	vld.idx.msk [tilespmem:v12+s15+$0x0], $0xffff  }
0x173: {  	s29 =	simm.s32 $0x140;
	v18 =	vadd.s32 s28, v7;
	v13 =	vld.idx.msk [tilespmem:v13+s15+$0x0], $0xffff  }
0x174: {  	v19 =	vadd.s32 s29, v6;
	v14 =	vld.idx.msk [tilespmem:v14+s15+$0x0], $0xffff  }
0x175: {  	s30 =	simm.s32 $0x150;
	v20 =	vadd.s32 s29, v7;
	v15 =	vld.idx.msk [tilespmem:v15+s15+$0x0], $0xffff  }
0x176: {  	v21 =	vadd.s32 s30, v6;
	v16 =	vld.idx.msk [tilespmem:v16+s15+$0x0], $0xffff  }
0x177: {  	s9 =	simm.s32 $0x1E0;
	v22 =	vadd.s32 s30, v7;
	s31 =	simm.s32 $0x1F0;
	v17 =	vld.idx.msk [tilespmem:v17+s15+$0x0], $0xffff  }
0x178: {  	v25 =	vadd.s32 s9, v6;
	s28 =	simm.s32 $0x180;
	v24 =	vadd.s32 s31, v6;
	v18 =	vld.idx.msk [tilespmem:v18+s15+$0x0], $0xffff  }
0x179: {  	v28 =	vadd.s32 s28, v6;
	v19 =	vld.idx.msk [tilespmem:v19+s15+$0x0], $0xffff;
	v26 =	vmul.f32 v8, v5;
	v9 =	vmul.f32 v9, v5  }
0x17a: {  	v30 =	vadd.s32 s28, v7;
	v20 =	vld.idx.msk [tilespmem:v20+s15+$0x0], $0xffff;
	v10 =	vmul.f32 v10, v4;
	v8 =	vmul.f32 v11, v5  }
0x17b: {  	s11 =	simm.s32 $0x190;
	v21 =	vld.idx.msk [tilespmem:v21+s15+$0x0], $0xffff;
	v11 =	vadd.s32 s9, v7;
	v12 =	vmul.f32 v12, v5;
	v13 =	vmul.f32 v13, v4  }
0x17c: {  	s29 =	simm.s32 $0x1A0;
	v22 =	vld.idx.msk [tilespmem:v22+s15+$0x0], $0xffff;
	v14 =	vmul.f32 v14, v4;
	v9 =	vadd.f32 v10, v9;
	v10 =	vadd.s32 s11, v6  }
0x17d: {  	v31 =	vadd.s32 s29, v7;
	v25 =	vld.idx.msk [tilespmem:v25+s15+$0x0], $0xffff;
	v15 =	vmul.f32 v15, v5;
	v16 =	vmul.f32 v16, v4  }
0x17e: {  	s30 =	simm.s32 $0x1B0;
	v24 =	vld.idx.msk [tilespmem:v24+s15+$0x0], $0xffff;
	v12 =	vadd.f32 v13, v12;
	v13 =	vmul.f32 v17, v5;
	v17 =	vmul.f32 v18, v4  }
0x17f: {  	v18 =	vadd.s32 s30, v6;
	v16 =	vadd.f32 v16, v15;
	v15 =	vmul.f32 v20, v4;
	v20 =	vld.idx.msk [tilespmem:v30+s15+$0x0], $0xffff  }
0x180: {  	v27 =	vadd.s32 s11, v7;
	v29 =	vadd.s32 s29, v6;
	v8 =	vadd.f32 v14, v8;
	v11 =	vld.idx.msk [tilespmem:v11+s15+$0x0], $0xffff  }
0x181: {  	v61 =	vadd.s32 s30, v7;
	[tilespmem:s10+$0xFFFFFFF0] =	vst v9;
	v17 =	vadd.f32 v17, v13;
	v13 =	vmul.f32 v21, v5;
	v14 =	vld.idx.msk [tilespmem:v10+s15+$0x0], $0xffff  }
0x182: {  	v21 =	vmul.f32 v22, v4;
	[tilespmem:s10+$0xFFFFFF90] =	vst v12;
	v9 =	vadd.s32 s31, v7;
	s31 =	simm.s32 $0x1C0;
	v10 =	vmul.f32 v19, v5;
	v19 =	vld.idx.msk [tilespmem:v28+s15+$0x0], $0xffff  }
0x183: {  	v23 =	vmul.f32 v23, v4;
	v25 =	vmul.f32 v25, v5;
	[tilespmem:s10+$0xFFFFFFB0] =	vst v16;
	v16 =	vld.idx.msk [tilespmem:v31+s15+$0x0], $0xffff;
	v12 =	vadd.s32 s31, v6  }
0x184: {  	s11 =	simm.s32 $0x1D0;
	[tilespmem:s10+$0xFFFFFFA0] =	vst v8;
	v8 =	vmul.f32 v24, v5;
	v62 =	vadd.f32 v21, v13;
	v13 =	vadd.s32 s31, v7;
	v18 =	vld.idx.msk [tilespmem:v18+s15+$0x0], $0xffff  }
0x185: {  	[tilespmem:s10+$0xFFFFFFC0] =	vst v17;
	v22 =	vadd.f32 v15, v10;
	v10 =	vld.idx.msk [tilespmem:v27+s15+$0x0], $0xffff;
	v63 =	vmul.f32 v11, v4;
	v11 =	vadd.s32 s11, v6  }
0x186: {  	v21 =	vadd.f32 v23, v26;
	[tilespmem:s10+$0xFFFFFFE0] =	vst v62;
	v15 =	vld.idx.msk [tilespmem:v29+s15+$0x0], $0xffff;
	v17 =	vmul.f32 v14, v5;
	v14 =	vadd.s32 s11, v7  }
0x187: {  	s7 =	simm.s32 $0x18;
	s9 =	simm.s32 $0xC0F0;
	[tilespmem:s10+$0xFFFFFFD0] =	vst v22;
	v22 =	vmul.f32 v19, v5;
	v19 =	vld.idx.msk [tilespmem:v61+s15+$0x0], $0xffff;
	v23 =	vadd.f32 v63, v25;
	s11 =	simm.s32 $0x270  }
.LBB2_11:
0x188: {  	s0 =	sadd.s32 $0xFFFFFFA0, s11;
	s28 =	sadd.s32 $0xFFFFFFF0, s11;
	v24 =	vadd.s32 s11, v6;
	v25 =	vadd.s32 s11, v7;
	v20 =	vmul.f32 v20, v4;
	v26 =	vld.idx.msk [tilespmem:v12+s15+$0x0], $0xffff;
	[tilespmem:s10+$0x0] =	vst v21;
	s10 =	sadd.s32 $0x80, s10  }
0x189: {  	s29 =	sadd.s32 $0xFFFFFFC0, s11;
	s7 =	sadd.s32 $0x8, s7;
	v21 =	vadd.s32 s0, v6;
	v27 =	vadd.s32 s0, v7;
	s0 =	sadd.s32 $0xFFFFFFB0, s11;
	v28 =	vadd.s32 s28, v6;
	v29 =	vld.idx.msk [tilespmem:v13+s15+$0x0], $0xffff;
	[tilespmem:s10+$0xFFFFFFF0] =	vst v23  }
0x18a: {  	s30 =	sadd.s32 $0xFFFFFFE0, s11;
	v31 =	vadd.s32 s28, v7;
	p2 =	slt.u32 s7, $0x1E8;
	v23 =	vadd.s32 s0, v6;
	v30 =	vadd.s32 s0, v7;
	s0 =	sadd.s32 $0xFFFFFFD0, s11;
	v32 =	vld.idx.msk [tilespmem:v11+s15+$0x0], $0xffff  }
0x18b: {  	s28 =	sadd.s32 $0xFFFFFF90, s11;
	v33 =	vadd.s32 s29, v6;
	v34 =	vadd.s32 s29, v7;
	v12 =	vadd.s32 s0, v6;
	v35 =	vld.idx.msk [tilespmem:v14+s15+$0x0], $0xffff  }
0x18c: {  	v36 =	vadd.s32 s28, v6;
	v37 =	vadd.s32 s28, v7;
	v13 =	vadd.s32 s0, v7;
	v38 =	vld.idx.msk [tilespmem:v9+s15+$0x0], $0xffff;
	v9 =	vmovc v25  }
0x18d: {  	v10 =	vmul.f32 v10, v4;
	v11 =	vadd.s32 s30, v6;
	v14 =	vadd.s32 s30, v7;
	v24 =	vld.idx.msk [tilespmem:v24+s15+$0x0], $0xffff  }
0x18e: {  	v15 =	vmul.f32 v15, v5;
	v22 =	vadd.f32 v20, v22;
	v16 =	vmul.f32 v16, v4;
	v25 =	vld.idx.msk [tilespmem:v28+s15+$0x0], $0xffff  }
0x18f: {  	v17 =	vadd.f32 v10, v17;
	v10 =	vmul.f32 v18, v5;
	v18 =	vmul.f32 v19, v4;
	v28 =	vld.idx.msk [tilespmem:v31+s15+$0x0], $0xffff  }
0x190: {  	v16 =	vadd.f32 v16, v15;
	v15 =	vmul.f32 v26, v5;
	v19 =	vld.idx.msk [tilespmem:v21+s15+$0x0], $0xffff;
	v21 =	vmul.f32 v29, v4  }
0x191: {  	v18 =	vadd.f32 v18, v10;
	v29 =	vmul.f32 v32, v5;
	v31 =	vmul.f32 v35, v4;
	v26 =	vld.idx.msk [tilespmem:v36+s15+$0x0], $0xffff  }
0x192: {  	v20 =	vld.idx.msk [tilespmem:v37+s15+$0x0], $0xffff;
	[tilespmem:s10+$0xFFFFFF90] =	vst v22;
	v22 =	vadd.f32 v21, v15;
	v21 =	vmul.f32 v38, v4  }
.Ltmp4:
0x193: {  	v24 =	vmul.f32 v24, v5;
	v10 =	vld.idx.msk [tilespmem:v27+s15+$0x0], $0xffff;
	[tilespmem:s10+$0xFFFFFFA0] =	vst v17;
	v27 =	vadd.f32 v31, v29;
	(pc) =	sbr.rel @p2 .LBB2_11-.Ltmp4, $4  }
0x194: {  	v15 =	vld.idx.msk [tilespmem:v23+s15+$0x0], $0xffff;
	[tilespmem:s10+$0xFFFFFFB0] =	vst v16;
	v21 =	vadd.f32 v21, v8  }
0x195: {  	v23 =	vmul.f32 v25, v5;
	v25 =	vmul.f32 v28, v4;
	v8 =	vmov v24;
	v16 =	vld.idx.msk [tilespmem:v30+s15+$0x0], $0xffff;
	[tilespmem:s10+$0xFFFFFFC0] =	vst v18  }
0x196: {  	v17 =	vmul.f32 v19, v5;
	v18 =	vld.idx.msk [tilespmem:v33+s15+$0x0], $0xffff;
	[tilespmem:s10+$0xFFFFFFD0] =	vst v22  }
0x197: {  	s11 =	sadd.s32 $0x80, s11;
	s28 =	simm.s32 $0x1F70;
	v22 =	vmul.f32 v26, v5;
	v23 =	vadd.f32 v25, v23;
	v19 =	vld.idx.msk [tilespmem:v34+s15+$0x0], $0xffff;
	[tilespmem:s10+$0xFFFFFFE0] =	vst v27  }
0x198: {  	_ =	sdelay $0x3  }
0x199: {  	v12 =	vld.idx.msk [tilespmem:v12+s15+$0x0], $0xffff  }
0x19a: {  	v13 =	vld.idx.msk [tilespmem:v13+s15+$0x0], $0xffff;
	v20 =	vmul.f32 v20, v4;
	s11 =	simm.s32 $0x1F30  }
0x19b: {  	v11 =	vld.idx.msk [tilespmem:v11+s15+$0x0], $0xffff;
	v10 =	vmul.f32 v10, v4;
	[tilespmem:s10+$0x0] =	vst v21;
	s10 =	sadd.s32 $0x80, s10;
	s31 =	simm.s32 $0x1F50;
	v15 =	vmul.f32 v15, v5;
	v21 =	vadd.s32 s11, v7  }
0x19c: {  	v14 =	vld.idx.msk [tilespmem:v14+s15+$0x0], $0xffff;
	s7 =	simm.s32 $0x1F10;
	s29 =	simm.s32 $0x1F60;
	[tilespmem:s10+$0xFFFFFFF0] =	vst v23;
	v23 =	vadd.s32 s31, v6;
	v16 =	vmul.f32 v16, v4;
	v20 =	vadd.f32 v20, v22  }
0x19d: {  	v9 =	vld.idx.msk [tilespmem:v9+s15+$0x0], $0xffff;
	v10 =	vadd.f32 v10, v17;
	v17 =	vadd.s32 s7, v7;
	v22 =	vadd.s32 s29, v6  }
0x19e: {  	vm1 =	vgt.s32 v21, $0x0;
	vm2 =	vgt.s32 v23, $0x0;
	v18 =	vmul.f32 v18, v5  }
0x19f: {  	s30 =	simm.s32 $0x1F40;
	vm15 =	vgt.s32 v22, $0x0;
	v19 =	vmul.f32 v19, v4;
	v15 =	vadd.f32 v16, v15;
	[tilespmem:s10+$0xFFFFFF90] =	vst v20  }
0x1a0: {  	v20 =	vadd.s32 s30, v7;
	[tilespmem:s10+$0xFFFFFFA0] =	vst v10;
	v10 =	vadd.s32 s29, v7;
	v12 =	vmul.f32 v12, v5  }
0x1a1: {  	v22 =	vnsel vm15, $0x0, v22;
	v13 =	vmul.f32 v13, v4;
	v11 =	vmul.f32 v11, v5  }
0x1a2: {  	vm15 =	vgt.s32 v17, $0x0;
	v14 =	vmul.f32 v14, v4;
	v9 =	vmul.f32 v9, v4  }
0x1a3: {  	vm5 =	vgt.s32 v10, $0x0;
	vm8 =	vgt.s32 v20, $0x0;
	v17 =	vnsel vm15, $0x0, v17  }
0x1a4: {  	v16 =	vadd.f32 v19, v18;
	[tilespmem:s10+$0xFFFFFFB0] =	vst v15;
	v15 =	vnsel vm1, $0x0, v21;
	v21 =	vmin.u32 v22, $0x1FFF  }
0x1a5: {  	v10 =	vnsel vm5, $0x0, v10;
	v20 =	vnsel vm8, $0x0, v20;
	v12 =	vadd.f32 v13, v12  }
0x1a6: {  	s0 =	simm.s32 $0x1F00;
	v11 =	vadd.f32 v14, v11;
	v8 =	vadd.f32 v9, v8;
	v9 =	vadd.s32 s28, v6  }
0x1a7: {  	v13 =	vadd.s32 s0, v6;
	v14 =	vadd.s32 s0, v7;
	v10 =	vmin.u32 v10, $0x1FFF  }
0x1a8: {  	v20 =	vmin.u32 v20, $0x1FFF;
	v22 =	vmin.u32 v15, $0x1FFF;
	[tilespmem:s10+$0xFFFFFFC0] =	vst v16;
	v16 =	vadd.s32 s30, v6  }
0x1a9: {  	vm0 =	vgt.s32 v9, $0x0;
	vm4 =	vgt.s32 v13, $0x0;
	vm7 =	vgt.s32 v16, $0x0  }
0x1aa: {  	v19 =	vnsel vm0, $0x0, v9;
	v9 =	vadd.s32 s11, v6;
	[tilespmem:s10+$0xFFFFFFE0] =	vst v11;
	v11 =	vnsel vm7, $0x0, v16  }
0x1ab: {  	s0 =	simm.s32 $0x1F20;
	v13 =	vnsel vm4, $0x0, v13;
	[tilespmem:s10+$0x0] =	vst v8;
	vm6 =	vgt.s32 v9, $0x0;
	v8 =	vmin.u32 v11, $0x1FFF  }
0x1ac: {  	v18 =	vadd.s32 s0, v6;
	[tilespmem:s10+$0xFFFFFFD0] =	vst v12;
	v11 =	vmin.u32 v13, $0x1FFF;
	v9 =	vnsel vm6, $0x0, v9  }
0x1ad: {  	vm12 =	vgt.s32 v14, $0x0;
	vm10 =	vgt.s32 v18, $0x0;
	v16 =	vld.idx.msk [tilespmem:v21+s15+$0x0], $0xffff;
	v21 =	vmin.u32 v9, $0x1FFF  }
0x1ae: {  	v12 =	vnsel vm2, $0x0, v23;
	v14 =	vnsel vm12, $0x0, v14;
	v15 =	vnsel vm10, $0x0, v18  }
0x1af: {  	v26 =	vmin.u32 v19, $0x1FFF;
	v18 =	vadd.s32 s7, v6;
	v13 =	vadd.s32 s31, v7;
	v24 =	vld.idx.msk [tilespmem:v10+s15+$0x0], $0xffff  }
0x1b0: {  	v23 =	vmin.u32 v15, $0x1FFF;
	v15 =	vmin.u32 v14, $0x1FFF;
	vm14 =	vgt.s32 v18, $0x0;
	v8 =	vld.idx.msk [tilespmem:v8+s15+$0x0], $0xffff  }
0x1b1: {  	vm9 =	vgt.s32 v13, $0x0;
	v9 =	vadd.s32 s0, v7;
	v10 =	vadd.s32 s28, v7;
	v11 =	vld.idx.msk [tilespmem:v11+s15+$0x0], $0xffff  }
0x1b2: {  	v18 =	vnsel vm14, $0x0, v18;
	vm11 =	vgt.s32 v9, $0x0;
	vm13 =	vgt.s32 v10, $0x0;
	v21 =	vld.idx.msk [tilespmem:v21+s15+$0x0], $0xffff  }
0x1b3: {  	v14 =	vld.idx.msk [tilespmem:v22+s15+$0x0], $0xffff;
	v19 =	vnsel vm9, $0x0, v13;
	v18 =	vmin.u32 v18, $0x1FFF;
	v9 =	vnsel vm11, $0x0, v9  }
0x1b4: {  	v10 =	vnsel vm13, $0x0, v10;
	v25 =	vmul.f32 v16, v5;
	v16 =	vmin.u32 v12, $0x1FFF  }
0x1b5: {  	v19 =	vmin.u32 v19, $0x1FFF;
	v12 =	vmin.u32 v10, $0x1FFF;
	v10 =	vld.idx.msk [tilespmem:v20+s15+$0x0], $0xffff;
	v22 =	vmul.f32 v24, v4  }
0x1b6: {  	v9 =	vmin.u32 v9, $0x1FFF;
	v13 =	vld.idx.msk [tilespmem:v23+s15+$0x0], $0xffff;
	v20 =	vmin.u32 v17, $0x1FFF;
	v11 =	vmul.f32 v11, v5  }
0x1b7: {  	s10 =	simm.s32 $0x1FF0;
	s11 =	simm.s32 $0xC170;
	s7 =	simm.s32 $0x1F0;
	v17 =	vld.idx.msk [tilespmem:v26+s15+$0x0], $0xffff;
	v22 =	vadd.f32 v22, v25;
	v8 =	vmul.f32 v8, v5;
	v21 =	vmul.f32 v21, v5  }
.LBB2_13:
0x1b8: {  	s0 =	sadd.s32 $0xFFFFFF90, s10;
	s28 =	sadd.s32 $0xFFFFFFA0, s10;
	v23 =	vadd.s32 s10, v6;
	s7 =	sadd.s32 $0x8, s7;
	v15 =	vld.idx.msk [tilespmem:v15+s15+$0x0], $0xffff;
	v14 =	vmul.f32 v14, v4  }
0x1b9: {  	s29 =	sadd.s32 $0xFFFFFFB0, s10;
	v24 =	vadd.s32 s0, v6;
	v25 =	vadd.s32 s0, v7;
	vm0 =	vgt.s32 v23, $0x0;
	p2 =	slt.u32 s7, $0x1F8;
	v16 =	vld.idx.msk [tilespmem:v16+s15+$0x0], $0xffff;
	[tilespmem:s9+$0xFFFFFFF0] =	vst v22  }
0x1ba: {  	s30 =	sadd.s32 $0xFFFFFFD0, s10;
	v22 =	vadd.s32 s28, v7;
	v26 =	vadd.s32 s29, v6;
	s0 =	sadd.s32 $0xFFFFFFC0, s10;
	v23 =	vnsel vm0, $0x0, v23;
	v18 =	vld.idx.msk [tilespmem:v18+s15+$0x0], $0xffff  }
0x1bb: {  	v27 =	vadd.s32 s0, v6;
	v28 =	vadd.s32 s0, v7;
	s0 =	sadd.s32 $0xFFFFFFE0, s10;
	v14 =	vadd.f32 v14, v21;
	v19 =	vld.idx.msk [tilespmem:v19+s15+$0x0], $0xffff  }
0x1bc: {  	s31 =	sadd.s32 $0xFFFFFFF0, s10;
	v13 =	vmul.f32 v13, v5;
	v21 =	vadd.s32 s30, v7;
	v29 =	vadd.s32 s0, v6;
	v20 =	vld.idx.msk [tilespmem:v20+s15+$0x0], $0xffff  }
0x1bd: {  	v30 =	vadd.s32 s31, v6;
	v31 =	vadd.s32 s31, v7;
	v9 =	vld.idx.msk [tilespmem:v9+s15+$0x0], $0xffff;
	[tilespmem:s9+$0xFFFFFFC0] =	vst v14;
	v14 =	vmul.f32 v17, v5  }
0x1be: {  	vm0 =	vgt.s32 v24, $0x0;
	vm1 =	vgt.s32 v28, $0x0;
	v15 =	vmul.f32 v15, v4;
	v12 =	vld.idx.msk [tilespmem:v12+s15+$0x0], $0xffff  }
0x1bf: {  	v17 =	vnsel vm1, $0x0, v28;
	vm1 =	vgt.s32 v31, $0x0;
	v16 =	vmul.f32 v16, v5  }
0x1c0: {  	v24 =	vnsel vm0, $0x0, v24;
	vm0 =	vgt.s32 v27, $0x0  }
0x1c1: {  	v10 =	vmul.f32 v10, v4;
	vm2 =	vgt.s32 v30, $0x0;
	v28 =	vnsel vm1, $0x0, v31  }
0x1c2: {  	v30 =	vnsel vm2, $0x0, v30;
	v31 =	vadd.s32 s30, v6;
	v20 =	vmul.f32 v20, v4  }
0x1c3: {  	v30 =	vmin.u32 v30, $0x1FFF;
	vm1 =	vgt.s32 v31, $0x0;
	v28 =	vmin.u32 v28, $0x1FFF  }
0x1c4: {  	v31 =	vnsel vm1, $0x0, v31;
	vm1 =	vgt.s32 v21, $0x0;
	v12 =	vmul.f32 v12, v4  }
0x1c5: {  	vm2 =	vgt.s32 v29, $0x0;
	v11 =	vadd.f32 v15, v11;
	v31 =	vmin.u32 v31, $0x1FFF  }
0x1c6: {  	v15 =	vmin.u32 v24, $0x1FFF;
	v24 =	vadd.s32 s0, v7;
	v9 =	vmul.f32 v9, v4  }
0x1c7: {  	v27 =	vnsel vm0, $0x0, v27;
	v29 =	vnsel vm2, $0x0, v29;
	[tilespmem:s9+$0xFFFFFF90] =	vst v11;
	v11 =	vmul.f32 v18, v5  }
0x1c8: {  	vm0 =	vgt.s32 v24, $0x0;
	v12 =	vadd.f32 v12, v14;
	v18 =	vnsel vm1, $0x0, v21;
	v21 =	vld.idx.msk [tilespmem:v30+s15+$0x0], $0xffff  }
0x1c9: {  	v19 =	vmul.f32 v19, v4;
	v14 =	vmin.u32 v27, $0x1FFF;
	v18 =	vmin.u32 v18, $0x1FFF  }
0x1ca: {  	v17 =	vmin.u32 v17, $0x1FFF;
	vm1 =	vgt.s32 v26, $0x0;
	v11 =	vadd.f32 v20, v11;
	v27 =	vld.idx.msk [tilespmem:v31+s15+$0x0], $0xffff;
	[tilespmem:s9+$0x0] =	vst v12  }
0x1cb: {  	v8 =	vadd.f32 v10, v8;
	v20 =	vadd.s32 s29, v7;
	v12 =	vnsel vm1, $0x0, v26  }
0x1cc: {  	vm1 =	vgt.s32 v25, $0x0;
	vm2 =	vgt.s32 v20, $0x0;
	v30 =	vmin.u32 v12, $0x1FFF;
	v26 =	vld.idx.msk [tilespmem:v15+s15+$0x0], $0xffff;
	[tilespmem:s9+$0xFFFFFFA0] =	vst v11  }
0x1cd: {  	v13 =	vadd.f32 v9, v13;
	v10 =	vnsel vm2, $0x0, v20;
	v12 =	vadd.s32 s10, v7;
	v11 =	vld.idx.msk [tilespmem:v28+s15+$0x0], $0xffff;
	[tilespmem:s9+$0xFFFFFFD0] =	vst v8  }
0x1ce: {  	v9 =	vmin.u32 v10, $0x1FFF;
	v31 =	vmul.f32 v21, v5;
	v8 =	vadd.f32 v19, v16;
	v28 =	vld.idx.msk [tilespmem:v14+s15+$0x0], $0xffff  }
0x1cf: {  	v10 =	vnsel vm1, $0x0, v25;
	vm1 =	vgt.s32 v12, $0x0;
	v14 =	vld.idx.msk [tilespmem:v17+s15+$0x0], $0xffff;
	v17 =	vmin.u32 v23, $0x1FFF;
	[tilespmem:s9+$0xFFFFFFB0] =	vst v13  }
0x1d0: {  	v15 =	vmin.u32 v10, $0x1FFF;
	v12 =	vnsel vm1, $0x0, v12;
	v13 =	vadd.s32 s28, v6;
	[tilespmem:s9+$0xFFFFFFE0] =	vst v8;
	s9 =	smov.u32 s11  }
.Ltmp5:
0x1d1: {  	v16 =	vmin.u32 v29, $0x1FFF;
	v12 =	vmin.u32 v12, $0x1FFF;
	vm1 =	vgt.s32 v13, $0x0;
	v10 =	vld.idx.msk [tilespmem:v18+s15+$0x0], $0xffff;
	(pc) =	sbr.rel @p2 .LBB2_13-.Ltmp5, $4  }
0x1d2: {  	v19 =	vnsel vm0, $0x0, v24;
	v8 =	vnsel vm1, $0x0, v13;
	vm1 =	vgt.s32 v22, $0x0;
	v13 =	vld.idx.msk [tilespmem:v30+s15+$0x0], $0xffff  }
0x1d3: {  	v18 =	vmin.u32 v8, $0x1FFF;
	v20 =	vnsel vm1, $0x0, v22;
	v22 =	vmul.f32 v11, v4  }
0x1d4: {  	v19 =	vmin.u32 v19, $0x1FFF;
	v11 =	vmul.f32 v26, v5;
	v8 =	vmul.f32 v27, v5  }
0x1d5: {  	s10 =	sadd.s32 $0x80, s10;
	s11 =	sadd.s32 $0x80, s11;
	v20 =	vmin.u32 v20, $0x1FFF;
	v21 =	vmul.f32 v28, v5;
	v22 =	vadd.f32 v22, v31;
	v17 =	vld.idx.msk [tilespmem:v17+s15+$0x0], $0xffff  }
0x1d6: {  	_ =	sdelay $0x3  }
0x1d7: {  	v6 =	vld.idx.msk [tilespmem:v15+s15+$0x0], $0xffff  }
0x1d8: {  	v7 =	vld.idx.msk [tilespmem:v18+s15+$0x0], $0xffff  }
0x1d9: {  	v12 =	vld.idx.msk [tilespmem:v12+s15+$0x0], $0xffff  }
0x1da: {  	v60 =	vld.idx.msk [tilespmem:v20+s15+$0x0], $0xffff  }
0x1db: {  	v16 =	vld.idx.msk [tilespmem:v16+s15+$0x0], $0xffff  }
0x1dc: {  	v9 =	vld.idx.msk [tilespmem:v9+s15+$0x0], $0xffff  }
0x1dd: {  	v14 =	vmul.f32 v14, v4;
	v61 =	vld.idx.msk [tilespmem:v19+s15+$0x0], $0xffff  }
0x1de: {  	v10 =	vmul.f32 v10, v4;
	v63 =	vmul.f32 v13, v5  }
0x1df: {  	v17 =	vmul.f32 v17, v5;
	v6 =	vmul.f32 v6, v4  }
0x1e0: {  	v12 =	vmul.f32 v12, v4;
	v15 =	vmul.f32 v60, v4  }
0x1e1: {  	v14 =	vadd.f32 v14, v21;
	v7 =	vmul.f32 v7, v5;
	v9 =	vmul.f32 v9, v4  }
0x1e2: {  	[tilespmem:s9+$0xFFFFFFF0] =	vst v22;
	v5 =	vmul.f32 v16, v5;
	v4 =	vmul.f32 v61, v4;
	v6 =	vadd.f32 v6, v11  }
0x1e3: {  	[tilespmem:s9+$0xFFFFFFC0] =	vst v14;
	v62 =	vadd.f32 v12, v17  }
0x1e4: {  	v4 =	vadd.f32 v4, v5;
	[tilespmem:s9+$0xFFFFFF90] =	vst v6  }
0x1e5: {  	v6 =	vadd.f32 v15, v7;
	[tilespmem:s9+$0x0] =	vst v62  }
0x1e6: {  	v7 =	vadd.f32 v10, v8;
	[tilespmem:s9+$0xFFFFFFE0] =	vst v4  }
0x1e7: {  	[tilespmem:s9+$0xFFFFFFA0] =	vst v6;
	v6 =	vadd.f32 v9, v63  }
0x1e8: {  	s5 =	sadd.s32 s4, s5;
	[tilespmem:s9+$0xFFFFFFD0] =	vst v7  }
0x1e9: {  	s0 =	sadd.s32 s8, s5;
	[tilespmem:s9+$0xFFFFFFB0] =	vst v6  }
0x1ea: {  	[hbm4b:s0+s12] =	stream.strided.scatter [tilespmem:s22], [sflag:$0x6], $0x2000, s13, s12, $0x38;
	[tilespmem:$0x10180] =	vst v63  }
0x1eb: {  	s0 =	sadd.s32 @!p1 $0x5, s3  }
0x1ec: {  	s29 =	sor.u32 $0x2, s3;
	s7 =	sshll.u32 @!p1 s0, $0x4  }
0x1ed: {  	s10 =	simm.s32 @!p1 $0x400;
	s0 =	sshll.u32 @!p1 s0, $0xA;
	s7 =	sand.u32 @!p1 $0x50, s7  }
0x1ee: {  	s30 =	sand.u32 $0x7E, s29;
	s0 =	sand.u32 @!p1 $0xFFFE000, s0;
	s7 =	sadd.s32 @!p1 s2, s7  }
0x1ef: {  	v5 =	vmov s30;
	s9 =	simm.s32 @!p1 $0x80;
	s0 =	sadd.s32 @!p1 s0, s7;
	s7 =	simm.s32 @!p1 $0x2180  }
0x1f0: {  	[tilespmem:s7], [sflag:$0x2] =	stream.strided.gather @!p1 [hbm4b:s0+s9], $0x2000, s10, s9, $0x38;
	[tilespmem:$0x10180] =	vst v63  }
0x1f1: {  	_ =	swait.ge [sflag:s23], $0x2000  }
0x1f2: {  	[sflag:s23] =	ssyncset.done $0x0  }
0x1f3: {  	[sflag:s23] =	ssyncadd.s32 $0xFFFFE000  }
0x1f4: {  	v4 =	vld.idx.msk [tilespmem:v5+s19+$0x0], $0xffff  }
0x1f5: {  	v7 =	vld.idx.msk [tilespmem:v5+s12+$0x0], $0xffff;
	_ =	sdelay $0x1  }
0x1f6: {  	s0 =	simm.s32 @!p0 $0x7  }
0x1f7: {  	_ =	swait.ge @!p0 [sflag:s0], $0x2000  }
0x1f8: {  	p2 =	por $0x1, $0x1;
	s31 =	sshll.u32 s29, $0x4;
	[sflag:s0] =	ssyncset.done @!p0 $0x0  }
0x1f9: {  	s8 =	sand.u32 $0x60, s31;
	s7 =	simm.s32 $0x0;
	[sflag:s0] =	ssyncadd.s32 @!p0 $0xFFFFE000;
	v6 =	vadd.s32 v0, v7;
	v5 =	vsub.f32 $1.000000000e+00, v4;
	v7 =	vadd.s32 v3, v7  }
.LBB2_15:
0x1fa: {  	v8 =	vadd.s32 s7, v6;
	v9 =	vadd.s32 s7, v7  }
0x1fb: {  	s0 =	sor.u32 $0x10, s7;
	s10 =	sor.u32 $0x20, s7;
	vm0 =	vgt.s32 v8, $0x0;
	vm13 =	vgt.s32 v9, $0x0  }
0x1fc: {  	s11 =	sor.u32 $0x30, s7;
	v10 =	vadd.s32 s0, v6;
	v11 =	vadd.s32 s0, v7;
	v12 =	vadd.s32 s10, v6  }
0x1fd: {  	s28 =	sor.u32 $0x40, s7;
	s29 =	sor.u32 $0x50, s7;
	v13 =	vadd.s32 s10, v7;
	v14 =	vadd.s32 s11, v6;
	v15 =	vadd.s32 s11, v7  }
0x1fe: {  	s30 =	sor.u32 $0x60, s7;
	v16 =	vadd.s32 s28, v6;
	v17 =	vadd.s32 s28, v7;
	v18 =	vadd.s32 s29, v6  }
0x1ff: {  	s31 =	sor.u32 $0x70, s7;
	v19 =	vadd.s32 s29, v7;
	v20 =	vadd.s32 s30, v6;
	v21 =	vadd.s32 s30, v7  }
0x200: {  	v22 =	vadd.s32 s31, v6;
	v23 =	vadd.s32 s31, v7;
	v8 =	vnsel vm0, $0x0, v8  }
0x201: {  	v9 =	vnsel vm13, $0x0, v9;
	vm14 =	vgt.s32 v10, $0x0;
	v8 =	vmin.u32 v8, $0x1FFF  }
0x202: {  	vm15 =	vgt.s32 v11, $0x0;
	v9 =	vmin.u32 v9, $0x1FFF;
	v10 =	vnsel vm14, $0x0, v10  }
0x203: {  	vm4 =	vgt.s32 v12, $0x0;
	v11 =	vnsel vm15, $0x0, v11;
	v10 =	vmin.u32 v10, $0x1FFF  }
0x204: {  	vm5 =	vgt.s32 v13, $0x0;
	v12 =	vnsel vm4, $0x0, v12;
	v11 =	vmin.u32 v11, $0x1FFF  }
0x205: {  	vm6 =	vgt.s32 v14, $0x0;
	v13 =	vnsel vm5, $0x0, v13;
	v12 =	vmin.u32 v12, $0x1FFF  }
0x206: {  	vm7 =	vgt.s32 v15, $0x0;
	v14 =	vnsel vm6, $0x0, v14;
	v13 =	vmin.u32 v13, $0x1FFF;
	v8 =	vld.idx.msk [tilespmem:v8+s16+$0x0], $0xffff  }
0x207: {  	vm8 =	vgt.s32 v16, $0x0;
	v15 =	vnsel vm7, $0x0, v15;
	v14 =	vmin.u32 v14, $0x1FFF;
	v9 =	vld.idx.msk [tilespmem:v9+s16+$0x0], $0xffff  }
0x208: {  	vm9 =	vgt.s32 v17, $0x0;
	v16 =	vnsel vm8, $0x0, v16;
	v15 =	vmin.u32 v15, $0x1FFF;
	v10 =	vld.idx.msk [tilespmem:v10+s16+$0x0], $0xffff  }
0x209: {  	vm10 =	vgt.s32 v18, $0x0;
	v17 =	vnsel vm9, $0x0, v17;
	v16 =	vmin.u32 v16, $0x1FFF;
	v11 =	vld.idx.msk [tilespmem:v11+s16+$0x0], $0xffff  }
0x20a: {  	vm11 =	vgt.s32 v19, $0x0;
	v18 =	vnsel vm10, $0x0, v18;
	v17 =	vmin.u32 v17, $0x1FFF;
	v12 =	vld.idx.msk [tilespmem:v12+s16+$0x0], $0xffff  }
0x20b: {  	vm12 =	vgt.s32 v20, $0x0;
	v19 =	vnsel vm11, $0x0, v19;
	v18 =	vmin.u32 v18, $0x1FFF;
	v13 =	vld.idx.msk [tilespmem:v13+s16+$0x0], $0xffff  }
0x20c: {  	v20 =	vnsel vm12, $0x0, v20;
	vm14 =	vgt.s32 v22, $0x0;
	v19 =	vmin.u32 v19, $0x1FFF;
	v14 =	vld.idx.msk [tilespmem:v14+s16+$0x0], $0xffff  }
0x20d: {  	vm15 =	vgt.s32 v23, $0x0;
	v20 =	vmin.u32 v20, $0x1FFF;
	v22 =	vnsel vm14, $0x0, v22;
	v15 =	vld.idx.msk [tilespmem:v15+s16+$0x0], $0xffff  }
0x20e: {  	vm13 =	vgt.s32 v21, $0x0;
	v23 =	vnsel vm15, $0x0, v23;
	v22 =	vmin.u32 v22, $0x1FFF;
	v16 =	vld.idx.msk [tilespmem:v16+s16+$0x0], $0xffff  }
0x20f: {  	v21 =	vnsel vm13, $0x0, v21;
	v23 =	vmin.u32 v23, $0x1FFF;
	v17 =	vld.idx.msk [tilespmem:v17+s16+$0x0], $0xffff  }
0x210: {  	v21 =	vmin.u32 v21, $0x1FFF;
	v18 =	vld.idx.msk [tilespmem:v18+s16+$0x0], $0xffff  }
0x211: {  	v19 =	vld.idx.msk [tilespmem:v19+s16+$0x0], $0xffff  }
0x212: {  	v20 =	vld.idx.msk [tilespmem:v20+s16+$0x0], $0xffff  }
0x213: {  	v22 =	vld.idx.msk [tilespmem:v22+s16+$0x0], $0xffff;
	v8 =	vmul.f32 v8, v5;
	v9 =	vmul.f32 v9, v4  }
0x214: {  	v51 =	vld.idx.msk [tilespmem:v23+s16+$0x0], $0xffff;
	v10 =	vmul.f32 v10, v5;
	v11 =	vmul.f32 v11, v4  }
0x215: {  	v21 =	vld.idx.msk [tilespmem:v21+s16+$0x0], $0xffff;
	v52 =	vmul.f32 v14, v5;
	v53 =	vmul.f32 v15, v4;
	v8 =	vadd.f32 v9, v8  }
0x216: {  	v49 =	vmul.f32 v12, v5;
	v50 =	vmul.f32 v13, v4;
	v10 =	vadd.f32 v11, v10  }
0x217: {  	v57 =	vmul.f32 v18, v5;
	v58 =	vmul.f32 v19, v4;
	v56 =	vadd.f32 v53, v52;
	[tilespmem:s7+$0xC180] =	vst v8  }
0x218: {  	v54 =	vmul.f32 v16, v5;
	v55 =	vmul.f32 v17, v4;
	v8 =	vadd.f32 v50, v49;
	[tilespmem:s7+$0xC190] =	vst v10  }
0x219: {  	p3 =	por p2, p2;
	v62 =	vmul.f32 v22, v5;
	v13 =	vmul.f32 v51, v4;
	v61 =	vadd.f32 v58, v57;
	[tilespmem:s7+$0xC1B0] =	vst v56  }
.Ltmp6:
0x21a: {  	v59 =	vmul.f32 v20, v5;
	v60 =	vmul.f32 v21, v4;
	[tilespmem:s7+$0xC1A0] =	vst v8;
	v8 =	vadd.f32 v55, v54;
	(pc) =	sbr.rel @p3 .LBB2_15-.Ltmp6, $4  }
0x21b: {  	v63 =	vadd.f32 v13, v62;
	[tilespmem:s7+$0xC1D0] =	vst v61  }
0x21c: {  	[tilespmem:s7+$0xC1C0] =	vst v8;
	v8 =	vadd.f32 v60, v59  }
0x21d: {  	s9 =	simm.s32 $0x170;
	[tilespmem:s7+$0xC1F0] =	vst v63  }
0x21e: {  	p2 =	por $0x0, $0x0;
	s10 =	simm.s32 $0xC2F0;
	[tilespmem:s7+$0xC1E0] =	vst v8;
	s7 =	simm.s32 $0x80  }
0x21f: {  	v8 =	vadd.s32 s9, v6  }
0x220: {  	s0 =	simm.s32 $0x160;
	v23 =	vadd.s32 s9, v7  }
0x221: {  	v9 =	vadd.s32 s0, v6  }
0x222: {  	s7 =	simm.s32 $0x110;
	v10 =	vadd.s32 s0, v7  }
0x223: {  	s31 =	simm.s32 $0x100;
	v11 =	vadd.s32 s7, v6  }
0x224: {  	v12 =	vadd.s32 s31, v6;
	v8 =	vld.idx.msk [tilespmem:v8+s16+$0x0], $0xffff  }
0x225: {  	v13 =	vadd.s32 s31, v7;
	v23 =	vld.idx.msk [tilespmem:v23+s16+$0x0], $0xffff  }
0x226: {  	s11 =	simm.s32 $0x120;
	v14 =	vadd.s32 s7, v7;
	v9 =	vld.idx.msk [tilespmem:v9+s16+$0x0], $0xffff  }
0x227: {  	v15 =	vadd.s32 s11, v6;
	v10 =	vld.idx.msk [tilespmem:v10+s16+$0x0], $0xffff  }
0x228: {  	s28 =	simm.s32 $0x130;
	v16 =	vadd.s32 s11, v7;
	v11 =	vld.idx.msk [tilespmem:v11+s16+$0x0], $0xffff  }
0x229: {  	v17 =	vadd.s32 s28, v6;
	v12 =	vld.idx.msk [tilespmem:v12+s16+$0x0], $0xffff  }
0x22a: {  	s29 =	simm.s32 $0x140;
	v18 =	vadd.s32 s28, v7;
	v13 =	vld.idx.msk [tilespmem:v13+s16+$0x0], $0xffff  }
0x22b: {  	v19 =	vadd.s32 s29, v6;
	v14 =	vld.idx.msk [tilespmem:v14+s16+$0x0], $0xffff  }
0x22c: {  	s30 =	simm.s32 $0x150;
	v20 =	vadd.s32 s29, v7;
	v15 =	vld.idx.msk [tilespmem:v15+s16+$0x0], $0xffff  }
0x22d: {  	v21 =	vadd.s32 s30, v6;
	v16 =	vld.idx.msk [tilespmem:v16+s16+$0x0], $0xffff  }
0x22e: {  	s9 =	simm.s32 $0x1E0;
	v22 =	vadd.s32 s30, v7;
	s31 =	simm.s32 $0x1F0;
	v17 =	vld.idx.msk [tilespmem:v17+s16+$0x0], $0xffff  }
0x22f: {  	v25 =	vadd.s32 s9, v6;
	s28 =	simm.s32 $0x180;
	v24 =	vadd.s32 s31, v6;
	v18 =	vld.idx.msk [tilespmem:v18+s16+$0x0], $0xffff  }
0x230: {  	v28 =	vadd.s32 s28, v6;
	v19 =	vld.idx.msk [tilespmem:v19+s16+$0x0], $0xffff;
	v26 =	vmul.f32 v8, v5;
	v9 =	vmul.f32 v9, v5  }
0x231: {  	v30 =	vadd.s32 s28, v7;
	v20 =	vld.idx.msk [tilespmem:v20+s16+$0x0], $0xffff;
	v10 =	vmul.f32 v10, v4;
	v8 =	vmul.f32 v11, v5  }
0x232: {  	s11 =	simm.s32 $0x190;
	v21 =	vld.idx.msk [tilespmem:v21+s16+$0x0], $0xffff;
	v11 =	vadd.s32 s9, v7;
	v12 =	vmul.f32 v12, v5;
	v13 =	vmul.f32 v13, v4  }
0x233: {  	s29 =	simm.s32 $0x1A0;
	v22 =	vld.idx.msk [tilespmem:v22+s16+$0x0], $0xffff;
	v14 =	vmul.f32 v14, v4;
	v9 =	vadd.f32 v10, v9;
	v10 =	vadd.s32 s11, v6  }
0x234: {  	v31 =	vadd.s32 s29, v7;
	v25 =	vld.idx.msk [tilespmem:v25+s16+$0x0], $0xffff;
	v15 =	vmul.f32 v15, v5;
	v16 =	vmul.f32 v16, v4  }
0x235: {  	s30 =	simm.s32 $0x1B0;
	v24 =	vld.idx.msk [tilespmem:v24+s16+$0x0], $0xffff;
	v12 =	vadd.f32 v13, v12;
	v13 =	vmul.f32 v17, v5;
	v17 =	vmul.f32 v18, v4  }
0x236: {  	v18 =	vadd.s32 s30, v6;
	v16 =	vadd.f32 v16, v15;
	v15 =	vmul.f32 v20, v4;
	v20 =	vld.idx.msk [tilespmem:v30+s16+$0x0], $0xffff  }
0x237: {  	v27 =	vadd.s32 s11, v7;
	v29 =	vadd.s32 s29, v6;
	v8 =	vadd.f32 v14, v8;
	v11 =	vld.idx.msk [tilespmem:v11+s16+$0x0], $0xffff  }
0x238: {  	v61 =	vadd.s32 s30, v7;
	[tilespmem:s10+$0xFFFFFFF0] =	vst v9;
	v17 =	vadd.f32 v17, v13;
	v13 =	vmul.f32 v21, v5;
	v14 =	vld.idx.msk [tilespmem:v10+s16+$0x0], $0xffff  }
0x239: {  	v21 =	vmul.f32 v22, v4;
	[tilespmem:s10+$0xFFFFFF90] =	vst v12;
	v9 =	vadd.s32 s31, v7;
	s31 =	simm.s32 $0x1C0;
	v10 =	vmul.f32 v19, v5;
	v19 =	vld.idx.msk [tilespmem:v28+s16+$0x0], $0xffff  }
0x23a: {  	v23 =	vmul.f32 v23, v4;
	v25 =	vmul.f32 v25, v5;
	[tilespmem:s10+$0xFFFFFFB0] =	vst v16;
	v16 =	vld.idx.msk [tilespmem:v31+s16+$0x0], $0xffff;
	v12 =	vadd.s32 s31, v6  }
0x23b: {  	s11 =	simm.s32 $0x1D0;
	[tilespmem:s10+$0xFFFFFFA0] =	vst v8;
	v8 =	vmul.f32 v24, v5;
	v62 =	vadd.f32 v21, v13;
	v13 =	vadd.s32 s31, v7;
	v18 =	vld.idx.msk [tilespmem:v18+s16+$0x0], $0xffff  }
0x23c: {  	[tilespmem:s10+$0xFFFFFFC0] =	vst v17;
	v22 =	vadd.f32 v15, v10;
	v10 =	vld.idx.msk [tilespmem:v27+s16+$0x0], $0xffff;
	v63 =	vmul.f32 v11, v4;
	v11 =	vadd.s32 s11, v6  }
0x23d: {  	v21 =	vadd.f32 v23, v26;
	[tilespmem:s10+$0xFFFFFFE0] =	vst v62;
	v15 =	vld.idx.msk [tilespmem:v29+s16+$0x0], $0xffff;
	v17 =	vmul.f32 v14, v5;
	v14 =	vadd.s32 s11, v7  }
0x23e: {  	s7 =	simm.s32 $0x18;
	s9 =	simm.s32 $0xE0F0;
	[tilespmem:s10+$0xFFFFFFD0] =	vst v22;
	v22 =	vmul.f32 v19, v5;
	v19 =	vld.idx.msk [tilespmem:v61+s16+$0x0], $0xffff;
	v23 =	vadd.f32 v63, v25;
	s11 =	simm.s32 $0x270  }
.LBB2_17:
0x23f: {  	s0 =	sadd.s32 $0xFFFFFFA0, s11;
	s28 =	sadd.s32 $0xFFFFFFF0, s11;
	v24 =	vadd.s32 s11, v6;
	v25 =	vadd.s32 s11, v7;
	v20 =	vmul.f32 v20, v4;
	v26 =	vld.idx.msk [tilespmem:v12+s16+$0x0], $0xffff;
	[tilespmem:s10+$0x0] =	vst v21;
	s10 =	sadd.s32 $0x80, s10  }
0x240: {  	s29 =	sadd.s32 $0xFFFFFFC0, s11;
	s7 =	sadd.s32 $0x8, s7;
	v21 =	vadd.s32 s0, v6;
	v27 =	vadd.s32 s0, v7;
	s0 =	sadd.s32 $0xFFFFFFB0, s11;
	v28 =	vadd.s32 s28, v6;
	v29 =	vld.idx.msk [tilespmem:v13+s16+$0x0], $0xffff;
	[tilespmem:s10+$0xFFFFFFF0] =	vst v23  }
0x241: {  	s30 =	sadd.s32 $0xFFFFFFE0, s11;
	v31 =	vadd.s32 s28, v7;
	p2 =	slt.u32 s7, $0x1E8;
	v23 =	vadd.s32 s0, v6;
	v30 =	vadd.s32 s0, v7;
	s0 =	sadd.s32 $0xFFFFFFD0, s11;
	v32 =	vld.idx.msk [tilespmem:v11+s16+$0x0], $0xffff  }
0x242: {  	s28 =	sadd.s32 $0xFFFFFF90, s11;
	v33 =	vadd.s32 s29, v6;
	v34 =	vadd.s32 s29, v7;
	v12 =	vadd.s32 s0, v6;
	v35 =	vld.idx.msk [tilespmem:v14+s16+$0x0], $0xffff  }
0x243: {  	v36 =	vadd.s32 s28, v6;
	v37 =	vadd.s32 s28, v7;
	v13 =	vadd.s32 s0, v7;
	v38 =	vld.idx.msk [tilespmem:v9+s16+$0x0], $0xffff;
	v9 =	vmovc v25  }
0x244: {  	v10 =	vmul.f32 v10, v4;
	v11 =	vadd.s32 s30, v6;
	v14 =	vadd.s32 s30, v7;
	v24 =	vld.idx.msk [tilespmem:v24+s16+$0x0], $0xffff  }
0x245: {  	v15 =	vmul.f32 v15, v5;
	v22 =	vadd.f32 v20, v22;
	v16 =	vmul.f32 v16, v4;
	v25 =	vld.idx.msk [tilespmem:v28+s16+$0x0], $0xffff  }
0x246: {  	v17 =	vadd.f32 v10, v17;
	v10 =	vmul.f32 v18, v5;
	v18 =	vmul.f32 v19, v4;
	v28 =	vld.idx.msk [tilespmem:v31+s16+$0x0], $0xffff  }
0x247: {  	v16 =	vadd.f32 v16, v15;
	v15 =	vmul.f32 v26, v5;
	v19 =	vld.idx.msk [tilespmem:v21+s16+$0x0], $0xffff;
	v21 =	vmul.f32 v29, v4  }
0x248: {  	v18 =	vadd.f32 v18, v10;
	v29 =	vmul.f32 v32, v5;
	v31 =	vmul.f32 v35, v4;
	v26 =	vld.idx.msk [tilespmem:v36+s16+$0x0], $0xffff  }
0x249: {  	v20 =	vld.idx.msk [tilespmem:v37+s16+$0x0], $0xffff;
	[tilespmem:s10+$0xFFFFFF90] =	vst v22;
	v22 =	vadd.f32 v21, v15;
	v21 =	vmul.f32 v38, v4  }
.Ltmp7:
0x24a: {  	v24 =	vmul.f32 v24, v5;
	v10 =	vld.idx.msk [tilespmem:v27+s16+$0x0], $0xffff;
	[tilespmem:s10+$0xFFFFFFA0] =	vst v17;
	v27 =	vadd.f32 v31, v29;
	(pc) =	sbr.rel @p2 .LBB2_17-.Ltmp7, $4  }
0x24b: {  	v15 =	vld.idx.msk [tilespmem:v23+s16+$0x0], $0xffff;
	[tilespmem:s10+$0xFFFFFFB0] =	vst v16;
	v21 =	vadd.f32 v21, v8  }
0x24c: {  	v23 =	vmul.f32 v25, v5;
	v25 =	vmul.f32 v28, v4;
	v8 =	vmov v24;
	v16 =	vld.idx.msk [tilespmem:v30+s16+$0x0], $0xffff;
	[tilespmem:s10+$0xFFFFFFC0] =	vst v18  }
0x24d: {  	v17 =	vmul.f32 v19, v5;
	v18 =	vld.idx.msk [tilespmem:v33+s16+$0x0], $0xffff;
	[tilespmem:s10+$0xFFFFFFD0] =	vst v22  }
0x24e: {  	s11 =	sadd.s32 $0x80, s11;
	s28 =	simm.s32 $0x1F70;
	v22 =	vmul.f32 v26, v5;
	v23 =	vadd.f32 v25, v23;
	v19 =	vld.idx.msk [tilespmem:v34+s16+$0x0], $0xffff;
	[tilespmem:s10+$0xFFFFFFE0] =	vst v27  }
0x24f: {  	_ =	sdelay $0x3  }
0x250: {  	v12 =	vld.idx.msk [tilespmem:v12+s16+$0x0], $0xffff  }
0x251: {  	v13 =	vld.idx.msk [tilespmem:v13+s16+$0x0], $0xffff;
	v20 =	vmul.f32 v20, v4;
	s11 =	simm.s32 $0x1F30  }
0x252: {  	v11 =	vld.idx.msk [tilespmem:v11+s16+$0x0], $0xffff;
	v10 =	vmul.f32 v10, v4;
	[tilespmem:s10+$0x0] =	vst v21;
	s10 =	sadd.s32 $0x80, s10;
	s31 =	simm.s32 $0x1F50;
	v15 =	vmul.f32 v15, v5;
	v21 =	vadd.s32 s11, v7  }
0x253: {  	v14 =	vld.idx.msk [tilespmem:v14+s16+$0x0], $0xffff;
	s7 =	simm.s32 $0x1F10;
	s29 =	simm.s32 $0x1F60;
	[tilespmem:s10+$0xFFFFFFF0] =	vst v23;
	v23 =	vadd.s32 s31, v6;
	v16 =	vmul.f32 v16, v4;
	v20 =	vadd.f32 v20, v22  }
0x254: {  	v9 =	vld.idx.msk [tilespmem:v9+s16+$0x0], $0xffff;
	v10 =	vadd.f32 v10, v17;
	v17 =	vadd.s32 s7, v7;
	v22 =	vadd.s32 s29, v6  }
0x255: {  	vm1 =	vgt.s32 v21, $0x0;
	vm2 =	vgt.s32 v23, $0x0;
	v18 =	vmul.f32 v18, v5  }
0x256: {  	s30 =	simm.s32 $0x1F40;
	vm15 =	vgt.s32 v22, $0x0;
	v19 =	vmul.f32 v19, v4;
	v15 =	vadd.f32 v16, v15;
	[tilespmem:s10+$0xFFFFFF90] =	vst v20  }
0x257: {  	v20 =	vadd.s32 s30, v7;
	[tilespmem:s10+$0xFFFFFFA0] =	vst v10;
	v10 =	vadd.s32 s29, v7;
	v12 =	vmul.f32 v12, v5  }
0x258: {  	v22 =	vnsel vm15, $0x0, v22;
	v13 =	vmul.f32 v13, v4;
	v11 =	vmul.f32 v11, v5  }
0x259: {  	vm15 =	vgt.s32 v17, $0x0;
	v14 =	vmul.f32 v14, v4;
	v9 =	vmul.f32 v9, v4  }
0x25a: {  	vm5 =	vgt.s32 v10, $0x0;
	vm8 =	vgt.s32 v20, $0x0;
	v17 =	vnsel vm15, $0x0, v17  }
0x25b: {  	v16 =	vadd.f32 v19, v18;
	[tilespmem:s10+$0xFFFFFFB0] =	vst v15;
	v15 =	vnsel vm1, $0x0, v21;
	v21 =	vmin.u32 v22, $0x1FFF  }
0x25c: {  	v10 =	vnsel vm5, $0x0, v10;
	v20 =	vnsel vm8, $0x0, v20;
	v12 =	vadd.f32 v13, v12  }
0x25d: {  	s0 =	simm.s32 $0x1F00;
	v11 =	vadd.f32 v14, v11;
	v8 =	vadd.f32 v9, v8;
	v9 =	vadd.s32 s28, v6  }
0x25e: {  	v13 =	vadd.s32 s0, v6;
	v14 =	vadd.s32 s0, v7;
	v10 =	vmin.u32 v10, $0x1FFF  }
0x25f: {  	v20 =	vmin.u32 v20, $0x1FFF;
	v22 =	vmin.u32 v15, $0x1FFF;
	[tilespmem:s10+$0xFFFFFFC0] =	vst v16;
	v16 =	vadd.s32 s30, v6  }
0x260: {  	vm0 =	vgt.s32 v9, $0x0;
	vm4 =	vgt.s32 v13, $0x0;
	vm7 =	vgt.s32 v16, $0x0  }
0x261: {  	v19 =	vnsel vm0, $0x0, v9;
	v9 =	vadd.s32 s11, v6;
	[tilespmem:s10+$0xFFFFFFE0] =	vst v11;
	v11 =	vnsel vm7, $0x0, v16  }
0x262: {  	s0 =	simm.s32 $0x1F20;
	v13 =	vnsel vm4, $0x0, v13;
	[tilespmem:s10+$0x0] =	vst v8;
	vm6 =	vgt.s32 v9, $0x0;
	v8 =	vmin.u32 v11, $0x1FFF  }
0x263: {  	v18 =	vadd.s32 s0, v6;
	[tilespmem:s10+$0xFFFFFFD0] =	vst v12;
	v11 =	vmin.u32 v13, $0x1FFF;
	v9 =	vnsel vm6, $0x0, v9  }
0x264: {  	vm12 =	vgt.s32 v14, $0x0;
	vm10 =	vgt.s32 v18, $0x0;
	v16 =	vld.idx.msk [tilespmem:v21+s16+$0x0], $0xffff;
	v21 =	vmin.u32 v9, $0x1FFF  }
0x265: {  	v12 =	vnsel vm2, $0x0, v23;
	v14 =	vnsel vm12, $0x0, v14;
	v15 =	vnsel vm10, $0x0, v18  }
0x266: {  	v26 =	vmin.u32 v19, $0x1FFF;
	v18 =	vadd.s32 s7, v6;
	v13 =	vadd.s32 s31, v7;
	v24 =	vld.idx.msk [tilespmem:v10+s16+$0x0], $0xffff  }
0x267: {  	v23 =	vmin.u32 v15, $0x1FFF;
	v15 =	vmin.u32 v14, $0x1FFF;
	vm14 =	vgt.s32 v18, $0x0;
	v8 =	vld.idx.msk [tilespmem:v8+s16+$0x0], $0xffff  }
0x268: {  	vm9 =	vgt.s32 v13, $0x0;
	v9 =	vadd.s32 s0, v7;
	v10 =	vadd.s32 s28, v7;
	v11 =	vld.idx.msk [tilespmem:v11+s16+$0x0], $0xffff  }
0x269: {  	v18 =	vnsel vm14, $0x0, v18;
	vm11 =	vgt.s32 v9, $0x0;
	vm13 =	vgt.s32 v10, $0x0;
	v21 =	vld.idx.msk [tilespmem:v21+s16+$0x0], $0xffff  }
0x26a: {  	v14 =	vld.idx.msk [tilespmem:v22+s16+$0x0], $0xffff;
	v19 =	vnsel vm9, $0x0, v13;
	v18 =	vmin.u32 v18, $0x1FFF;
	v9 =	vnsel vm11, $0x0, v9  }
0x26b: {  	v10 =	vnsel vm13, $0x0, v10;
	v25 =	vmul.f32 v16, v5;
	v16 =	vmin.u32 v12, $0x1FFF  }
0x26c: {  	v19 =	vmin.u32 v19, $0x1FFF;
	v12 =	vmin.u32 v10, $0x1FFF;
	v10 =	vld.idx.msk [tilespmem:v20+s16+$0x0], $0xffff;
	v22 =	vmul.f32 v24, v4  }
0x26d: {  	v9 =	vmin.u32 v9, $0x1FFF;
	v13 =	vld.idx.msk [tilespmem:v23+s16+$0x0], $0xffff;
	v20 =	vmin.u32 v17, $0x1FFF;
	v11 =	vmul.f32 v11, v5  }
0x26e: {  	s10 =	simm.s32 $0x1FF0;
	s11 =	simm.s32 $0xE170;
	s7 =	simm.s32 $0x1F0;
	v17 =	vld.idx.msk [tilespmem:v26+s16+$0x0], $0xffff;
	v22 =	vadd.f32 v22, v25;
	v8 =	vmul.f32 v8, v5;
	v21 =	vmul.f32 v21, v5  }
.LBB2_19:
0x26f: {  	s0 =	sadd.s32 $0xFFFFFF90, s10;
	s28 =	sadd.s32 $0xFFFFFFA0, s10;
	v23 =	vadd.s32 s10, v6;
	s7 =	sadd.s32 $0x8, s7;
	v15 =	vld.idx.msk [tilespmem:v15+s16+$0x0], $0xffff;
	v14 =	vmul.f32 v14, v4  }
0x270: {  	s29 =	sadd.s32 $0xFFFFFFB0, s10;
	v24 =	vadd.s32 s0, v6;
	v25 =	vadd.s32 s0, v7;
	vm0 =	vgt.s32 v23, $0x0;
	p2 =	slt.u32 s7, $0x1F8;
	v16 =	vld.idx.msk [tilespmem:v16+s16+$0x0], $0xffff;
	[tilespmem:s9+$0xFFFFFFF0] =	vst v22  }
0x271: {  	s30 =	sadd.s32 $0xFFFFFFD0, s10;
	v22 =	vadd.s32 s28, v7;
	v26 =	vadd.s32 s29, v6;
	s0 =	sadd.s32 $0xFFFFFFC0, s10;
	v23 =	vnsel vm0, $0x0, v23;
	v18 =	vld.idx.msk [tilespmem:v18+s16+$0x0], $0xffff  }
0x272: {  	v27 =	vadd.s32 s0, v6;
	v28 =	vadd.s32 s0, v7;
	s0 =	sadd.s32 $0xFFFFFFE0, s10;
	v14 =	vadd.f32 v14, v21;
	v19 =	vld.idx.msk [tilespmem:v19+s16+$0x0], $0xffff  }
0x273: {  	s31 =	sadd.s32 $0xFFFFFFF0, s10;
	v13 =	vmul.f32 v13, v5;
	v21 =	vadd.s32 s30, v7;
	v29 =	vadd.s32 s0, v6;
	v20 =	vld.idx.msk [tilespmem:v20+s16+$0x0], $0xffff  }
0x274: {  	v30 =	vadd.s32 s31, v6;
	v31 =	vadd.s32 s31, v7;
	v9 =	vld.idx.msk [tilespmem:v9+s16+$0x0], $0xffff;
	[tilespmem:s9+$0xFFFFFFC0] =	vst v14;
	v14 =	vmul.f32 v17, v5  }
0x275: {  	vm0 =	vgt.s32 v24, $0x0;
	vm1 =	vgt.s32 v28, $0x0;
	v15 =	vmul.f32 v15, v4;
	v12 =	vld.idx.msk [tilespmem:v12+s16+$0x0], $0xffff  }
0x276: {  	v17 =	vnsel vm1, $0x0, v28;
	vm1 =	vgt.s32 v31, $0x0;
	v16 =	vmul.f32 v16, v5  }
0x277: {  	v24 =	vnsel vm0, $0x0, v24;
	vm0 =	vgt.s32 v27, $0x0  }
0x278: {  	v10 =	vmul.f32 v10, v4;
	vm2 =	vgt.s32 v30, $0x0;
	v28 =	vnsel vm1, $0x0, v31  }
0x279: {  	v30 =	vnsel vm2, $0x0, v30;
	v31 =	vadd.s32 s30, v6;
	v20 =	vmul.f32 v20, v4  }
0x27a: {  	v30 =	vmin.u32 v30, $0x1FFF;
	vm1 =	vgt.s32 v31, $0x0;
	v28 =	vmin.u32 v28, $0x1FFF  }
0x27b: {  	v31 =	vnsel vm1, $0x0, v31;
	vm1 =	vgt.s32 v21, $0x0;
	v12 =	vmul.f32 v12, v4  }
0x27c: {  	vm2 =	vgt.s32 v29, $0x0;
	v11 =	vadd.f32 v15, v11;
	v31 =	vmin.u32 v31, $0x1FFF  }
0x27d: {  	v15 =	vmin.u32 v24, $0x1FFF;
	v24 =	vadd.s32 s0, v7;
	v9 =	vmul.f32 v9, v4  }
0x27e: {  	v27 =	vnsel vm0, $0x0, v27;
	v29 =	vnsel vm2, $0x0, v29;
	[tilespmem:s9+$0xFFFFFF90] =	vst v11;
	v11 =	vmul.f32 v18, v5  }
0x27f: {  	vm0 =	vgt.s32 v24, $0x0;
	v12 =	vadd.f32 v12, v14;
	v18 =	vnsel vm1, $0x0, v21;
	v21 =	vld.idx.msk [tilespmem:v30+s16+$0x0], $0xffff  }
0x280: {  	v19 =	vmul.f32 v19, v4;
	v14 =	vmin.u32 v27, $0x1FFF;
	v18 =	vmin.u32 v18, $0x1FFF  }
0x281: {  	v17 =	vmin.u32 v17, $0x1FFF;
	vm1 =	vgt.s32 v26, $0x0;
	v11 =	vadd.f32 v20, v11;
	v27 =	vld.idx.msk [tilespmem:v31+s16+$0x0], $0xffff;
	[tilespmem:s9+$0x0] =	vst v12  }
0x282: {  	v8 =	vadd.f32 v10, v8;
	v20 =	vadd.s32 s29, v7;
	v12 =	vnsel vm1, $0x0, v26  }
0x283: {  	vm1 =	vgt.s32 v25, $0x0;
	vm2 =	vgt.s32 v20, $0x0;
	v30 =	vmin.u32 v12, $0x1FFF;
	v26 =	vld.idx.msk [tilespmem:v15+s16+$0x0], $0xffff;
	[tilespmem:s9+$0xFFFFFFA0] =	vst v11  }
0x284: {  	v13 =	vadd.f32 v9, v13;
	v10 =	vnsel vm2, $0x0, v20;
	v12 =	vadd.s32 s10, v7;
	v11 =	vld.idx.msk [tilespmem:v28+s16+$0x0], $0xffff;
	[tilespmem:s9+$0xFFFFFFD0] =	vst v8  }
0x285: {  	v9 =	vmin.u32 v10, $0x1FFF;
	v31 =	vmul.f32 v21, v5;
	v8 =	vadd.f32 v19, v16;
	v28 =	vld.idx.msk [tilespmem:v14+s16+$0x0], $0xffff  }
0x286: {  	v10 =	vnsel vm1, $0x0, v25;
	vm1 =	vgt.s32 v12, $0x0;
	v14 =	vld.idx.msk [tilespmem:v17+s16+$0x0], $0xffff;
	v17 =	vmin.u32 v23, $0x1FFF;
	[tilespmem:s9+$0xFFFFFFB0] =	vst v13  }
0x287: {  	v15 =	vmin.u32 v10, $0x1FFF;
	v12 =	vnsel vm1, $0x0, v12;
	v13 =	vadd.s32 s28, v6;
	[tilespmem:s9+$0xFFFFFFE0] =	vst v8;
	s9 =	smov.u32 s11  }
.Ltmp8:
0x288: {  	v16 =	vmin.u32 v29, $0x1FFF;
	v12 =	vmin.u32 v12, $0x1FFF;
	vm1 =	vgt.s32 v13, $0x0;
	v10 =	vld.idx.msk [tilespmem:v18+s16+$0x0], $0xffff;
	(pc) =	sbr.rel @p2 .LBB2_19-.Ltmp8, $4  }
0x289: {  	v19 =	vnsel vm0, $0x0, v24;
	v8 =	vnsel vm1, $0x0, v13;
	vm1 =	vgt.s32 v22, $0x0;
	v13 =	vld.idx.msk [tilespmem:v30+s16+$0x0], $0xffff  }
0x28a: {  	v18 =	vmin.u32 v8, $0x1FFF;
	v20 =	vnsel vm1, $0x0, v22;
	v22 =	vmul.f32 v11, v4  }
0x28b: {  	v19 =	vmin.u32 v19, $0x1FFF;
	v11 =	vmul.f32 v26, v5;
	v8 =	vmul.f32 v27, v5  }
0x28c: {  	s10 =	sadd.s32 $0x80, s10;
	s11 =	sadd.s32 $0x80, s11;
	v20 =	vmin.u32 v20, $0x1FFF;
	v21 =	vmul.f32 v28, v5;
	v22 =	vadd.f32 v22, v31;
	v17 =	vld.idx.msk [tilespmem:v17+s16+$0x0], $0xffff  }
0x28d: {  	_ =	sdelay $0x3  }
0x28e: {  	v6 =	vld.idx.msk [tilespmem:v15+s16+$0x0], $0xffff  }
0x28f: {  	v7 =	vld.idx.msk [tilespmem:v18+s16+$0x0], $0xffff  }
0x290: {  	v12 =	vld.idx.msk [tilespmem:v12+s16+$0x0], $0xffff  }
0x291: {  	v60 =	vld.idx.msk [tilespmem:v20+s16+$0x0], $0xffff  }
0x292: {  	v16 =	vld.idx.msk [tilespmem:v16+s16+$0x0], $0xffff  }
0x293: {  	v9 =	vld.idx.msk [tilespmem:v9+s16+$0x0], $0xffff  }
0x294: {  	v14 =	vmul.f32 v14, v4;
	v61 =	vld.idx.msk [tilespmem:v19+s16+$0x0], $0xffff  }
0x295: {  	v10 =	vmul.f32 v10, v4;
	v63 =	vmul.f32 v13, v5  }
0x296: {  	v17 =	vmul.f32 v17, v5;
	v6 =	vmul.f32 v6, v4  }
0x297: {  	v12 =	vmul.f32 v12, v4;
	v15 =	vmul.f32 v60, v4  }
0x298: {  	v14 =	vadd.f32 v14, v21;
	v7 =	vmul.f32 v7, v5;
	v9 =	vmul.f32 v9, v4  }
0x299: {  	[tilespmem:s9+$0xFFFFFFF0] =	vst v22;
	v5 =	vmul.f32 v16, v5;
	v4 =	vmul.f32 v61, v4;
	v6 =	vadd.f32 v6, v11  }
0x29a: {  	[tilespmem:s9+$0xFFFFFFC0] =	vst v14;
	v62 =	vadd.f32 v12, v17  }
0x29b: {  	v4 =	vadd.f32 v4, v5;
	[tilespmem:s9+$0xFFFFFF90] =	vst v6  }
0x29c: {  	v6 =	vadd.f32 v15, v7;
	[tilespmem:s9+$0x0] =	vst v62  }
0x29d: {  	v7 =	vadd.f32 v10, v8;
	[tilespmem:s9+$0xFFFFFFE0] =	vst v4  }
0x29e: {  	[tilespmem:s9+$0xFFFFFFA0] =	vst v6;
	v6 =	vadd.f32 v9, v63  }
0x29f: {  	[tilespmem:s9+$0xFFFFFFD0] =	vst v7  }
0x2a0: {  	s0 =	sadd.s32 s8, s5;
	[tilespmem:s9+$0xFFFFFFB0] =	vst v6  }
0x2a1: {  	[hbm4b:s0+s12] =	stream.strided.scatter [tilespmem:s24], [sflag:$0x7], $0x2000, s13, s12, $0x38;
	[tilespmem:$0x10180] =	vst v63  }
0x2a2: {  	s0 =	sadd.s32 @!p1 $0x6, s3  }
0x2a3: {  	s30 =	sor.u32 $0x3, s3;
	s7 =	sshll.u32 @!p1 s0, $0x4  }
0x2a4: {  	s8 =	simm.s32 @!p1 $0x80;
	s0 =	sshll.u32 @!p1 s0, $0xA;
	s7 =	sand.u32 @!p1 $0x60, s7  }
0x2a5: {  	s31 =	sand.u32 $0x7F, s30;
	s0 =	sand.u32 @!p1 $0xFFFE000, s0;
	s7 =	sadd.s32 @!p1 s2, s7  }
0x2a6: {  	v5 =	vmov s31;
	s9 =	simm.s32 @!p1 $0x400;
	s0 =	sadd.s32 @!p1 s0, s7;
	s7 =	simm.s32 @!p1 $0x4180  }
0x2a7: {  	[tilespmem:s7], [sflag:$0x3] =	stream.strided.gather @!p1 [hbm4b:s0+s8], $0x2000, s9, s8, $0x38;
	[tilespmem:$0x10180] =	vst v63  }
0x2a8: {  	_ =	swait.ge [sflag:s25], $0x2000  }
0x2a9: {  	[sflag:s25] =	ssyncset.done $0x0  }
0x2aa: {  	[sflag:s25] =	ssyncadd.s32 $0xFFFFE000  }
0x2ab: {  	v4 =	vld.idx.msk [tilespmem:v5+s19+$0x0], $0xffff  }
0x2ac: {  	v7 =	vld.idx.msk [tilespmem:v5+s12+$0x0], $0xffff;
	_ =	sdelay $0x1  }
0x2ad: {  	s0 =	simm.s32 @!p0 $0x8  }
0x2ae: {  	s3 =	sshll.u32 s30, $0x4;
	_ =	swait.ge @!p0 [sflag:s0], $0x2000  }
0x2af: {  	s3 =	sand.u32 $0x70, s3;
	[sflag:s0] =	ssyncset.done @!p0 $0x0  }
0x2b0: {  	s7 =	simm.s32 $0x0;
	[sflag:s0] =	ssyncadd.s32 @!p0 $0xFFFFE000;
	p0 =	por $0x1, $0x1;
	v6 =	vadd.s32 v0, v7;
	v5 =	vsub.f32 $1.000000000e+00, v4;
	v7 =	vadd.s32 v3, v7  }
.LBB2_21:
0x2b1: {  	v8 =	vadd.s32 s7, v6;
	v9 =	vadd.s32 s7, v7  }
0x2b2: {  	s0 =	sor.u32 $0x10, s7;
	s10 =	sor.u32 $0x20, s7;
	vm0 =	vgt.s32 v8, $0x0;
	vm13 =	vgt.s32 v9, $0x0  }
0x2b3: {  	s11 =	sor.u32 $0x30, s7;
	v10 =	vadd.s32 s0, v6;
	v11 =	vadd.s32 s0, v7;
	v12 =	vadd.s32 s10, v6  }
0x2b4: {  	s28 =	sor.u32 $0x40, s7;
	s29 =	sor.u32 $0x50, s7;
	v13 =	vadd.s32 s10, v7;
	v14 =	vadd.s32 s11, v6;
	v15 =	vadd.s32 s11, v7  }
0x2b5: {  	s30 =	sor.u32 $0x60, s7;
	v16 =	vadd.s32 s28, v6;
	v17 =	vadd.s32 s28, v7;
	v18 =	vadd.s32 s29, v6  }
0x2b6: {  	s31 =	sor.u32 $0x70, s7;
	v19 =	vadd.s32 s29, v7;
	v20 =	vadd.s32 s30, v6;
	v21 =	vadd.s32 s30, v7  }
0x2b7: {  	v22 =	vadd.s32 s31, v6;
	v23 =	vadd.s32 s31, v7;
	v8 =	vnsel vm0, $0x0, v8  }
0x2b8: {  	v9 =	vnsel vm13, $0x0, v9;
	vm14 =	vgt.s32 v10, $0x0;
	v8 =	vmin.u32 v8, $0x1FFF  }
0x2b9: {  	vm15 =	vgt.s32 v11, $0x0;
	v9 =	vmin.u32 v9, $0x1FFF;
	v10 =	vnsel vm14, $0x0, v10  }
0x2ba: {  	vm4 =	vgt.s32 v12, $0x0;
	v11 =	vnsel vm15, $0x0, v11;
	v10 =	vmin.u32 v10, $0x1FFF  }
0x2bb: {  	vm5 =	vgt.s32 v13, $0x0;
	v12 =	vnsel vm4, $0x0, v12;
	v11 =	vmin.u32 v11, $0x1FFF  }
0x2bc: {  	vm6 =	vgt.s32 v14, $0x0;
	v13 =	vnsel vm5, $0x0, v13;
	v12 =	vmin.u32 v12, $0x1FFF  }
0x2bd: {  	vm7 =	vgt.s32 v15, $0x0;
	v14 =	vnsel vm6, $0x0, v14;
	v13 =	vmin.u32 v13, $0x1FFF;
	v8 =	vld.idx.msk [tilespmem:v8+s17+$0x0], $0xffff  }
0x2be: {  	vm8 =	vgt.s32 v16, $0x0;
	v15 =	vnsel vm7, $0x0, v15;
	v14 =	vmin.u32 v14, $0x1FFF;
	v9 =	vld.idx.msk [tilespmem:v9+s17+$0x0], $0xffff  }
0x2bf: {  	vm9 =	vgt.s32 v17, $0x0;
	v16 =	vnsel vm8, $0x0, v16;
	v15 =	vmin.u32 v15, $0x1FFF;
	v10 =	vld.idx.msk [tilespmem:v10+s17+$0x0], $0xffff  }
0x2c0: {  	vm10 =	vgt.s32 v18, $0x0;
	v17 =	vnsel vm9, $0x0, v17;
	v16 =	vmin.u32 v16, $0x1FFF;
	v11 =	vld.idx.msk [tilespmem:v11+s17+$0x0], $0xffff  }
0x2c1: {  	vm11 =	vgt.s32 v19, $0x0;
	v18 =	vnsel vm10, $0x0, v18;
	v17 =	vmin.u32 v17, $0x1FFF;
	v12 =	vld.idx.msk [tilespmem:v12+s17+$0x0], $0xffff  }
0x2c2: {  	vm12 =	vgt.s32 v20, $0x0;
	v19 =	vnsel vm11, $0x0, v19;
	v18 =	vmin.u32 v18, $0x1FFF;
	v13 =	vld.idx.msk [tilespmem:v13+s17+$0x0], $0xffff  }
0x2c3: {  	v20 =	vnsel vm12, $0x0, v20;
	vm14 =	vgt.s32 v22, $0x0;
	v19 =	vmin.u32 v19, $0x1FFF;
	v14 =	vld.idx.msk [tilespmem:v14+s17+$0x0], $0xffff  }
0x2c4: {  	vm15 =	vgt.s32 v23, $0x0;
	v20 =	vmin.u32 v20, $0x1FFF;
	v22 =	vnsel vm14, $0x0, v22;
	v15 =	vld.idx.msk [tilespmem:v15+s17+$0x0], $0xffff  }
0x2c5: {  	vm13 =	vgt.s32 v21, $0x0;
	v23 =	vnsel vm15, $0x0, v23;
	v22 =	vmin.u32 v22, $0x1FFF;
	v16 =	vld.idx.msk [tilespmem:v16+s17+$0x0], $0xffff  }
0x2c6: {  	v21 =	vnsel vm13, $0x0, v21;
	v23 =	vmin.u32 v23, $0x1FFF;
	v17 =	vld.idx.msk [tilespmem:v17+s17+$0x0], $0xffff  }
0x2c7: {  	v21 =	vmin.u32 v21, $0x1FFF;
	v18 =	vld.idx.msk [tilespmem:v18+s17+$0x0], $0xffff  }
0x2c8: {  	v19 =	vld.idx.msk [tilespmem:v19+s17+$0x0], $0xffff  }
0x2c9: {  	v20 =	vld.idx.msk [tilespmem:v20+s17+$0x0], $0xffff  }
0x2ca: {  	v22 =	vld.idx.msk [tilespmem:v22+s17+$0x0], $0xffff;
	v8 =	vmul.f32 v8, v5;
	v9 =	vmul.f32 v9, v4  }
0x2cb: {  	v51 =	vld.idx.msk [tilespmem:v23+s17+$0x0], $0xffff;
	v10 =	vmul.f32 v10, v5;
	v11 =	vmul.f32 v11, v4  }
0x2cc: {  	v21 =	vld.idx.msk [tilespmem:v21+s17+$0x0], $0xffff;
	v52 =	vmul.f32 v14, v5;
	v53 =	vmul.f32 v15, v4;
	v8 =	vadd.f32 v9, v8  }
0x2cd: {  	v49 =	vmul.f32 v12, v5;
	v50 =	vmul.f32 v13, v4;
	v10 =	vadd.f32 v11, v10  }
0x2ce: {  	v57 =	vmul.f32 v18, v5;
	v58 =	vmul.f32 v19, v4;
	v56 =	vadd.f32 v53, v52;
	[tilespmem:s7+$0xE180] =	vst v8  }
0x2cf: {  	v54 =	vmul.f32 v16, v5;
	v55 =	vmul.f32 v17, v4;
	v8 =	vadd.f32 v50, v49;
	[tilespmem:s7+$0xE190] =	vst v10  }
0x2d0: {  	p1 =	por p0, p0;
	v62 =	vmul.f32 v22, v5;
	v13 =	vmul.f32 v51, v4;
	v61 =	vadd.f32 v58, v57;
	[tilespmem:s7+$0xE1B0] =	vst v56  }
.Ltmp9:
0x2d1: {  	v59 =	vmul.f32 v20, v5;
	v60 =	vmul.f32 v21, v4;
	[tilespmem:s7+$0xE1A0] =	vst v8;
	v8 =	vadd.f32 v55, v54;
	(pc) =	sbr.rel @p1 .LBB2_21-.Ltmp9, $4  }
0x2d2: {  	v63 =	vadd.f32 v13, v62;
	[tilespmem:s7+$0xE1D0] =	vst v61  }
0x2d3: {  	[tilespmem:s7+$0xE1C0] =	vst v8;
	v8 =	vadd.f32 v60, v59  }
0x2d4: {  	s8 =	simm.s32 $0x170;
	[tilespmem:s7+$0xE1F0] =	vst v63  }
0x2d5: {  	s9 =	simm.s32 $0xE2F0;
	p0 =	por $0x0, $0x0;
	[tilespmem:s7+$0xE1E0] =	vst v8;
	s7 =	simm.s32 $0x80  }
0x2d6: {  	v8 =	vadd.s32 s8, v6  }
0x2d7: {  	s0 =	simm.s32 $0x160;
	v23 =	vadd.s32 s8, v7  }
0x2d8: {  	v9 =	vadd.s32 s0, v6  }
0x2d9: {  	s7 =	simm.s32 $0x110;
	v10 =	vadd.s32 s0, v7  }
0x2da: {  	s10 =	simm.s32 $0x100;
	v11 =	vadd.s32 s7, v6  }
0x2db: {  	v12 =	vadd.s32 s10, v6;
	v8 =	vld.idx.msk [tilespmem:v8+s17+$0x0], $0xffff  }
0x2dc: {  	v13 =	vadd.s32 s10, v7;
	v23 =	vld.idx.msk [tilespmem:v23+s17+$0x0], $0xffff  }
0x2dd: {  	s11 =	simm.s32 $0x120;
	v14 =	vadd.s32 s7, v7;
	v9 =	vld.idx.msk [tilespmem:v9+s17+$0x0], $0xffff  }
0x2de: {  	v15 =	vadd.s32 s11, v6;
	v10 =	vld.idx.msk [tilespmem:v10+s17+$0x0], $0xffff  }
0x2df: {  	s28 =	simm.s32 $0x130;
	v16 =	vadd.s32 s11, v7;
	v11 =	vld.idx.msk [tilespmem:v11+s17+$0x0], $0xffff  }
0x2e0: {  	v17 =	vadd.s32 s28, v6;
	v12 =	vld.idx.msk [tilespmem:v12+s17+$0x0], $0xffff  }
0x2e1: {  	s29 =	simm.s32 $0x140;
	v18 =	vadd.s32 s28, v7;
	v13 =	vld.idx.msk [tilespmem:v13+s17+$0x0], $0xffff  }
0x2e2: {  	v19 =	vadd.s32 s29, v6;
	v14 =	vld.idx.msk [tilespmem:v14+s17+$0x0], $0xffff  }
0x2e3: {  	s30 =	simm.s32 $0x150;
	v20 =	vadd.s32 s29, v7;
	v15 =	vld.idx.msk [tilespmem:v15+s17+$0x0], $0xffff  }
0x2e4: {  	v21 =	vadd.s32 s30, v6;
	v16 =	vld.idx.msk [tilespmem:v16+s17+$0x0], $0xffff  }
0x2e5: {  	s31 =	simm.s32 $0x1F0;
	v22 =	vadd.s32 s30, v7;
	s10 =	simm.s32 $0x1E0;
	v17 =	vld.idx.msk [tilespmem:v17+s17+$0x0], $0xffff  }
0x2e6: {  	v24 =	vadd.s32 s31, v6;
	s28 =	simm.s32 $0x180;
	v25 =	vadd.s32 s10, v6;
	v18 =	vld.idx.msk [tilespmem:v18+s17+$0x0], $0xffff  }
0x2e7: {  	v28 =	vadd.s32 s28, v6;
	v19 =	vld.idx.msk [tilespmem:v19+s17+$0x0], $0xffff;
	v26 =	vmul.f32 v8, v5;
	v9 =	vmul.f32 v9, v5  }
0x2e8: {  	v30 =	vadd.s32 s28, v7;
	v20 =	vld.idx.msk [tilespmem:v20+s17+$0x0], $0xffff;
	v10 =	vmul.f32 v10, v4;
	v8 =	vmul.f32 v11, v5  }
0x2e9: {  	s11 =	simm.s32 $0x190;
	v21 =	vld.idx.msk [tilespmem:v21+s17+$0x0], $0xffff;
	v11 =	vadd.s32 s10, v7;
	v12 =	vmul.f32 v12, v5;
	v13 =	vmul.f32 v13, v4  }
0x2ea: {  	s29 =	simm.s32 $0x1A0;
	v22 =	vld.idx.msk [tilespmem:v22+s17+$0x0], $0xffff;
	v14 =	vmul.f32 v14, v4;
	v9 =	vadd.f32 v10, v9;
	v10 =	vadd.s32 s11, v6  }
0x2eb: {  	v31 =	vadd.s32 s29, v7;
	v24 =	vld.idx.msk [tilespmem:v24+s17+$0x0], $0xffff;
	v15 =	vmul.f32 v15, v5;
	v16 =	vmul.f32 v16, v4  }
0x2ec: {  	s30 =	simm.s32 $0x1B0;
	v25 =	vld.idx.msk [tilespmem:v25+s17+$0x0], $0xffff;
	v12 =	vadd.f32 v13, v12;
	v13 =	vmul.f32 v17, v5;
	v17 =	vmul.f32 v18, v4  }
0x2ed: {  	v18 =	vadd.s32 s30, v6;
	v16 =	vadd.f32 v16, v15;
	v15 =	vmul.f32 v20, v4;
	v20 =	vld.idx.msk [tilespmem:v30+s17+$0x0], $0xffff  }
0x2ee: {  	v27 =	vadd.s32 s11, v7;
	v29 =	vadd.s32 s29, v6;
	v8 =	vadd.f32 v14, v8;
	v11 =	vld.idx.msk [tilespmem:v11+s17+$0x0], $0xffff  }
0x2ef: {  	v61 =	vadd.s32 s30, v7;
	[tilespmem:s9+$0xFFFFFFF0] =	vst v9;
	v17 =	vadd.f32 v17, v13;
	v13 =	vmul.f32 v21, v5;
	v14 =	vld.idx.msk [tilespmem:v10+s17+$0x0], $0xffff  }
0x2f0: {  	v21 =	vmul.f32 v22, v4;
	[tilespmem:s9+$0xFFFFFF90] =	vst v12;
	v9 =	vadd.s32 s31, v7;
	s31 =	simm.s32 $0x1C0;
	v10 =	vmul.f32 v19, v5;
	v19 =	vld.idx.msk [tilespmem:v28+s17+$0x0], $0xffff  }
0x2f1: {  	v23 =	vmul.f32 v23, v4;
	v25 =	vmul.f32 v25, v5;
	[tilespmem:s9+$0xFFFFFFB0] =	vst v16;
	v16 =	vld.idx.msk [tilespmem:v31+s17+$0x0], $0xffff;
	v12 =	vadd.s32 s31, v6  }
0x2f2: {  	s10 =	simm.s32 $0x1D0;
	[tilespmem:s9+$0xFFFFFFA0] =	vst v8;
	v8 =	vmul.f32 v24, v5;
	v62 =	vadd.f32 v21, v13;
	v13 =	vadd.s32 s31, v7;
	v18 =	vld.idx.msk [tilespmem:v18+s17+$0x0], $0xffff  }
0x2f3: {  	[tilespmem:s9+$0xFFFFFFC0] =	vst v17;
	v22 =	vadd.f32 v15, v10;
	v10 =	vld.idx.msk [tilespmem:v27+s17+$0x0], $0xffff;
	v63 =	vmul.f32 v11, v4;
	v11 =	vadd.s32 s10, v6  }
0x2f4: {  	v21 =	vadd.f32 v23, v26;
	[tilespmem:s9+$0xFFFFFFE0] =	vst v62;
	v15 =	vld.idx.msk [tilespmem:v29+s17+$0x0], $0xffff;
	v17 =	vmul.f32 v14, v5;
	v14 =	vadd.s32 s10, v7  }
0x2f5: {  	s8 =	simm.s32 $0x100F0;
	s7 =	simm.s32 $0x18;
	[tilespmem:s9+$0xFFFFFFD0] =	vst v22;
	v22 =	vmul.f32 v19, v5;
	v19 =	vld.idx.msk [tilespmem:v61+s17+$0x0], $0xffff;
	v23 =	vadd.f32 v63, v25;
	s10 =	simm.s32 $0x270  }
.LBB2_23:
0x2f6: {  	s0 =	sadd.s32 $0xFFFFFFA0, s10;
	s11 =	sadd.s32 $0xFFFFFFF0, s10;
	v24 =	vadd.s32 s10, v6;
	v25 =	vadd.s32 s10, v7;
	v20 =	vmul.f32 v20, v4;
	v26 =	vld.idx.msk [tilespmem:v12+s17+$0x0], $0xffff;
	[tilespmem:s9+$0x0] =	vst v21;
	s9 =	sadd.s32 $0x80, s9  }
0x2f7: {  	s28 =	sadd.s32 $0xFFFFFFC0, s10;
	s7 =	sadd.s32 $0x8, s7;
	v21 =	vadd.s32 s0, v6;
	v27 =	vadd.s32 s0, v7;
	s0 =	sadd.s32 $0xFFFFFFB0, s10;
	v28 =	vadd.s32 s11, v6;
	v29 =	vld.idx.msk [tilespmem:v13+s17+$0x0], $0xffff;
	[tilespmem:s9+$0xFFFFFFF0] =	vst v23  }
0x2f8: {  	s29 =	sadd.s32 $0xFFFFFFE0, s10;
	v31 =	vadd.s32 s11, v7;
	p0 =	slt.u32 s7, $0x1E8;
	v23 =	vadd.s32 s0, v6;
	v30 =	vadd.s32 s0, v7;
	s0 =	sadd.s32 $0xFFFFFFD0, s10;
	v32 =	vld.idx.msk [tilespmem:v11+s17+$0x0], $0xffff  }
0x2f9: {  	s11 =	sadd.s32 $0xFFFFFF90, s10;
	v33 =	vadd.s32 s28, v6;
	v34 =	vadd.s32 s28, v7;
	v12 =	vadd.s32 s0, v6;
	v35 =	vld.idx.msk [tilespmem:v14+s17+$0x0], $0xffff  }
0x2fa: {  	v36 =	vadd.s32 s11, v6;
	v37 =	vadd.s32 s11, v7;
	v13 =	vadd.s32 s0, v7;
	v38 =	vld.idx.msk [tilespmem:v9+s17+$0x0], $0xffff;
	v9 =	vmovc v25  }
0x2fb: {  	v10 =	vmul.f32 v10, v4;
	v11 =	vadd.s32 s29, v6;
	v14 =	vadd.s32 s29, v7;
	v24 =	vld.idx.msk [tilespmem:v24+s17+$0x0], $0xffff  }
0x2fc: {  	v15 =	vmul.f32 v15, v5;
	v22 =	vadd.f32 v20, v22;
	v16 =	vmul.f32 v16, v4;
	v25 =	vld.idx.msk [tilespmem:v28+s17+$0x0], $0xffff  }
0x2fd: {  	v17 =	vadd.f32 v10, v17;
	v10 =	vmul.f32 v18, v5;
	v18 =	vmul.f32 v19, v4;
	v28 =	vld.idx.msk [tilespmem:v31+s17+$0x0], $0xffff  }
0x2fe: {  	v16 =	vadd.f32 v16, v15;
	v15 =	vmul.f32 v26, v5;
	v19 =	vld.idx.msk [tilespmem:v21+s17+$0x0], $0xffff;
	v21 =	vmul.f32 v29, v4  }
0x2ff: {  	v18 =	vadd.f32 v18, v10;
	v29 =	vmul.f32 v32, v5;
	v31 =	vmul.f32 v35, v4;
	v26 =	vld.idx.msk [tilespmem:v36+s17+$0x0], $0xffff  }
0x300: {  	v20 =	vld.idx.msk [tilespmem:v37+s17+$0x0], $0xffff;
	[tilespmem:s9+$0xFFFFFF90] =	vst v22;
	v22 =	vadd.f32 v21, v15;
	v21 =	vmul.f32 v38, v4  }
.Ltmp10:
0x301: {  	v24 =	vmul.f32 v24, v5;
	v10 =	vld.idx.msk [tilespmem:v27+s17+$0x0], $0xffff;
	[tilespmem:s9+$0xFFFFFFA0] =	vst v17;
	v27 =	vadd.f32 v31, v29;
	(pc) =	sbr.rel @p0 .LBB2_23-.Ltmp10, $4  }
0x302: {  	v15 =	vld.idx.msk [tilespmem:v23+s17+$0x0], $0xffff;
	[tilespmem:s9+$0xFFFFFFB0] =	vst v16;
	v21 =	vadd.f32 v21, v8  }
0x303: {  	v23 =	vmul.f32 v25, v5;
	v25 =	vmul.f32 v28, v4;
	v8 =	vmov v24;
	v16 =	vld.idx.msk [tilespmem:v30+s17+$0x0], $0xffff;
	[tilespmem:s9+$0xFFFFFFC0] =	vst v18  }
0x304: {  	v17 =	vmul.f32 v19, v5;
	v18 =	vld.idx.msk [tilespmem:v33+s17+$0x0], $0xffff;
	[tilespmem:s9+$0xFFFFFFD0] =	vst v22  }
0x305: {  	s10 =	sadd.s32 $0x80, s10;
	s11 =	simm.s32 $0x1F70;
	v22 =	vmul.f32 v26, v5;
	v23 =	vadd.f32 v25, v23;
	v19 =	vld.idx.msk [tilespmem:v34+s17+$0x0], $0xffff;
	[tilespmem:s9+$0xFFFFFFE0] =	vst v27  }
0x306: {  	_ =	sdelay $0x3  }
0x307: {  	v12 =	vld.idx.msk [tilespmem:v12+s17+$0x0], $0xffff  }
0x308: {  	v13 =	vld.idx.msk [tilespmem:v13+s17+$0x0], $0xffff;
	v20 =	vmul.f32 v20, v4;
	s10 =	simm.s32 $0x1F30  }
0x309: {  	v11 =	vld.idx.msk [tilespmem:v11+s17+$0x0], $0xffff;
	v10 =	vmul.f32 v10, v4;
	[tilespmem:s9+$0x0] =	vst v21;
	s30 =	sadd.s32 $0x80, s9;
	s31 =	simm.s32 $0x1F50;
	v15 =	vmul.f32 v15, v5;
	v21 =	vadd.s32 s10, v7  }
0x30a: {  	v14 =	vld.idx.msk [tilespmem:v14+s17+$0x0], $0xffff;
	s7 =	simm.s32 $0x1F10;
	s28 =	simm.s32 $0x1F60;
	[tilespmem:s30+$0xFFFFFFF0] =	vst v23;
	v23 =	vadd.s32 s31, v6;
	v16 =	vmul.f32 v16, v4;
	v20 =	vadd.f32 v20, v22  }
0x30b: {  	v9 =	vld.idx.msk [tilespmem:v9+s17+$0x0], $0xffff;
	v10 =	vadd.f32 v10, v17;
	v17 =	vadd.s32 s7, v7;
	v22 =	vadd.s32 s28, v6  }
0x30c: {  	vm1 =	vgt.s32 v21, $0x0;
	vm2 =	vgt.s32 v23, $0x0;
	v18 =	vmul.f32 v18, v5  }
0x30d: {  	s29 =	simm.s32 $0x1F40;
	vm15 =	vgt.s32 v22, $0x0;
	v19 =	vmul.f32 v19, v4;
	v15 =	vadd.f32 v16, v15;
	[tilespmem:s30+$0xFFFFFF90] =	vst v20  }
0x30e: {  	v20 =	vadd.s32 s29, v7;
	[tilespmem:s30+$0xFFFFFFA0] =	vst v10;
	v10 =	vadd.s32 s28, v7;
	v12 =	vmul.f32 v12, v5  }
0x30f: {  	v22 =	vnsel vm15, $0x0, v22;
	v13 =	vmul.f32 v13, v4;
	v11 =	vmul.f32 v11, v5  }
0x310: {  	vm15 =	vgt.s32 v17, $0x0;
	v14 =	vmul.f32 v14, v4;
	v9 =	vmul.f32 v9, v4  }
0x311: {  	vm5 =	vgt.s32 v10, $0x0;
	vm8 =	vgt.s32 v20, $0x0;
	v17 =	vnsel vm15, $0x0, v17  }
0x312: {  	v16 =	vadd.f32 v19, v18;
	[tilespmem:s30+$0xFFFFFFB0] =	vst v15;
	v15 =	vnsel vm1, $0x0, v21;
	v21 =	vmin.u32 v22, $0x1FFF  }
0x313: {  	v10 =	vnsel vm5, $0x0, v10;
	v20 =	vnsel vm8, $0x0, v20;
	v12 =	vadd.f32 v13, v12  }
0x314: {  	s0 =	simm.s32 $0x1F00;
	v11 =	vadd.f32 v14, v11;
	v8 =	vadd.f32 v9, v8;
	v9 =	vadd.s32 s11, v6  }
0x315: {  	v13 =	vadd.s32 s0, v6;
	v14 =	vadd.s32 s0, v7;
	v10 =	vmin.u32 v10, $0x1FFF  }
0x316: {  	v20 =	vmin.u32 v20, $0x1FFF;
	v22 =	vmin.u32 v15, $0x1FFF;
	[tilespmem:s30+$0xFFFFFFC0] =	vst v16;
	v16 =	vadd.s32 s29, v6  }
0x317: {  	vm0 =	vgt.s32 v9, $0x0;
	vm4 =	vgt.s32 v13, $0x0;
	vm7 =	vgt.s32 v16, $0x0  }
0x318: {  	v19 =	vnsel vm0, $0x0, v9;
	v9 =	vadd.s32 s10, v6;
	[tilespmem:s30+$0xFFFFFFE0] =	vst v11;
	v11 =	vnsel vm7, $0x0, v16  }
0x319: {  	s0 =	simm.s32 $0x1F20;
	v13 =	vnsel vm4, $0x0, v13;
	[tilespmem:s30+$0x0] =	vst v8;
	vm6 =	vgt.s32 v9, $0x0;
	v8 =	vmin.u32 v11, $0x1FFF  }
0x31a: {  	v18 =	vadd.s32 s0, v6;
	[tilespmem:s30+$0xFFFFFFD0] =	vst v12;
	v11 =	vmin.u32 v13, $0x1FFF;
	v9 =	vnsel vm6, $0x0, v9  }
0x31b: {  	vm12 =	vgt.s32 v14, $0x0;
	vm10 =	vgt.s32 v18, $0x0;
	v16 =	vld.idx.msk [tilespmem:v21+s17+$0x0], $0xffff;
	v21 =	vmin.u32 v9, $0x1FFF  }
0x31c: {  	v12 =	vnsel vm2, $0x0, v23;
	v14 =	vnsel vm12, $0x0, v14;
	v15 =	vnsel vm10, $0x0, v18  }
0x31d: {  	v26 =	vmin.u32 v19, $0x1FFF;
	v18 =	vadd.s32 s7, v6;
	v13 =	vadd.s32 s31, v7;
	v24 =	vld.idx.msk [tilespmem:v10+s17+$0x0], $0xffff  }
0x31e: {  	v23 =	vmin.u32 v15, $0x1FFF;
	v15 =	vmin.u32 v14, $0x1FFF;
	vm14 =	vgt.s32 v18, $0x0;
	v8 =	vld.idx.msk [tilespmem:v8+s17+$0x0], $0xffff  }
0x31f: {  	vm9 =	vgt.s32 v13, $0x0;
	v9 =	vadd.s32 s0, v7;
	v10 =	vadd.s32 s11, v7;
	v11 =	vld.idx.msk [tilespmem:v11+s17+$0x0], $0xffff  }
0x320: {  	v18 =	vnsel vm14, $0x0, v18;
	vm11 =	vgt.s32 v9, $0x0;
	vm13 =	vgt.s32 v10, $0x0;
	v21 =	vld.idx.msk [tilespmem:v21+s17+$0x0], $0xffff  }
0x321: {  	v14 =	vld.idx.msk [tilespmem:v22+s17+$0x0], $0xffff;
	v19 =	vnsel vm9, $0x0, v13;
	v18 =	vmin.u32 v18, $0x1FFF;
	v9 =	vnsel vm11, $0x0, v9  }
0x322: {  	v10 =	vnsel vm13, $0x0, v10;
	v25 =	vmul.f32 v16, v5;
	v16 =	vmin.u32 v12, $0x1FFF  }
0x323: {  	v19 =	vmin.u32 v19, $0x1FFF;
	v12 =	vmin.u32 v10, $0x1FFF;
	v10 =	vld.idx.msk [tilespmem:v20+s17+$0x0], $0xffff;
	v22 =	vmul.f32 v24, v4  }
0x324: {  	v9 =	vmin.u32 v9, $0x1FFF;
	v13 =	vld.idx.msk [tilespmem:v23+s17+$0x0], $0xffff;
	v20 =	vmin.u32 v17, $0x1FFF;
	v11 =	vmul.f32 v11, v5  }
0x325: {  	s9 =	simm.s32 $0x1FF0;
	s10 =	simm.s32 $0x10170;
	s7 =	simm.s32 $0x1F0;
	v17 =	vld.idx.msk [tilespmem:v26+s17+$0x0], $0xffff;
	v22 =	vadd.f32 v22, v25;
	v8 =	vmul.f32 v8, v5;
	v21 =	vmul.f32 v21, v5  }
.LBB2_25:
0x326: {  	s0 =	sadd.s32 $0xFFFFFF90, s9;
	s11 =	sadd.s32 $0xFFFFFFA0, s9;
	v23 =	vadd.s32 s9, v6;
	s7 =	sadd.s32 $0x8, s7;
	v15 =	vld.idx.msk [tilespmem:v15+s17+$0x0], $0xffff;
	v14 =	vmul.f32 v14, v4  }
0x327: {  	s28 =	sadd.s32 $0xFFFFFFB0, s9;
	v24 =	vadd.s32 s0, v6;
	v25 =	vadd.s32 s0, v7;
	vm0 =	vgt.s32 v23, $0x0;
	p0 =	slt.u32 s7, $0x1F8;
	v16 =	vld.idx.msk [tilespmem:v16+s17+$0x0], $0xffff;
	[tilespmem:s8+$0xFFFFFFF0] =	vst v22  }
0x328: {  	s29 =	sadd.s32 $0xFFFFFFD0, s9;
	v22 =	vadd.s32 s11, v7;
	v26 =	vadd.s32 s28, v6;
	s0 =	sadd.s32 $0xFFFFFFC0, s9;
	v23 =	vnsel vm0, $0x0, v23;
	v18 =	vld.idx.msk [tilespmem:v18+s17+$0x0], $0xffff  }
0x329: {  	v27 =	vadd.s32 s0, v6;
	v28 =	vadd.s32 s0, v7;
	s0 =	sadd.s32 $0xFFFFFFE0, s9;
	v14 =	vadd.f32 v14, v21;
	v19 =	vld.idx.msk [tilespmem:v19+s17+$0x0], $0xffff  }
0x32a: {  	s30 =	sadd.s32 $0xFFFFFFF0, s9;
	v13 =	vmul.f32 v13, v5;
	v21 =	vadd.s32 s29, v7;
	v29 =	vadd.s32 s0, v6;
	v20 =	vld.idx.msk [tilespmem:v20+s17+$0x0], $0xffff  }
0x32b: {  	v30 =	vadd.s32 s30, v6;
	v31 =	vadd.s32 s30, v7;
	v9 =	vld.idx.msk [tilespmem:v9+s17+$0x0], $0xffff;
	[tilespmem:s8+$0xFFFFFFC0] =	vst v14;
	v14 =	vmul.f32 v17, v5  }
0x32c: {  	vm0 =	vgt.s32 v24, $0x0;
	vm1 =	vgt.s32 v28, $0x0;
	v15 =	vmul.f32 v15, v4;
	v12 =	vld.idx.msk [tilespmem:v12+s17+$0x0], $0xffff  }
0x32d: {  	v17 =	vnsel vm1, $0x0, v28;
	vm1 =	vgt.s32 v31, $0x0;
	v16 =	vmul.f32 v16, v5  }
0x32e: {  	v24 =	vnsel vm0, $0x0, v24;
	vm0 =	vgt.s32 v27, $0x0  }
0x32f: {  	v10 =	vmul.f32 v10, v4;
	vm2 =	vgt.s32 v30, $0x0;
	v28 =	vnsel vm1, $0x0, v31  }
0x330: {  	v30 =	vnsel vm2, $0x0, v30;
	v31 =	vadd.s32 s29, v6;
	v20 =	vmul.f32 v20, v4  }
0x331: {  	v30 =	vmin.u32 v30, $0x1FFF;
	vm1 =	vgt.s32 v31, $0x0;
	v28 =	vmin.u32 v28, $0x1FFF  }
0x332: {  	v31 =	vnsel vm1, $0x0, v31;
	vm1 =	vgt.s32 v21, $0x0;
	v12 =	vmul.f32 v12, v4  }
0x333: {  	vm2 =	vgt.s32 v29, $0x0;
	v11 =	vadd.f32 v15, v11;
	v31 =	vmin.u32 v31, $0x1FFF  }
0x334: {  	v15 =	vmin.u32 v24, $0x1FFF;
	v24 =	vadd.s32 s0, v7;
	v9 =	vmul.f32 v9, v4  }
0x335: {  	v27 =	vnsel vm0, $0x0, v27;
	v29 =	vnsel vm2, $0x0, v29;
	[tilespmem:s8+$0xFFFFFF90] =	vst v11;
	v11 =	vmul.f32 v18, v5  }
0x336: {  	vm0 =	vgt.s32 v24, $0x0;
	v12 =	vadd.f32 v12, v14;
	v18 =	vnsel vm1, $0x0, v21;
	v21 =	vld.idx.msk [tilespmem:v30+s17+$0x0], $0xffff  }
0x337: {  	v19 =	vmul.f32 v19, v4;
	v14 =	vmin.u32 v27, $0x1FFF;
	v18 =	vmin.u32 v18, $0x1FFF  }
0x338: {  	v17 =	vmin.u32 v17, $0x1FFF;
	vm1 =	vgt.s32 v26, $0x0;
	v11 =	vadd.f32 v20, v11;
	v27 =	vld.idx.msk [tilespmem:v31+s17+$0x0], $0xffff;
	[tilespmem:s8+$0x0] =	vst v12  }
0x339: {  	v8 =	vadd.f32 v10, v8;
	v20 =	vadd.s32 s28, v7;
	v12 =	vnsel vm1, $0x0, v26  }
0x33a: {  	vm1 =	vgt.s32 v25, $0x0;
	vm2 =	vgt.s32 v20, $0x0;
	v30 =	vmin.u32 v12, $0x1FFF;
	v26 =	vld.idx.msk [tilespmem:v15+s17+$0x0], $0xffff;
	[tilespmem:s8+$0xFFFFFFA0] =	vst v11  }
0x33b: {  	v13 =	vadd.f32 v9, v13;
	v10 =	vnsel vm2, $0x0, v20;
	v12 =	vadd.s32 s9, v7;
	v11 =	vld.idx.msk [tilespmem:v28+s17+$0x0], $0xffff;
	[tilespmem:s8+$0xFFFFFFD0] =	vst v8  }
0x33c: {  	v9 =	vmin.u32 v10, $0x1FFF;
	v31 =	vmul.f32 v21, v5;
	v8 =	vadd.f32 v19, v16;
	v28 =	vld.idx.msk [tilespmem:v14+s17+$0x0], $0xffff  }
0x33d: {  	v10 =	vnsel vm1, $0x0, v25;
	vm1 =	vgt.s32 v12, $0x0;
	v14 =	vld.idx.msk [tilespmem:v17+s17+$0x0], $0xffff;
	v17 =	vmin.u32 v23, $0x1FFF;
	[tilespmem:s8+$0xFFFFFFB0] =	vst v13  }
0x33e: {  	v15 =	vmin.u32 v10, $0x1FFF;
	v12 =	vnsel vm1, $0x0, v12;
	v13 =	vadd.s32 s11, v6;
	[tilespmem:s8+$0xFFFFFFE0] =	vst v8;
	s8 =	smov.u32 s10  }
.Ltmp11:
0x33f: {  	v16 =	vmin.u32 v29, $0x1FFF;
	v12 =	vmin.u32 v12, $0x1FFF;
	vm1 =	vgt.s32 v13, $0x0;
	v10 =	vld.idx.msk [tilespmem:v18+s17+$0x0], $0xffff;
	(pc) =	sbr.rel @p0 .LBB2_25-.Ltmp11, $4  }
0x340: {  	v19 =	vnsel vm0, $0x0, v24;
	v8 =	vnsel vm1, $0x0, v13;
	vm1 =	vgt.s32 v22, $0x0;
	v13 =	vld.idx.msk [tilespmem:v30+s17+$0x0], $0xffff  }
0x341: {  	v18 =	vmin.u32 v8, $0x1FFF;
	v20 =	vnsel vm1, $0x0, v22;
	v22 =	vmul.f32 v11, v4  }
0x342: {  	v19 =	vmin.u32 v19, $0x1FFF;
	v11 =	vmul.f32 v26, v5;
	v8 =	vmul.f32 v27, v5  }
0x343: {  	s9 =	sadd.s32 $0x80, s9;
	s10 =	sadd.s32 $0x80, s10;
	v20 =	vmin.u32 v20, $0x1FFF;
	v21 =	vmul.f32 v28, v5;
	v22 =	vadd.f32 v22, v31;
	v17 =	vld.idx.msk [tilespmem:v17+s17+$0x0], $0xffff  }
0x344: {  	_ =	sdelay $0x3  }
0x345: {  	v6 =	vld.idx.msk [tilespmem:v15+s17+$0x0], $0xffff  }
0x346: {  	v7 =	vld.idx.msk [tilespmem:v18+s17+$0x0], $0xffff  }
0x347: {  	v12 =	vld.idx.msk [tilespmem:v12+s17+$0x0], $0xffff  }
0x348: {  	v57 =	vld.idx.msk [tilespmem:v20+s17+$0x0], $0xffff  }
0x349: {  	v16 =	vld.idx.msk [tilespmem:v16+s17+$0x0], $0xffff  }
0x34a: {  	v14 =	vmul.f32 v14, v4;
	v9 =	vld.idx.msk [tilespmem:v9+s17+$0x0], $0xffff  }
0x34b: {  	v58 =	vld.idx.msk [tilespmem:v19+s17+$0x0], $0xffff;
	v10 =	vmul.f32 v10, v4  }
0x34c: {  	v14 =	vadd.f32 v14, v21;
	v6 =	vmul.f32 v6, v4  }
0x34d: {  	[tilespmem:s8+$0xFFFFFFF0] =	vst v22;
	v62 =	vadd.f32 v10, v8;
	v17 =	vmul.f32 v17, v5;
	v12 =	vmul.f32 v12, v4  }
0x34e: {  	[tilespmem:s8+$0xFFFFFFC0] =	vst v14;
	v15 =	vmul.f32 v57, v4;
	v7 =	vmul.f32 v7, v5;
	v6 =	vadd.f32 v6, v11  }
0x34f: {  	s1 =	sadd.s32 $0x1, s1;
	v60 =	vmul.f32 v13, v5;
	[tilespmem:s8+$0xFFFFFFD0] =	vst v62;
	v9 =	vmul.f32 v9, v4;
	v59 =	vadd.f32 v12, v17  }
0x350: {  	p0 =	sne.s32 s1, $0x20;
	v5 =	vmul.f32 v16, v5;
	v4 =	vmul.f32 v58, v4;
	v61 =	vadd.f32 v15, v7;
	[tilespmem:s8+$0xFFFFFF90] =	vst v6  }
.Ltmp12:
0x351: {  	v63 =	vadd.f32 v9, v60;
	[tilespmem:s8+$0x0] =	vst v59;
	(pc) =	sbr.rel @p0 .LBB2_2-.Ltmp12, $4  }
0x352: {  	v4 =	vadd.f32 v4, v5;
	[tilespmem:s8+$0xFFFFFFA0] =	vst v61  }
0x353: {  	[tilespmem:s8+$0xFFFFFFB0] =	vst v63  }
0x354: {  	s0 =	sadd.s32 s3, s5;
	[tilespmem:s8+$0xFFFFFFE0] =	vst v4  }
0x355: {  	[hbm4b:s0+s12] =	stream.strided.scatter [tilespmem:s26], [sflag:$0x8], $0x2000, s13, s12, $0x38;
	[tilespmem:$0x10180] =	vst v63  }
0x356: {  	s0 =	simm.s32 $0x5  }
0x357: {  	_ =	swait.ge [sflag:s0], $0x2000  }
0x358: {  	[sflag:s0] =	ssyncset.done $0x0  }
0x359: {  	s29 =	simm.s32 $0x6;
	[sflag:s0] =	ssyncadd.s32 $0xFFFFE000  }
0x35a: {  	_ =	swait.ge [sflag:s29], $0x2000  }
0x35b: {  	[sflag:s29] =	ssyncset.done $0x0  }
0x35c: {  	s30 =	simm.s32 $0x7;
	[sflag:s29] =	ssyncadd.s32 $0xFFFFE000  }
0x35d: {  	_ =	swait.ge [sflag:s30], $0x2000  }
0x35e: {  	[sflag:s30] =	ssyncset.done $0x0  }
0x35f: {  	s1 =	simm.s32 $0x8;
	[sflag:s30] =	ssyncadd.s32 $0xFFFFE000  }
0x360: {  	_ =	swait.ge [sflag:s1], $0x2000  }
0x361: {  	s3 =	rddreg [dreg:$0x8]  }
0x362: {  	s31 =	rddreg [dreg:$0x7];
	s3 =	sadd.s32 $0x1, s3  }
0x363: {  	p0 =	sne.s32 s3, s31  }
.Ltmp13:
0x364: {  	_ = 	snop;
	(pc) =	sbr.rel @p0 .LBB2_1-.Ltmp13, $3  }
0x365: {  	_ =	sdelay $0x1  }
0x366: {  	[sflag:s1] =	ssyncset.done $0x0  }
0x367: {  	[sflag:s1] =	ssyncadd.s32 $0xFFFFE000  }
0x368: {  	_ =	sfence.sel $0x180000  }
0x369: {  	[bflag:$0x0] =	sbarrier.arrive $0xFFFF  }
0x36a: {  	_ =	strace $0x90000047  }
0x36b: {  	s0 =	stileid.u32;
	[bflag:$0x2] =	sbarrier.arrive $0xFFFF  }
0x36c: {  	p0 =	sne.s32 s0, $0x0;
	s0 =	rddreg [dreg:$0x3]  }
0x36d: {  	s0 =	sadd.s32 @!p0 $0x100000, s0  }
0x36e: {  	[sflag:s0] =	ssyncadd.tile.s32 @!p0 $0x1;
	_ =	shalt  }
.Lfunc_end2:
_tile_overlayer_lowered:
.L_overlay_start_2:
0x36f: {  	(tag) =	ssettag $0x2  }
0x370: {  	s0 =	rddreg [dreg:$0x0];
	s2 =	stileid.u32  }
0x371: {  	s1 =	rddreg [dreg:$0x1];
	p0 =	sne.s32 s2, $0x0  }
0x372: {  	s3 =	rddreg [dreg:$0x2];
	[bflag:$0x3] =	sbarrier.arrive $0xFFFF;
	s2 =	simm.s32 @!p0 $0x1C09  }
0x373: {  	[timem:s3], [sflag:s2] =	dma.local @!p0 [hbm:s0], s1  }
0x374: {  	s0 =	simm.s32 @!p0 $0x9  }
0x375: {  	_ =	swait.ge @!p0 [sflag:s0], s1  }
0x376: {  	s1 =	ssub.s32 @!p0 $0x0, s1;
	[sflag:s0] =	ssyncset.done @!p0 $0x0  }
0x377: {  	[sflag:s0] =	ssyncadd.s32 @!p0 s1  }
0x378: {  	[bflag:$0x3] =	sbarrier.arrive $0xFFFF  }
0x379: {  	_ =	shalt  }

</sc_bundles>
